<compile_context>
chip_gen: v7x
topology: tpu7x:2x2x1
jax: 0.10.2.dev20260603
libtpu: 0.0.44.dev20260713+nightly
codegen_flags: <defaults>
</compile_context>

<pallas_src>
import functools
import math

import jax
import jax.numpy as jnp
from jax import lax
from jax.experimental import pallas as pl
from jax.experimental.pallas import tpu as pltpu
from jax.experimental.pallas import tpu_sc as plsc

EMB = 128
SCALE = math.sqrt(EMB)

_info = plsc.get_sparse_core_info()
_NC, _NS = _info.num_cores, _info.num_subcores
_NW = _NC * _NS

CHUNK = 128


@functools.lru_cache(maxsize=None)
def _make_gather(n_chunk_rows):
    rows_per_w = n_chunk_rows // _NW
    mesh = plsc.VectorSubcoreMesh(core_axis_name="c", subcore_axis_name="s")

    nbuf = 6
    d = nbuf // 2
    n = rows_per_w
    ngroup = n // nbuf
    main = ngroup * nbuf

    @functools.partial(
        pl.kernel,
        out_type=jax.ShapeDtypeStruct((n_chunk_rows * CHUNK, EMB), jnp.float32),
        mesh=mesh,
        scratch_types=[
            pltpu.VMEM((rows_per_w, CHUNK), jnp.int32),
            [pltpu.VMEM((CHUNK, EMB), jnp.float32) for _ in range(nbuf)],
            [pltpu.SemaphoreType.DMA for _ in range(nbuf)],
            [pltpu.SemaphoreType.DMA for _ in range(nbuf)],
        ],
    )
    def k(table_hbm, tok_hbm, out_hbm, idx_v, bufs, gsems, osems):
        wid = lax.axis_index("s") * _NC + lax.axis_index("c")
        base = wid * rows_per_w
        pltpu.sync_copy(tok_hbm.at[pl.ds(base, rows_per_w)], idx_v)

        def gather(j, b):
            return pltpu.make_async_copy(
                table_hbm.at[idx_v.at[j]], bufs[b], gsems[b])

        def outcp(j, b):
            return pltpu.make_async_copy(
                bufs[b], out_hbm.at[pl.ds((base + j) * CHUNK, CHUNK)], osems[b])

        def scale_buf(b):
            @plsc.parallel_loop(0, CHUNK, 1, unroll=4)
            def _(r):
                for c in range(EMB // 16):
                    sl = (r, pl.ds(c * 16, 16))
                    bufs[b][sl] = bufs[b][sl] * SCALE

        for j in range(d):
            gather(j, j % nbuf).start()

        def body(g, carry):
            for b in range(nbuf):
                j = g * nbuf + b
                gather(j, b).wait()
                bw = (b - d) % nbuf
                if b >= d:
                    outcp(j - d, bw).wait()
                else:
                    @pl.when(g > 0)
                    def _():
                        outcp(j - d, bw).wait()
                bg = (b + d) % nbuf
                if (ngroup - 1) * nbuf + b + d <= n - 1:
                    gather(j + d, bg).start()
                else:
                    @pl.when(j + d < n)
                    def _():
                        gather(j + d, bg).start()
                scale_buf(b)
                outcp(j, b).start()
            return carry

        lax.fori_loop(0, ngroup, body, 0)

        for j in range(main, n):
            b = j % nbuf
            gather(j, b).wait()
            outcp(j - d, (j - d) % nbuf).wait()
            scale_buf(b)
            outcp(j, b).start()
        for j in range(n - d, n):
            outcp(j, j % nbuf).wait()

    return k


def kernel(tokens, table):
    b, t = tokens.shape
    flat = b * t
    assert flat % (_NW * CHUNK) == 0
    tok2d = tokens.astype(jnp.int32).reshape(flat // CHUNK, CHUNK)
    out = _make_gather(flat // CHUNK)(table, tok2d)
    return out.reshape(b, t, EMB)

# --- scband reference (transcript-rebuilt; emitter-appended) ---
"""Pipeline reference for scband-token-embedding-51230369906702 (READ-ONLY COPY).

The authoritative reference and input builder live on the scoring server;
editing this copy changes nothing except your own understanding.
"""

import jax, jax.numpy as jnp
import numpy as np
import math

VOCAB = 100000
EMB = 128

def setup_inputs(seed: int = 0) -> dict:
    key = jax.random.key(seed)
    k1, k2 = jax.random.split(key)
    tokens = jax.random.randint(k1, (4096, 200), 0, VOCAB, dtype=jnp.int64 if jax.config.read('jax_enable_x64') else jnp.int32)
    table = jax.random.normal(k2, (VOCAB, EMB), dtype=jnp.float32) * 0.02
    return {"tokens": tokens, "table": table}

def reference(tokens, table):
    # TokenEmbedding.forward: embedding(tokens) * sqrt(emb_size)
    emb = jnp.take(table, tokens, axis=0)
    return emb * math.sqrt(EMB)

if __name__ == "__main__":
    import jax
    _d = setup_inputs()
    print(jax.jit(kernel)(*tuple(_d.values())))

</pallas_src>

<mosaic_0001>
#map = affine_map<(d0, d1) -> (0, 0)>
module attributes {stable_mosaic.version = 14 : i64} {
  func.func @k(%arg0: i32, %arg1: i32, %arg2: memref<100000x128xf32, #tpu.memory_space<hbm>>, %arg3: memref<6400x128xi32, #tpu.memory_space<hbm>>, %arg4: memref<819200x128xf32, #tpu.memory_space<hbm>>, %arg5: memref<200x128xi32, #tpu.memory_space<vmem>>, %arg6: memref<128x128xf32, #tpu.memory_space<vmem>>, %arg7: memref<128x128xf32, #tpu.memory_space<vmem>>, %arg8: memref<128x128xf32, #tpu.memory_space<vmem>>, %arg9: memref<128x128xf32, #tpu.memory_space<vmem>>, %arg10: memref<128x128xf32, #tpu.memory_space<vmem>>, %arg11: memref<128x128xf32, #tpu.memory_space<vmem>>, %arg12: memref<!tpu.dma_semaphore, #tpu.memory_space<semaphore_mem>>, %arg13: memref<!tpu.dma_semaphore, #tpu.memory_space<semaphore_mem>>, %arg14: memref<!tpu.dma_semaphore, #tpu.memory_space<semaphore_mem>>, %arg15: memref<!tpu.dma_semaphore, #tpu.memory_space<semaphore_mem>>, %arg16: memref<!tpu.dma_semaphore, #tpu.memory_space<semaphore_mem>>, %arg17: memref<!tpu.dma_semaphore, #tpu.memory_space<semaphore_mem>>, %arg18: memref<!tpu.dma_semaphore, #tpu.memory_space<semaphore_mem>>, %arg19: memref<!tpu.dma_semaphore, #tpu.memory_space<semaphore_mem>>, %arg20: memref<!tpu.dma_semaphore, #tpu.memory_space<semaphore_mem>>, %arg21: memref<!tpu.dma_semaphore, #tpu.memory_space<semaphore_mem>>, %arg22: memref<!tpu.dma_semaphore, #tpu.memory_space<semaphore_mem>>, %arg23: memref<!tpu.dma_semaphore, #tpu.memory_space<semaphore_mem>>) attributes {dimension_semantics = [#tpu.dimension_semantics<core_parallel>, #tpu.dimension_semantics<subcore_parallel>], iteration_bounds = array<i64: 2, 16>, scalar_prefetch = 0 : i64, scratch_operands = 19 : i64, tpu.core_type = #tpu.core_type<sc_vector_subcore>, window_params = [{transform_indices = #map}, {transform_indices = #map}, {transform_indices = #map}]} {
    %mul3A = arith.constant 2 : i32
    %mul3A_0 = arith.muli %arg1, %mul3A : i32
    %add3A = arith.addi %mul3A_0, %arg0 : i32
    %mul3A_1 = arith.constant 200 : i32
    %mul3A_2 = arith.muli %add3A, %mul3A_1 : i32
    "tpu.region"() ({
      %run_scoped3A = tpu.sem_alloc : memref<!tpu.dma_semaphore, #tpu.memory_space<semaphore_mem>>
      %dma_start3A_102 = arith.constant 0 : i32
      %dma_start3A_103 = tpu.memref_slice %arg3[%mul3A_2, %dma_start3A_102] : memref<6400x128xi32, #tpu.memory_space<hbm>> -> memref<200x128xi32, #tpu.memory_space<hbm>>
      %dma_start3A_104 = arith.constant 0 : i32
      %dma_start3A_105 = tpu.memref_slice %arg3[%mul3A_2, %dma_start3A_104] : memref<6400x128xi32, #tpu.memory_space<hbm>> -> memref<200x128xi32, #tpu.memory_space<hbm>>
      tpu.enqueue_dma source(%dma_start3A_105 : memref<200x128xi32, #tpu.memory_space<hbm>>) target(%arg5 : memref<200x128xi32, #tpu.memory_space<vmem>>) target_semaphore(%run_scoped3A : memref<!tpu.dma_semaphore, #tpu.memory_space<semaphore_mem>>)
      %dma_wait3A_106 = arith.constant 0 : i32
      %dma_wait3A_107 = tpu.memref_slice %arg3[%mul3A_2, %dma_wait3A_106] : memref<6400x128xi32, #tpu.memory_space<hbm>> -> memref<200x128xi32, #tpu.memory_space<hbm>>
      %dma_wait3A_108 = arith.constant 0 : i32
      %dma_wait3A_109 = tpu.memref_slice %arg3[%mul3A_2, %dma_wait3A_108] : memref<6400x128xi32, #tpu.memory_space<hbm>> -> memref<200x128xi32, #tpu.memory_space<hbm>>
      tpu.wait_dma2 semaphore(%run_scoped3A : memref<!tpu.dma_semaphore, #tpu.memory_space<semaphore_mem>>) src(%dma_wait3A_109 : memref<200x128xi32, #tpu.memory_space<hbm>>) dst(%arg5 : memref<200x128xi32, #tpu.memory_space<vmem>>)
      tpu.yield
    }) : () -> ()
    %dma_start3A = arith.constant 0 : i32
    %dma_start3A_3 = arith.constant 0 : i32
    %dma_start3A_4 = tpu.memref_slice %arg5[%dma_start3A, %dma_start3A_3] : memref<200x128xi32, #tpu.memory_space<vmem>> -> memref<1x128xi32, #tpu.memory_space<vmem>>
    %dma_start3A_5 = tpu.memref_squeeze %dma_start3A_4 : memref<1x128xi32, #tpu.memory_space<vmem>> -> memref<128xi32, #tpu.memory_space<vmem>>
    %dma_start3A_6 = arith.constant 0 : i32
    %dma_start3A_7 = arith.constant 0 : i32
    %dma_start3A_8 = tpu.memref_slice %arg2[%dma_start3A_6, %dma_start3A_7] : memref<100000x128xf32, #tpu.memory_space<hbm>> -> memref<100000x128xf32, #tpu.memory_space<hbm>>
    tpu.enqueue_indirect_dma source(%dma_start3A_8 : memref<100000x128xf32, #tpu.memory_space<hbm>>) target(%arg6 : memref<128x128xf32, #tpu.memory_space<vmem>>) offsets(%dma_start3A_5 : memref<128xi32, #tpu.memory_space<vmem>>) semaphore(%arg12 : memref<!tpu.dma_semaphore, #tpu.memory_space<semaphore_mem>>)
    %dma_start3A_9 = arith.constant 1 : i32
    %dma_start3A_10 = arith.constant 0 : i32
    %dma_start3A_11 = tpu.memref_slice %arg5[%dma_start3A_9, %dma_start3A_10] : memref<200x128xi32, #tpu.memory_space<vmem>> -> memref<1x128xi32, #tpu.memory_space<vmem>>
    %dma_start3A_12 = tpu.memref_squeeze %dma_start3A_11 : memref<1x128xi32, #tpu.memory_space<vmem>> -> memref<128xi32, #tpu.memory_space<vmem>>
    %dma_start3A_13 = arith.constant 0 : i32
    %dma_start3A_14 = arith.constant 0 : i32
    %dma_start3A_15 = tpu.memref_slice %arg2[%dma_start3A_13, %dma_start3A_14] : memref<100000x128xf32, #tpu.memory_space<hbm>> -> memref<100000x128xf32, #tpu.memory_space<hbm>>
    tpu.enqueue_indirect_dma source(%dma_start3A_15 : memref<100000x128xf32, #tpu.memory_space<hbm>>) target(%arg7 : memref<128x128xf32, #tpu.memory_space<vmem>>) offsets(%dma_start3A_12 : memref<128xi32, #tpu.memory_space<vmem>>) semaphore(%arg13 : memref<!tpu.dma_semaphore, #tpu.memory_space<semaphore_mem>>)
    %dma_start3A_16 = arith.constant 2 : i32
    %dma_start3A_17 = arith.constant 0 : i32
    %dma_start3A_18 = tpu.memref_slice %arg5[%dma_start3A_16, %dma_start3A_17] : memref<200x128xi32, #tpu.memory_space<vmem>> -> memref<1x128xi32, #tpu.memory_space<vmem>>
    %dma_start3A_19 = tpu.memref_squeeze %dma_start3A_18 : memref<1x128xi32, #tpu.memory_space<vmem>> -> memref<128xi32, #tpu.memory_space<vmem>>
    %dma_start3A_20 = arith.constant 0 : i32
    %dma_start3A_21 = arith.constant 0 : i32
    %dma_start3A_22 = tpu.memref_slice %arg2[%dma_start3A_20, %dma_start3A_21] : memref<100000x128xf32, #tpu.memory_space<hbm>> -> memref<100000x128xf32, #tpu.memory_space<hbm>>
    tpu.enqueue_indirect_dma source(%dma_start3A_22 : memref<100000x128xf32, #tpu.memory_space<hbm>>) target(%arg8 : memref<128x128xf32, #tpu.memory_space<vmem>>) offsets(%dma_start3A_19 : memref<128xi32, #tpu.memory_space<vmem>>) semaphore(%arg14 : memref<!tpu.dma_semaphore, #tpu.memory_space<semaphore_mem>>)
    %scan3A = arith.constant 0 : i32
    %scan3A_23 = arith.constant 0 : i32
    %scan3A_24 = arith.constant 33 : i32
    %scan3A_25 = arith.addi %scan3A_23, %scan3A_24 : i32
    %scan3A_26 = arith.constant 1 : i32
    scf.for %scan3A_102 = %scan3A_23 to %scan3A_25 step %scan3A_26  : i32 {
      %mul3A_103 = arith.constant 6 : i32
      %mul3A_104 = arith.muli %scan3A_102, %mul3A_103 : i32
      %add3A_105 = arith.constant 0 : i32
      %add3A_106 = arith.addi %mul3A_104, %add3A_105 : i32
      %dma_wait3A_107 = arith.constant 0 : i32
      %dma_wait3A_108 = tpu.memref_slice %arg5[%add3A_106, %dma_wait3A_107] : memref<200x128xi32, #tpu.memory_space<vmem>> -> memref<1x128xi32, #tpu.memory_space<vmem>>
      %dma_wait3A_109 = tpu.memref_squeeze %dma_wait3A_108 : memref<1x128xi32, #tpu.memory_space<vmem>> -> memref<128xi32, #tpu.memory_space<vmem>>
      %dma_wait3A_110 = arith.constant 0 : i32
      %dma_wait3A_111 = arith.constant 0 : i32
      %dma_wait3A_112 = tpu.memref_slice %arg2[%dma_wait3A_110, %dma_wait3A_111] : memref<100000x128xf32, #tpu.memory_space<hbm>> -> memref<100000x128xf32, #tpu.memory_space<hbm>>
      tpu.wait_indirect_dma semaphore(%arg12 : memref<!tpu.dma_semaphore, #tpu.memory_space<semaphore_mem>>) src(%dma_wait3A_112 : memref<100000x128xf32, #tpu.memory_space<hbm>>) dst(%arg6 : memref<128x128xf32, #tpu.memory_space<vmem>>)
      %gt3A = arith.constant 0 : i32
      %gt3A_113 = arith.cmpi sgt, %scan3A_102, %gt3A : i32
      %convert_element_type3A = arith.extui %gt3A_113 : i1 to i32
      %cond3A = arith.constant 0 : i32
      %cond3A_114 = arith.cmpi ne, %convert_element_type3A, %cond3A : i32
      scf.if %cond3A_114 {
        %sub3A_307 = arith.constant 3 : i32
        %sub3A_308 = arith.subi %add3A_106, %sub3A_307 : i32
        %add3A_309 = arith.addi %mul3A_2, %sub3A_308 : i32
        %mul3A_310 = arith.constant 128 : i32
        %mul3A_311 = arith.muli %add3A_309, %mul3A_310 : i32
        %dma_wait3A_312 = arith.constant 0 : i32
        %dma_wait3A_313 = tpu.memref_slice %arg4[%mul3A_311, %dma_wait3A_312] : memref<819200x128xf32, #tpu.memory_space<hbm>> -> memref<128x128xf32, #tpu.memory_space<hbm>>
        %dma_wait3A_314 = arith.constant 0 : i32
        %dma_wait3A_315 = tpu.memref_slice %arg4[%mul3A_311, %dma_wait3A_314] : memref<819200x128xf32, #tpu.memory_space<hbm>> -> memref<128x128xf32, #tpu.memory_space<hbm>>
        tpu.wait_dma2 semaphore(%arg21 : memref<!tpu.dma_semaphore, #tpu.memory_space<semaphore_mem>>) src(%arg9 : memref<128x128xf32, #tpu.memory_space<vmem>>) dst(%dma_wait3A_315 : memref<128x128xf32, #tpu.memory_space<hbm>>)
      } else {
      }
      %add3A_115 = arith.constant 3 : i32
      %add3A_116 = arith.addi %add3A_106, %add3A_115 : i32
      %dma_start3A_117 = arith.constant 0 : i32
      %dma_start3A_118 = tpu.memref_slice %arg5[%add3A_116, %dma_start3A_117] : memref<200x128xi32, #tpu.memory_space<vmem>> -> memref<1x128xi32, #tpu.memory_space<vmem>>
      %dma_start3A_119 = tpu.memref_squeeze %dma_start3A_118 : memref<1x128xi32, #tpu.memory_space<vmem>> -> memref<128xi32, #tpu.memory_space<vmem>>
      %dma_start3A_120 = arith.constant 0 : i32
      %dma_start3A_121 = arith.constant 0 : i32
      %dma_start3A_122 = tpu.memref_slice %arg2[%dma_start3A_120, %dma_start3A_121] : memref<100000x128xf32, #tpu.memory_space<hbm>> -> memref<100000x128xf32, #tpu.memory_space<hbm>>
      tpu.enqueue_indirect_dma source(%dma_start3A_122 : memref<100000x128xf32, #tpu.memory_space<hbm>>) target(%arg9 : memref<128x128xf32, #tpu.memory_space<vmem>>) offsets(%dma_start3A_119 : memref<128xi32, #tpu.memory_space<vmem>>) semaphore(%arg15 : memref<!tpu.dma_semaphore, #tpu.memory_space<semaphore_mem>>)
      %parallel_loop3A_123 = arith.constant 0 : i32
      %parallel_loop3A_124 = arith.constant 128 : i32
      %parallel_loop3A_125 = arith.constant 1 : i32
      scf.for %parallel_loop3A_307 = %parallel_loop3A_123 to %parallel_loop3A_124 step %parallel_loop3A_125  : i32 {
        %parallel_loop3A_308 = arith.index_cast %parallel_loop3A_307 : i32 to index
        %parallel_loop3A_309 = arith.constant 0 : index
        %parallel_loop3A_310 = tpu.vector_load %arg6[%parallel_loop3A_308, %parallel_loop3A_309] {strides = array<i32>} : memref<128x128xf32, #tpu.memory_space<vmem>>, vector<1x16xf32>,
        %parallel_loop3A_311 = vector.shape_cast %parallel_loop3A_310 : vector<1x16xf32> to vector<16xf32>
        %parallel_loop3A_312 = arith.constant 11.3137083 : f32
        %parallel_loop3A_313 = vector.broadcast %parallel_loop3A_312 : f32 to vector<16xf32>
        %parallel_loop3A_314 = arith.mulf %parallel_loop3A_311, %parallel_loop3A_313 : vector<16xf32>
        %parallel_loop3A_315 = arith.index_cast %parallel_loop3A_307 : i32 to index
        %parallel_loop3A_316 = arith.constant 0 : index
        %parallel_loop3A_317 = tpu.vector_load %arg6[%parallel_loop3A_315, %parallel_loop3A_316] {strides = array<i32>} : memref<128x128xf32, #tpu.memory_space<vmem>>, vector<1x16xf32>,
        %parallel_loop3A_318 = vector.shape_cast %parallel_loop3A_317 : vector<1x16xf32> to vector<16xf32>
        %parallel_loop3A_319 = vector.shape_cast %parallel_loop3A_314 : vector<16xf32> to vector<1x16xf32>
        tpu.vector_store %arg6[%parallel_loop3A_315, %parallel_loop3A_316], %parallel_loop3A_319 {strides = array<i32>} : memref<128x128xf32, #tpu.memory_space<vmem>>, vector<1x16xf32>,
        %parallel_loop3A_320 = arith.index_cast %parallel_loop3A_307 : i32 to index
        %parallel_loop3A_321 = arith.constant 16 : index
        %parallel_loop3A_322 = tpu.vector_load %arg6[%parallel_loop3A_320, %parallel_loop3A_321] {strides = array<i32>} : memref<128x128xf32, #tpu.memory_space<vmem>>, vector<1x16xf32>,
        %parallel_loop3A_323 = vector.shape_cast %parallel_loop3A_322 : vector<1x16xf32> to vector<16xf32>
        %parallel_loop3A_324 = arith.constant 11.3137083 : f32
        %parallel_loop3A_325 = vector.broadcast %parallel_loop3A_324 : f32 to vector<16xf32>
        %parallel_loop3A_326 = arith.mulf %parallel_loop3A_323, %parallel_loop3A_325 : vector<16xf32>
        %parallel_loop3A_327 = arith.index_cast %parallel_loop3A_307 : i32 to index
        %parallel_loop3A_328 = arith.constant 16 : index
        %parallel_loop3A_329 = tpu.vector_load %arg6[%parallel_loop3A_327, %parallel_loop3A_328] {strides = array<i32>} : memref<128x128xf32, #tpu.memory_space<vmem>>, vector<1x16xf32>,
        %parallel_loop3A_330 = vector.shape_cast %parallel_loop3A_329 : vector<1x16xf32> to vector<16xf32>
        %parallel_loop3A_331 = vector.shape_cast %parallel_loop3A_326 : vector<16xf32> to vector<1x16xf32>
        tpu.vector_store %arg6[%parallel_loop3A_327, %parallel_loop3A_328], %parallel_loop3A_331 {strides = array<i32>} : memref<128x128xf32, #tpu.memory_space<vmem>>, vector<1x16xf32>,
        %parallel_loop3A_332 = arith.index_cast %parallel_loop3A_307 : i32 to index
        %parallel_loop3A_333 = arith.constant 32 : index
        %parallel_loop3A_334 = tpu.vector_load %arg6[%parallel_loop3A_332, %parallel_loop3A_333] {strides = array<i32>} : memref<128x128xf32, #tpu.memory_space<vmem>>, vector<1x16xf32>,
        %parallel_loop3A_335 = vector.shape_cast %parallel_loop3A_334 : vector<1x16xf32> to vector<16xf32>
        %parallel_loop3A_336 = arith.constant 11.3137083 : f32
        %parallel_loop3A_337 = vector.broadcast %parallel_loop3A_336 : f32 to vector<16xf32>
        %parallel_loop3A_338 = arith.mulf %parallel_loop3A_335, %parallel_loop3A_337 : vector<16xf32>
        %parallel_loop3A_339 = arith.index_cast %parallel_loop3A_307 : i32 to index
        %parallel_loop3A_340 = arith.constant 32 : index
        %parallel_loop3A_341 = tpu.vector_load %arg6[%parallel_loop3A_339, %parallel_loop3A_340] {strides = array<i32>} : memref<128x128xf32, #tpu.memory_space<vmem>>, vector<1x16xf32>,
        %parallel_loop3A_342 = vector.shape_cast %parallel_loop3A_341 : vector<1x16xf32> to vector<16xf32>
        %parallel_loop3A_343 = vector.shape_cast %parallel_loop3A_338 : vector<16xf32> to vector<1x16xf32>
        tpu.vector_store %arg6[%parallel_loop3A_339, %parallel_loop3A_340], %parallel_loop3A_343 {strides = array<i32>} : memref<128x128xf32, #tpu.memory_space<vmem>>, vector<1x16xf32>,
        %parallel_loop3A_344 = arith.index_cast %parallel_loop3A_307 : i32 to index
        %parallel_loop3A_345 = arith.constant 48 : index
        %parallel_loop3A_346 = tpu.vector_load %arg6[%parallel_loop3A_344, %parallel_loop3A_345] {strides = array<i32>} : memref<128x128xf32, #tpu.memory_space<vmem>>, vector<1x16xf32>,
        %parallel_loop3A_347 = vector.shape_cast %parallel_loop3A_346 : vector<1x16xf32> to vector<16xf32>
        %parallel_loop3A_348 = arith.constant 11.3137083 : f32
        %parallel_loop3A_349 = vector.broadcast %parallel_loop3A_348 : f32 to vector<16xf32>
        %parallel_loop3A_350 = arith.mulf %parallel_loop3A_347, %parallel_loop3A_349 : vector<16xf32>
        %parallel_loop3A_351 = arith.index_cast %parallel_loop3A_307 : i32 to index
        %parallel_loop3A_352 = arith.constant 48 : index
        %parallel_loop3A_353 = tpu.vector_load %arg6[%parallel_loop3A_351, %parallel_loop3A_352] {strides = array<i32>} : memref<128x128xf32, #tpu.memory_space<vmem>>, vector<1x16xf32>,
        %parallel_loop3A_354 = vector.shape_cast %parallel_loop3A_353 : vector<1x16xf32> to vector<16xf32>
        %parallel_loop3A_355 = vector.shape_cast %parallel_loop3A_350 : vector<16xf32> to vector<1x16xf32>
        tpu.vector_store %arg6[%parallel_loop3A_351, %parallel_loop3A_352], %parallel_loop3A_355 {strides = array<i32>} : memref<128x128xf32, #tpu.memory_space<vmem>>, vector<1x16xf32>,
        %parallel_loop3A_356 = arith.index_cast %parallel_loop3A_307 : i32 to index
        %parallel_loop3A_357 = arith.constant 64 : index
        %parallel_loop3A_358 = tpu.vector_load %arg6[%parallel_loop3A_356, %parallel_loop3A_357] {strides = array<i32>} : memref<128x128xf32, #tpu.memory_space<vmem>>, vector<1x16xf32>,
        %parallel_loop3A_359 = vector.shape_cast %parallel_loop3A_358 : vector<1x16xf32> to vector<16xf32>
        %parallel_loop3A_360 = arith.constant 11.3137083 : f32
        %parallel_loop3A_361 = vector.broadcast %parallel_loop3A_360 : f32 to vector<16xf32>
        %parallel_loop3A_362 = arith.mulf %parallel_loop3A_359, %parallel_loop3A_361 : vector<16xf32>
        %parallel_loop3A_363 = arith.index_cast %parallel_loop3A_307 : i32 to index
        %parallel_loop3A_364 = arith.constant 64 : index
        %parallel_loop3A_365 = tpu.vector_load %arg6[%parallel_loop3A_363, %parallel_loop3A_364] {strides = array<i32>} : memref<128x128xf32, #tpu.memory_space<vmem>>, vector<1x16xf32>,
        %parallel_loop3A_366 = vector.shape_cast %parallel_loop3A_365 : vector<1x16xf32> to vector<16xf32>
        %parallel_loop3A_367 = vector.shape_cast %parallel_loop3A_362 : vector<16xf32> to vector<1x16xf32>
        tpu.vector_store %arg6[%parallel_loop3A_363, %parallel_loop3A_364], %parallel_loop3A_367 {strides = array<i32>} : memref<128x128xf32, #tpu.memory_space<vmem>>, vector<1x16xf32>,
        %parallel_loop3A_368 = arith.index_cast %parallel_loop3A_307 : i32 to index
        %parallel_loop3A_369 = arith.constant 80 : index
        %parallel_loop3A_370 = tpu.vector_load %arg6[%parallel_loop3A_368, %parallel_loop3A_369] {strides = array<i32>} : memref<128x128xf32, #tpu.memory_space<vmem>>, vector<1x16xf32>,
        %parallel_loop3A_371 = vector.shape_cast %parallel_loop3A_370 : vector<1x16xf32> to vector<16xf32>
        %parallel_loop3A_372 = arith.constant 11.3137083 : f32
        %parallel_loop3A_373 = vector.broadcast %parallel_loop3A_372 : f32 to vector<16xf32>
        %parallel_loop3A_374 = arith.mulf %parallel_loop3A_371, %parallel_loop3A_373 : vector<16xf32>
        %parallel_loop3A_375 = arith.index_cast %parallel_loop3A_307 : i32 to index
        %parallel_loop3A_376 = arith.constant 80 : index
        %parallel_loop3A_377 = tpu.vector_load %arg6[%parallel_loop3A_375, %parallel_loop3A_376] {strides = array<i32>} : memref<128x128xf32, #tpu.memory_space<vmem>>, vector<1x16xf32>,
        %parallel_loop3A_378 = vector.shape_cast %parallel_loop3A_377 : vector<1x16xf32> to vector<16xf32>
        %parallel_loop3A_379 = vector.shape_cast %parallel_loop3A_374 : vector<16xf32> to vector<1x16xf32>
        tpu.vector_store %arg6[%parallel_loop3A_375, %parallel_loop3A_376], %parallel_loop3A_379 {strides = array<i32>} : memref<128x128xf32, #tpu.memory_space<vmem>>, vector<1x16xf32>,
        %parallel_loop3A_380 = arith.index_cast %parallel_loop3A_307 : i32 to index
        %parallel_loop3A_381 = arith.constant 96 : index
        %parallel_loop3A_382 = tpu.vector_load %arg6[%parallel_loop3A_380, %parallel_loop3A_381] {strides = array<i32>} : memref<128x128xf32, #tpu.memory_space<vmem>>, vector<1x16xf32>,
        %parallel_loop3A_383 = vector.shape_cast %parallel_loop3A_382 : vector<1x16xf32> to vector<16xf32>
        %parallel_loop3A_384 = arith.constant 11.3137083 : f32
        %parallel_loop3A_385 = vector.broadcast %parallel_loop3A_384 : f32 to vector<16xf32>
        %parallel_loop3A_386 = arith.mulf %parallel_loop3A_383, %parallel_loop3A_385 : vector<16xf32>
        %parallel_loop3A_387 = arith.index_cast %parallel_loop3A_307 : i32 to index
        %parallel_loop3A_388 = arith.constant 96 : index
        %parallel_loop3A_389 = tpu.vector_load %arg6[%parallel_loop3A_387, %parallel_loop3A_388] {strides = array<i32>} : memref<128x128xf32, #tpu.memory_space<vmem>>, vector<1x16xf32>,
        %parallel_loop3A_390 = vector.shape_cast %parallel_loop3A_389 : vector<1x16xf32> to vector<16xf32>
        %parallel_loop3A_391 = vector.shape_cast %parallel_loop3A_386 : vector<16xf32> to vector<1x16xf32>
        tpu.vector_store %arg6[%parallel_loop3A_387, %parallel_loop3A_388], %parallel_loop3A_391 {strides = array<i32>} : memref<128x128xf32, #tpu.memory_space<vmem>>, vector<1x16xf32>,
        %parallel_loop3A_392 = arith.index_cast %parallel_loop3A_307 : i32 to index
        %parallel_loop3A_393 = arith.constant 112 : index
        %parallel_loop3A_394 = tpu.vector_load %arg6[%parallel_loop3A_392, %parallel_loop3A_393] {strides = array<i32>} : memref<128x128xf32, #tpu.memory_space<vmem>>, vector<1x16xf32>,
        %parallel_loop3A_395 = vector.shape_cast %parallel_loop3A_394 : vector<1x16xf32> to vector<16xf32>
        %parallel_loop3A_396 = arith.constant 11.3137083 : f32
        %parallel_loop3A_397 = vector.broadcast %parallel_loop3A_396 : f32 to vector<16xf32>
        %parallel_loop3A_398 = arith.mulf %parallel_loop3A_395, %parallel_loop3A_397 : vector<16xf32>
        %parallel_loop3A_399 = arith.index_cast %parallel_loop3A_307 : i32 to index
        %parallel_loop3A_400 = arith.constant 112 : index
        %parallel_loop3A_401 = tpu.vector_load %arg6[%parallel_loop3A_399, %parallel_loop3A_400] {strides = array<i32>} : memref<128x128xf32, #tpu.memory_space<vmem>>, vector<1x16xf32>,
        %parallel_loop3A_402 = vector.shape_cast %parallel_loop3A_401 : vector<1x16xf32> to vector<16xf32>
        %parallel_loop3A_403 = vector.shape_cast %parallel_loop3A_398 : vector<16xf32> to vector<1x16xf32>
        tpu.vector_store %arg6[%parallel_loop3A_399, %parallel_loop3A_400], %parallel_loop3A_403 {strides = array<i32>} : memref<128x128xf32, #tpu.memory_space<vmem>>, vector<1x16xf32>,
      } {sc.loop_unroll_factor = 4 : i64, sc.parallel_access}
      %add3A_126 = arith.addi %mul3A_2, %add3A_106 : i32
      %mul3A_127 = arith.constant 128 : i32
      %mul3A_128 = arith.muli %add3A_126, %mul3A_127 : i32
      %dma_start3A_129 = arith.constant 0 : i32
      %dma_start3A_130 = tpu.memref_slice %arg4[%mul3A_128, %dma_start3A_129] : memref<819200x128xf32, #tpu.memory_space<hbm>> -> memref<128x128xf32, #tpu.memory_space<hbm>>
      %dma_start3A_131 = arith.constant 0 : i32
      %dma_start3A_132 = tpu.memref_slice %arg4[%mul3A_128, %dma_start3A_131] : memref<819200x128xf32, #tpu.memory_space<hbm>> -> memref<128x128xf32, #tpu.memory_space<hbm>>
      tpu.enqueue_dma source(%arg6 : memref<128x128xf32, #tpu.memory_space<vmem>>) target(%dma_start3A_132 : memref<128x128xf32, #tpu.memory_space<hbm>>) target_semaphore(%arg18 : memref<!tpu.dma_semaphore, #tpu.memory_space<semaphore_mem>>)
      %mul3A_133 = arith.constant 6 : i32
      %mul3A_134 = arith.muli %scan3A_102, %mul3A_133 : i32
      %add3A_135 = arith.constant 1 : i32
      %add3A_136 = arith.addi %mul3A_134, %add3A_135 : i32
      %dma_wait3A_137 = arith.constant 0 : i32
      %dma_wait3A_138 = tpu.memref_slice %arg5[%add3A_136, %dma_wait3A_137] : memref<200x128xi32, #tpu.memory_space<vmem>> -> memref<1x128xi32, #tpu.memory_space<vmem>>
      %dma_wait3A_139 = tpu.memref_squeeze %dma_wait3A_138 : memref<1x128xi32, #tpu.memory_space<vmem>> -> memref<128xi32, #tpu.memory_space<vmem>>
      %dma_wait3A_140 = arith.constant 0 : i32
      %dma_wait3A_141 = arith.constant 0 : i32
      %dma_wait3A_142 = tpu.memref_slice %arg2[%dma_wait3A_140, %dma_wait3A_141] : memref<100000x128xf32, #tpu.memory_space<hbm>> -> memref<100000x128xf32, #tpu.memory_space<hbm>>
      tpu.wait_indirect_dma semaphore(%arg13 : memref<!tpu.dma_semaphore, #tpu.memory_space<semaphore_mem>>) src(%dma_wait3A_142 : memref<100000x128xf32, #tpu.memory_space<hbm>>) dst(%arg7 : memref<128x128xf32, #tpu.memory_space<vmem>>)
      %gt3A_143 = arith.constant 0 : i32
      %gt3A_144 = arith.cmpi sgt, %scan3A_102, %gt3A_143 : i32
      %convert_element_type3A_145 = arith.extui %gt3A_144 : i1 to i32
      %cond3A_146 = arith.constant 0 : i32
      %cond3A_147 = arith.cmpi ne, %convert_element_type3A_145, %cond3A_146 : i32
      scf.if %cond3A_147 {
        %sub3A_307 = arith.constant 3 : i32
        %sub3A_308 = arith.subi %add3A_136, %sub3A_307 : i32
        %add3A_309 = arith.addi %mul3A_2, %sub3A_308 : i32
        %mul3A_310 = arith.constant 128 : i32
        %mul3A_311 = arith.muli %add3A_309, %mul3A_310 : i32
        %dma_wait3A_312 = arith.constant 0 : i32
        %dma_wait3A_313 = tpu.memref_slice %arg4[%mul3A_311, %dma_wait3A_312] : memref<819200x128xf32, #tpu.memory_space<hbm>> -> memref<128x128xf32, #tpu.memory_space<hbm>>
        %dma_wait3A_314 = arith.constant 0 : i32
        %dma_wait3A_315 = tpu.memref_slice %arg4[%mul3A_311, %dma_wait3A_314] : memref<819200x128xf32, #tpu.memory_space<hbm>> -> memref<128x128xf32, #tpu.memory_space<hbm>>
        tpu.wait_dma2 semaphore(%arg22 : memref<!tpu.dma_semaphore, #tpu.memory_space<semaphore_mem>>) src(%arg10 : memref<128x128xf32, #tpu.memory_space<vmem>>) dst(%dma_wait3A_315 : memref<128x128xf32, #tpu.memory_space<hbm>>)
      } else {
      }
      %add3A_148 = arith.constant 3 : i32
      %add3A_149 = arith.addi %add3A_136, %add3A_148 : i32
      %dma_start3A_150 = arith.constant 0 : i32
      %dma_start3A_151 = tpu.memref_slice %arg5[%add3A_149, %dma_start3A_150] : memref<200x128xi32, #tpu.memory_space<vmem>> -> memref<1x128xi32, #tpu.memory_space<vmem>>
      %dma_start3A_152 = tpu.memref_squeeze %dma_start3A_151 : memref<1x128xi32, #tpu.memory_space<vmem>> -> memref<128xi32, #tpu.memory_space<vmem>>
      %dma_start3A_153 = arith.constant 0 : i32
      %dma_start3A_154 = arith.constant 0 : i32
      %dma_start3A_155 = tpu.memref_slice %arg2[%dma_start3A_153, %dma_start3A_154] : memref<100000x128xf32, #tpu.memory_space<hbm>> -> memref<100000x128xf32, #tpu.memory_space<hbm>>
      tpu.enqueue_indirect_dma source(%dma_start3A_155 : memref<100000x128xf32, #tpu.memory_space<hbm>>) target(%arg10 : memref<128x128xf32, #tpu.memory_space<vmem>>) offsets(%dma_start3A_152 : memref<128xi32, #tpu.memory_space<vmem>>) semaphore(%arg16 : memref<!tpu.dma_semaphore, #tpu.memory_space<semaphore_mem>>)
      %parallel_loop3A_156 = arith.constant 0 : i32
      %parallel_loop3A_157 = arith.constant 128 : i32
      %parallel_loop3A_158 = arith.constant 1 : i32
      scf.for %parallel_loop3A_307 = %parallel_loop3A_156 to %parallel_loop3A_157 step %parallel_loop3A_158  : i32 {
        %parallel_loop3A_308 = arith.index_cast %parallel_loop3A_307 : i32 to index
        %parallel_loop3A_309 = arith.constant 0 : index
        %parallel_loop3A_310 = tpu.vector_load %arg7[%parallel_loop3A_308, %parallel_loop3A_309] {strides = array<i32>} : memref<128x128xf32, #tpu.memory_space<vmem>>, vector<1x16xf32>,
        %parallel_loop3A_311 = vector.shape_cast %parallel_loop3A_310 : vector<1x16xf32> to vector<16xf32>
        %parallel_loop3A_312 = arith.constant 11.3137083 : f32
        %parallel_loop3A_313 = vector.broadcast %parallel_loop3A_312 : f32 to vector<16xf32>
        %parallel_loop3A_314 = arith.mulf %parallel_loop3A_311, %parallel_loop3A_313 : vector<16xf32>
        %parallel_loop3A_315 = arith.index_cast %parallel_loop3A_307 : i32 to index
        %parallel_loop3A_316 = arith.constant 0 : index
        %parallel_loop3A_317 = tpu.vector_load %arg7[%parallel_loop3A_315, %parallel_loop3A_316] {strides = array<i32>} : memref<128x128xf32, #tpu.memory_space<vmem>>, vector<1x16xf32>,
        %parallel_loop3A_318 = vector.shape_cast %parallel_loop3A_317 : vector<1x16xf32> to vector<16xf32>
        %parallel_loop3A_319 = vector.shape_cast %parallel_loop3A_314 : vector<16xf32> to vector<1x16xf32>
        tpu.vector_store %arg7[%parallel_loop3A_315, %parallel_loop3A_316], %parallel_loop3A_319 {strides = array<i32>} : memref<128x128xf32, #tpu.memory_space<vmem>>, vector<1x16xf32>,
        %parallel_loop3A_320 = arith.index_cast %parallel_loop3A_307 : i32 to index
        %parallel_loop3A_321 = arith.constant 16 : index
        %parallel_loop3A_322 = tpu.vector_load %arg7[%parallel_loop3A_320, %parallel_loop3A_321] {strides = array<i32>} : memref<128x128xf32, #tpu.memory_space<vmem>>, vector<1x16xf32>,
        %parallel_loop3A_323 = vector.shape_cast %parallel_loop3A_322 : vector<1x16xf32> to vector<16xf32>
        %parallel_loop3A_324 = arith.constant 11.3137083 : f32
        %parallel_loop3A_325 = vector.broadcast %parallel_loop3A_324 : f32 to vector<16xf32>
        %parallel_loop3A_326 = arith.mulf %parallel_loop3A_323, %parallel_loop3A_325 : vector<16xf32>
        %parallel_loop3A_327 = arith.index_cast %parallel_loop3A_307 : i32 to index
        %parallel_loop3A_328 = arith.constant 16 : index
        %parallel_loop3A_329 = tpu.vector_load %arg7[%parallel_loop3A_327, %parallel_loop3A_328] {strides = array<i32>} : memref<128x128xf32, #tpu.memory_space<vmem>>, vector<1x16xf32>,
        %parallel_loop3A_330 = vector.shape_cast %parallel_loop3A_329 : vector<1x16xf32> to vector<16xf32>
        %parallel_loop3A_331 = vector.shape_cast %parallel_loop3A_326 : vector<16xf32> to vector<1x16xf32>
        tpu.vector_store %arg7[%parallel_loop3A_327, %parallel_loop3A_328], %parallel_loop3A_331 {strides = array<i32>} : memref<128x128xf32, #tpu.memory_space<vmem>>, vector<1x16xf32>,
        %parallel_loop3A_332 = arith.index_cast %parallel_loop3A_307 : i32 to index
        %parallel_loop3A_333 = arith.constant 32 : index
        %parallel_loop3A_334 = tpu.vector_load %arg7[%parallel_loop3A_332, %parallel_loop3A_333] {strides = array<i32>} : memref<128x128xf32, #tpu.memory_space<vmem>>, vector<1x16xf32>,
        %parallel_loop3A_335 = vector.shape_cast %parallel_loop3A_334 : vector<1x16xf32> to vector<16xf32>
        %parallel_loop3A_336 = arith.constant 11.3137083 : f32
        %parallel_loop3A_337 = vector.broadcast %parallel_loop3A_336 : f32 to vector<16xf32>
        %parallel_loop3A_338 = arith.mulf %parallel_loop3A_335, %parallel_loop3A_337 : vector<16xf32>
        %parallel_loop3A_339 = arith.index_cast %parallel_loop3A_307 : i32 to index
        %parallel_loop3A_340 = arith.constant 32 : index
        %parallel_loop3A_341 = tpu.vector_load %arg7[%parallel_loop3A_339, %parallel_loop3A_340] {strides = array<i32>} : memref<128x128xf32, #tpu.memory_space<vmem>>, vector<1x16xf32>,
        %parallel_loop3A_342 = vector.shape_cast %parallel_loop3A_341 : vector<1x16xf32> to vector<16xf32>
        %parallel_loop3A_343 = vector.shape_cast %parallel_loop3A_338 : vector<16xf32> to vector<1x16xf32>
        tpu.vector_store %arg7[%parallel_loop3A_339, %parallel_loop3A_340], %parallel_loop3A_343 {strides = array<i32>} : memref<128x128xf32, #tpu.memory_space<vmem>>, vector<1x16xf32>,
        %parallel_loop3A_344 = arith.index_cast %parallel_loop3A_307 : i32 to index
        %parallel_loop3A_345 = arith.constant 48 : index
        %parallel_loop3A_346 = tpu.vector_load %arg7[%parallel_loop3A_344, %parallel_loop3A_345] {strides = array<i32>} : memref<128x128xf32, #tpu.memory_space<vmem>>, vector<1x16xf32>,
        %parallel_loop3A_347 = vector.shape_cast %parallel_loop3A_346 : vector<1x16xf32> to vector<16xf32>
        %parallel_loop3A_348 = arith.constant 11.3137083 : f32
        %parallel_loop3A_349 = vector.broadcast %parallel_loop3A_348 : f32 to vector<16xf32>
        %parallel_loop3A_350 = arith.mulf %parallel_loop3A_347, %parallel_loop3A_349 : vector<16xf32>
        %parallel_loop3A_351 = arith.index_cast %parallel_loop3A_307 : i32 to index
        %parallel_loop3A_352 = arith.constant 48 : index
        %parallel_loop3A_353 = tpu.vector_load %arg7[%parallel_loop3A_351, %parallel_loop3A_352] {strides = array<i32>} : memref<128x128xf32, #tpu.memory_space<vmem>>, vector<1x16xf32>,
        %parallel_loop3A_354 = vector.shape_cast %parallel_loop3A_353 : vector<1x16xf32> to vector<16xf32>
        %parallel_loop3A_355 = vector.shape_cast %parallel_loop3A_350 : vector<16xf32> to vector<1x16xf32>
        tpu.vector_store %arg7[%parallel_loop3A_351, %parallel_loop3A_352], %parallel_loop3A_355 {strides = array<i32>} : memref<128x128xf32, #tpu.memory_space<vmem>>, vector<1x16xf32>,
        %parallel_loop3A_356 = arith.index_cast %parallel_loop3A_307 : i32 to index
        %parallel_loop3A_357 = arith.constant 64 : index
        %parallel_loop3A_358 = tpu.vector_load %arg7[%parallel_loop3A_356, %parallel_loop3A_357] {strides = array<i32>} : memref<128x128xf32, #tpu.memory_space<vmem>>, vector<1x16xf32>,
        %parallel_loop3A_359 = vector.shape_cast %parallel_loop3A_358 : vector<1x16xf32> to vector<16xf32>
        %parallel_loop3A_360 = arith.constant 11.3137083 : f32
        %parallel_loop3A_361 = vector.broadcast %parallel_loop3A_360 : f32 to vector<16xf32>
        %parallel_loop3A_362 = arith.mulf %parallel_loop3A_359, %parallel_loop3A_361 : vector<16xf32>
        %parallel_loop3A_363 = arith.index_cast %parallel_loop3A_307 : i32 to index
        %parallel_loop3A_364 = arith.constant 64 : index
        %parallel_loop3A_365 = tpu.vector_load %arg7[%parallel_loop3A_363, %parallel_loop3A_364] {strides = array<i32>} : memref<128x128xf32, #tpu.memory_space<vmem>>, vector<1x16xf32>,
        %parallel_loop3A_366 = vector.shape_cast %parallel_loop3A_365 : vector<1x16xf32> to vector<16xf32>
        %parallel_loop3A_367 = vector.shape_cast %parallel_loop3A_362 : vector<16xf32> to vector<1x16xf32>
        tpu.vector_store %arg7[%parallel_loop3A_363, %parallel_loop3A_364], %parallel_loop3A_367 {strides = array<i32>} : memref<128x128xf32, #tpu.memory_space<vmem>>, vector<1x16xf32>,
        %parallel_loop3A_368 = arith.index_cast %parallel_loop3A_307 : i32 to index
        %parallel_loop3A_369 = arith.constant 80 : index
        %parallel_loop3A_370 = tpu.vector_load %arg7[%parallel_loop3A_368, %parallel_loop3A_369] {strides = array<i32>} : memref<128x128xf32, #tpu.memory_space<vmem>>, vector<1x16xf32>,
        %parallel_loop3A_371 = vector.shape_cast %parallel_loop3A_370 : vector<1x16xf32> to vector<16xf32>
        %parallel_loop3A_372 = arith.constant 11.3137083 : f32
        %parallel_loop3A_373 = vector.broadcast %parallel_loop3A_372 : f32 to vector<16xf32>
        %parallel_loop3A_374 = arith.mulf %parallel_loop3A_371, %parallel_loop3A_373 : vector<16xf32>
        %parallel_loop3A_375 = arith.index_cast %parallel_loop3A_307 : i32 to index
        %parallel_loop3A_376 = arith.constant 80 : index
        %parallel_loop3A_377 = tpu.vector_load %arg7[%parallel_loop3A_375, %parallel_loop3A_376] {strides = array<i32>} : memref<128x128xf32, #tpu.memory_space<vmem>>, vector<1x16xf32>,
        %parallel_loop3A_378 = vector.shape_cast %parallel_loop3A_377 : vector<1x16xf32> to vector<16xf32>
        %parallel_loop3A_379 = vector.shape_cast %parallel_loop3A_374 : vector<16xf32> to vector<1x16xf32>
        tpu.vector_store %arg7[%parallel_loop3A_375, %parallel_loop3A_376], %parallel_loop3A_379 {strides = array<i32>} : memref<128x128xf32, #tpu.memory_space<vmem>>, vector<1x16xf32>,
        %parallel_loop3A_380 = arith.index_cast %parallel_loop3A_307 : i32 to index
        %parallel_loop3A_381 = arith.constant 96 : index
        %parallel_loop3A_382 = tpu.vector_load %arg7[%parallel_loop3A_380, %parallel_loop3A_381] {strides = array<i32>} : memref<128x128xf32, #tpu.memory_space<vmem>>, vector<1x16xf32>,
        %parallel_loop3A_383 = vector.shape_cast %parallel_loop3A_382 : vector<1x16xf32> to vector<16xf32>
        %parallel_loop3A_384 = arith.constant 11.3137083 : f32
        %parallel_loop3A_385 = vector.broadcast %parallel_loop3A_384 : f32 to vector<16xf32>
        %parallel_loop3A_386 = arith.mulf %parallel_loop3A_383, %parallel_loop3A_385 : vector<16xf32>
        %parallel_loop3A_387 = arith.index_cast %parallel_loop3A_307 : i32 to index
        %parallel_loop3A_388 = arith.constant 96 : index
        %parallel_loop3A_389 = tpu.vector_load %arg7[%parallel_loop3A_387, %parallel_loop3A_388] {strides = array<i32>} : memref<128x128xf32, #tpu.memory_space<vmem>>, vector<1x16xf32>,
        %parallel_loop3A_390 = vector.shape_cast %parallel_loop3A_389 : vector<1x16xf32> to vector<16xf32>
        %parallel_loop3A_391 = vector.shape_cast %parallel_loop3A_386 : vector<16xf32> to vector<1x16xf32>
        tpu.vector_store %arg7[%parallel_loop3A_387, %parallel_loop3A_388], %parallel_loop3A_391 {strides = array<i32>} : memref<128x128xf32, #tpu.memory_space<vmem>>, vector<1x16xf32>,
        %parallel_loop3A_392 = arith.index_cast %parallel_loop3A_307 : i32 to index
        %parallel_loop3A_393 = arith.constant 112 : index
        %parallel_loop3A_394 = tpu.vector_load %arg7[%parallel_loop3A_392, %parallel_loop3A_393] {strides = array<i32>} : memref<128x128xf32, #tpu.memory_space<vmem>>, vector<1x16xf32>,
        %parallel_loop3A_395 = vector.shape_cast %parallel_loop3A_394 : vector<1x16xf32> to vector<16xf32>
        %parallel_loop3A_396 = arith.constant 11.3137083 : f32
        %parallel_loop3A_397 = vector.broadcast %parallel_loop3A_396 : f32 to vector<16xf32>
        %parallel_loop3A_398 = arith.mulf %parallel_loop3A_395, %parallel_loop3A_397 : vector<16xf32>
        %parallel_loop3A_399 = arith.index_cast %parallel_loop3A_307 : i32 to index
        %parallel_loop3A_400 = arith.constant 112 : index
        %parallel_loop3A_401 = tpu.vector_load %arg7[%parallel_loop3A_399, %parallel_loop3A_400] {strides = array<i32>} : memref<128x128xf32, #tpu.memory_space<vmem>>, vector<1x16xf32>,
        %parallel_loop3A_402 = vector.shape_cast %parallel_loop3A_401 : vector<1x16xf32> to vector<16xf32>
        %parallel_loop3A_403 = vector.shape_cast %parallel_loop3A_398 : vector<16xf32> to vector<1x16xf32>
        tpu.vector_store %arg7[%parallel_loop3A_399, %parallel_loop3A_400], %parallel_loop3A_403 {strides = array<i32>} : memref<128x128xf32, #tpu.memory_space<vmem>>, vector<1x16xf32>,
      } {sc.loop_unroll_factor = 4 : i64, sc.parallel_access}
      %add3A_159 = arith.addi %mul3A_2, %add3A_136 : i32
      %mul3A_160 = arith.constant 128 : i32
      %mul3A_161 = arith.muli %add3A_159, %mul3A_160 : i32
      %dma_start3A_162 = arith.constant 0 : i32
      %dma_start3A_163 = tpu.memref_slice %arg4[%mul3A_161, %dma_start3A_162] : memref<819200x128xf32, #tpu.memory_space<hbm>> -> memref<128x128xf32, #tpu.memory_space<hbm>>
      %dma_start3A_164 = arith.constant 0 : i32
      %dma_start3A_165 = tpu.memref_slice %arg4[%mul3A_161, %dma_start3A_164] : memref<819200x128xf32, #tpu.memory_space<hbm>> -> memref<128x128xf32, #tpu.memory_space<hbm>>
      tpu.enqueue_dma source(%arg7 : memref<128x128xf32, #tpu.memory_space<vmem>>) target(%dma_start3A_165 : memref<128x128xf32, #tpu.memory_space<hbm>>) target_semaphore(%arg19 : memref<!tpu.dma_semaphore, #tpu.memory_space<semaphore_mem>>)
      %mul3A_166 = arith.constant 6 : i32
      %mul3A_167 = arith.muli %scan3A_102, %mul3A_166 : i32
      %add3A_168 = arith.constant 2 : i32
      %add3A_169 = arith.addi %mul3A_167, %add3A_168 : i32
      %dma_wait3A_170 = arith.constant 0 : i32
      %dma_wait3A_171 = tpu.memref_slice %arg5[%add3A_169, %dma_wait3A_170] : memref<200x128xi32, #tpu.memory_space<vmem>> -> memref<1x128xi32, #tpu.memory_space<vmem>>
      %dma_wait3A_172 = tpu.memref_squeeze %dma_wait3A_171 : memref<1x128xi32, #tpu.memory_space<vmem>> -> memref<128xi32, #tpu.memory_space<vmem>>
      %dma_wait3A_173 = arith.constant 0 : i32
      %dma_wait3A_174 = arith.constant 0 : i32
      %dma_wait3A_175 = tpu.memref_slice %arg2[%dma_wait3A_173, %dma_wait3A_174] : memref<100000x128xf32, #tpu.memory_space<hbm>> -> memref<100000x128xf32, #tpu.memory_space<hbm>>
      tpu.wait_indirect_dma semaphore(%arg14 : memref<!tpu.dma_semaphore, #tpu.memory_space<semaphore_mem>>) src(%dma_wait3A_175 : memref<100000x128xf32, #tpu.memory_space<hbm>>) dst(%arg8 : memref<128x128xf32, #tpu.memory_space<vmem>>)
      %gt3A_176 = arith.constant 0 : i32
      %gt3A_177 = arith.cmpi sgt, %scan3A_102, %gt3A_176 : i32
      %convert_element_type3A_178 = arith.extui %gt3A_177 : i1 to i32
      %cond3A_179 = arith.constant 0 : i32
      %cond3A_180 = arith.cmpi ne, %convert_element_type3A_178, %cond3A_179 : i32
      scf.if %cond3A_180 {
        %sub3A_307 = arith.constant 3 : i32
        %sub3A_308 = arith.subi %add3A_169, %sub3A_307 : i32
        %add3A_309 = arith.addi %mul3A_2, %sub3A_308 : i32
        %mul3A_310 = arith.constant 128 : i32
        %mul3A_311 = arith.muli %add3A_309, %mul3A_310 : i32
        %dma_wait3A_312 = arith.constant 0 : i32
        %dma_wait3A_313 = tpu.memref_slice %arg4[%mul3A_311, %dma_wait3A_312] : memref<819200x128xf32, #tpu.memory_space<hbm>> -> memref<128x128xf32, #tpu.memory_space<hbm>>
        %dma_wait3A_314 = arith.constant 0 : i32
        %dma_wait3A_315 = tpu.memref_slice %arg4[%mul3A_311, %dma_wait3A_314] : memref<819200x128xf32, #tpu.memory_space<hbm>> -> memref<128x128xf32, #tpu.memory_space<hbm>>
        tpu.wait_dma2 semaphore(%arg23 : memref<!tpu.dma_semaphore, #tpu.memory_space<semaphore_mem>>) src(%arg11 : memref<128x128xf32, #tpu.memory_space<vmem>>) dst(%dma_wait3A_315 : memref<128x128xf32, #tpu.memory_space<hbm>>)
      } else {
      }
      %add3A_181 = arith.constant 3 : i32
      %add3A_182 = arith.addi %add3A_169, %add3A_181 : i32
      %dma_start3A_183 = arith.constant 0 : i32
      %dma_start3A_184 = tpu.memref_slice %arg5[%add3A_182, %dma_start3A_183] : memref<200x128xi32, #tpu.memory_space<vmem>> -> memref<1x128xi32, #tpu.memory_space<vmem>>
      %dma_start3A_185 = tpu.memref_squeeze %dma_start3A_184 : memref<1x128xi32, #tpu.memory_space<vmem>> -> memref<128xi32, #tpu.memory_space<vmem>>
      %dma_start3A_186 = arith.constant 0 : i32
      %dma_start3A_187 = arith.constant 0 : i32
      %dma_start3A_188 = tpu.memref_slice %arg2[%dma_start3A_186, %dma_start3A_187] : memref<100000x128xf32, #tpu.memory_space<hbm>> -> memref<100000x128xf32, #tpu.memory_space<hbm>>
      tpu.enqueue_indirect_dma source(%dma_start3A_188 : memref<100000x128xf32, #tpu.memory_space<hbm>>) target(%arg11 : memref<128x128xf32, #tpu.memory_space<vmem>>) offsets(%dma_start3A_185 : memref<128xi32, #tpu.memory_space<vmem>>) semaphore(%arg17 : memref<!tpu.dma_semaphore, #tpu.memory_space<semaphore_mem>>)
      %parallel_loop3A_189 = arith.constant 0 : i32
      %parallel_loop3A_190 = arith.constant 128 : i32
      %parallel_loop3A_191 = arith.constant 1 : i32
      scf.for %parallel_loop3A_307 = %parallel_loop3A_189 to %parallel_loop3A_190 step %parallel_loop3A_191  : i32 {
        %parallel_loop3A_308 = arith.index_cast %parallel_loop3A_307 : i32 to index
        %parallel_loop3A_309 = arith.constant 0 : index
        %parallel_loop3A_310 = tpu.vector_load %arg8[%parallel_loop3A_308, %parallel_loop3A_309] {strides = array<i32>} : memref<128x128xf32, #tpu.memory_space<vmem>>, vector<1x16xf32>,
        %parallel_loop3A_311 = vector.shape_cast %parallel_loop3A_310 : vector<1x16xf32> to vector<16xf32>
        %parallel_loop3A_312 = arith.constant 11.3137083 : f32
        %parallel_loop3A_313 = vector.broadcast %parallel_loop3A_312 : f32 to vector<16xf32>
        %parallel_loop3A_314 = arith.mulf %parallel_loop3A_311, %parallel_loop3A_313 : vector<16xf32>
        %parallel_loop3A_315 = arith.index_cast %parallel_loop3A_307 : i32 to index
        %parallel_loop3A_316 = arith.constant 0 : index
        %parallel_loop3A_317 = tpu.vector_load %arg8[%parallel_loop3A_315, %parallel_loop3A_316] {strides = array<i32>} : memref<128x128xf32, #tpu.memory_space<vmem>>, vector<1x16xf32>,
        %parallel_loop3A_318 = vector.shape_cast %parallel_loop3A_317 : vector<1x16xf32> to vector<16xf32>
        %parallel_loop3A_319 = vector.shape_cast %parallel_loop3A_314 : vector<16xf32> to vector<1x16xf32>
        tpu.vector_store %arg8[%parallel_loop3A_315, %parallel_loop3A_316], %parallel_loop3A_319 {strides = array<i32>} : memref<128x128xf32, #tpu.memory_space<vmem>>, vector<1x16xf32>,
        %parallel_loop3A_320 = arith.index_cast %parallel_loop3A_307 : i32 to index
        %parallel_loop3A_321 = arith.constant 16 : index
        %parallel_loop3A_322 = tpu.vector_load %arg8[%parallel_loop3A_320, %parallel_loop3A_321] {strides = array<i32>} : memref<128x128xf32, #tpu.memory_space<vmem>>, vector<1x16xf32>,
        %parallel_loop3A_323 = vector.shape_cast %parallel_loop3A_322 : vector<1x16xf32> to vector<16xf32>
        %parallel_loop3A_324 = arith.constant 11.3137083 : f32
        %parallel_loop3A_325 = vector.broadcast %parallel_loop3A_324 : f32 to vector<16xf32>
        %parallel_loop3A_326 = arith.mulf %parallel_loop3A_323, %parallel_loop3A_325 : vector<16xf32>
        %parallel_loop3A_327 = arith.index_cast %parallel_loop3A_307 : i32 to index
        %parallel_loop3A_328 = arith.constant 16 : index
        %parallel_loop3A_329 = tpu.vector_load %arg8[%parallel_loop3A_327, %parallel_loop3A_328] {strides = array<i32>} : memref<128x128xf32, #tpu.memory_space<vmem>>, vector<1x16xf32>,
        %parallel_loop3A_330 = vector.shape_cast %parallel_loop3A_329 : vector<1x16xf32> to vector<16xf32>
        %parallel_loop3A_331 = vector.shape_cast %parallel_loop3A_326 : vector<16xf32> to vector<1x16xf32>
        tpu.vector_store %arg8[%parallel_loop3A_327, %parallel_loop3A_328], %parallel_loop3A_331 {strides = array<i32>} : memref<128x128xf32, #tpu.memory_space<vmem>>, vector<1x16xf32>,
        %parallel_loop3A_332 = arith.index_cast %parallel_loop3A_307 : i32 to index
        %parallel_loop3A_333 = arith.constant 32 : index
        %parallel_loop3A_334 = tpu.vector_load %arg8[%parallel_loop3A_332, %parallel_loop3A_333] {strides = array<i32>} : memref<128x128xf32, #tpu.memory_space<vmem>>, vector<1x16xf32>,
        %parallel_loop3A_335 = vector.shape_cast %parallel_loop3A_334 : vector<1x16xf32> to vector<16xf32>
        %parallel_loop3A_336 = arith.constant 11.3137083 : f32
        %parallel_loop3A_337 = vector.broadcast %parallel_loop3A_336 : f32 to vector<16xf32>
        %parallel_loop3A_338 = arith.mulf %parallel_loop3A_335, %parallel_loop3A_337 : vector<16xf32>
        %parallel_loop3A_339 = arith.index_cast %parallel_loop3A_307 : i32 to index
        %parallel_loop3A_340 = arith.constant 32 : index
        %parallel_loop3A_341 = tpu.vector_load %arg8[%parallel_loop3A_339, %parallel_loop3A_340] {strides = array<i32>} : memref<128x128xf32, #tpu.memory_space<vmem>>, vector<1x16xf32>,
        %parallel_loop3A_342 = vector.shape_cast %parallel_loop3A_341 : vector<1x16xf32> to vector<16xf32>
        %parallel_loop3A_343 = vector.shape_cast %parallel_loop3A_338 : vector<16xf32> to vector<1x16xf32>
        tpu.vector_store %arg8[%parallel_loop3A_339, %parallel_loop3A_340], %parallel_loop3A_343 {strides = array<i32>} : memref<128x128xf32, #tpu.memory_space<vmem>>, vector<1x16xf32>,
        %parallel_loop3A_344 = arith.index_cast %parallel_loop3A_307 : i32 to index
        %parallel_loop3A_345 = arith.constant 48 : index
        %parallel_loop3A_346 = tpu.vector_load %arg8[%parallel_loop3A_344, %parallel_loop3A_345] {strides = array<i32>} : memref<128x128xf32, #tpu.memory_space<vmem>>, vector<1x16xf32>,
        %parallel_loop3A_347 = vector.shape_cast %parallel_loop3A_346 : vector<1x16xf32> to vector<16xf32>
        %parallel_loop3A_348 = arith.constant 11.3137083 : f32
        %parallel_loop3A_349 = vector.broadcast %parallel_loop3A_348 : f32 to vector<16xf32>
        %parallel_loop3A_350 = arith.mulf %parallel_loop3A_347, %parallel_loop3A_349 : vector<16xf32>
        %parallel_loop3A_351 = arith.index_cast %parallel_loop3A_307 : i32 to index
        %parallel_loop3A_352 = arith.constant 48 : index
        %parallel_loop3A_353 = tpu.vector_load %arg8[%parallel_loop3A_351, %parallel_loop3A_352] {strides = array<i32>} : memref<128x128xf32, #tpu.memory_space<vmem>>, vector<1x16xf32>,
        %parallel_loop3A_354 = vector.shape_cast %parallel_loop3A_353 : vector<1x16xf32> to vector<16xf32>
        %parallel_loop3A_355 = vector.shape_cast %parallel_loop3A_350 : vector<16xf32> to vector<1x16xf32>
        tpu.vector_store %arg8[%parallel_loop3A_351, %parallel_loop3A_352], %parallel_loop3A_355 {strides = array<i32>} : memref<128x128xf32, #tpu.memory_space<vmem>>, vector<1x16xf32>,
        %parallel_loop3A_356 = arith.index_cast %parallel_loop3A_307 : i32 to index
        %parallel_loop3A_357 = arith.constant 64 : index
        %parallel_loop3A_358 = tpu.vector_load %arg8[%parallel_loop3A_356, %parallel_loop3A_357] {strides = array<i32>} : memref<128x128xf32, #tpu.memory_space<vmem>>, vector<1x16xf32>,
        %parallel_loop3A_359 = vector.shape_cast %parallel_loop3A_358 : vector<1x16xf32> to vector<16xf32>
        %parallel_loop3A_360 = arith.constant 11.3137083 : f32
        %parallel_loop3A_361 = vector.broadcast %parallel_loop3A_360 : f32 to vector<16xf32>
        %parallel_loop3A_362 = arith.mulf %parallel_loop3A_359, %parallel_loop3A_361 : vector<16xf32>
        %parallel_loop3A_363 = arith.index_cast %parallel_loop3A_307 : i32 to index
        %parallel_loop3A_364 = arith.constant 64 : index
        %parallel_loop3A_365 = tpu.vector_load %arg8[%parallel_loop3A_363, %parallel_loop3A_364] {strides = array<i32>} : memref<128x128xf32, #tpu.memory_space<vmem>>, vector<1x16xf32>,
        %parallel_loop3A_366 = vector.shape_cast %parallel_loop3A_365 : vector<1x16xf32> to vector<16xf32>
        %parallel_loop3A_367 = vector.shape_cast %parallel_loop3A_362 : vector<16xf32> to vector<1x16xf32>
        tpu.vector_store %arg8[%parallel_loop3A_363, %parallel_loop3A_364], %parallel_loop3A_367 {strides = array<i32>} : memref<128x128xf32, #tpu.memory_space<vmem>>, vector<1x16xf32>,
        %parallel_loop3A_368 = arith.index_cast %parallel_loop3A_307 : i32 to index
        %parallel_loop3A_369 = arith.constant 80 : index
        %parallel_loop3A_370 = tpu.vector_load %arg8[%parallel_loop3A_368, %parallel_loop3A_369] {strides = array<i32>} : memref<128x128xf32, #tpu.memory_space<vmem>>, vector<1x16xf32>,
        %parallel_loop3A_371 = vector.shape_cast %parallel_loop3A_370 : vector<1x16xf32> to vector<16xf32>
        %parallel_loop3A_372 = arith.constant 11.3137083 : f32
        %parallel_loop3A_373 = vector.broadcast %parallel_loop3A_372 : f32 to vector<16xf32>
        %parallel_loop3A_374 = arith.mulf %parallel_loop3A_371, %parallel_loop3A_373 : vector<16xf32>
        %parallel_loop3A_375 = arith.index_cast %parallel_loop3A_307 : i32 to index
        %parallel_loop3A_376 = arith.constant 80 : index
        %parallel_loop3A_377 = tpu.vector_load %arg8[%parallel_loop3A_375, %parallel_loop3A_376] {strides = array<i32>} : memref<128x128xf32, #tpu.memory_space<vmem>>, vector<1x16xf32>,
        %parallel_loop3A_378 = vector.shape_cast %parallel_loop3A_377 : vector<1x16xf32> to vector<16xf32>
        %parallel_loop3A_379 = vector.shape_cast %parallel_loop3A_374 : vector<16xf32> to vector<1x16xf32>
        tpu.vector_store %arg8[%parallel_loop3A_375, %parallel_loop3A_376], %parallel_loop3A_379 {strides = array<i32>} : memref<128x128xf32, #tpu.memory_space<vmem>>, vector<1x16xf32>,
        %parallel_loop3A_380 = arith.index_cast %parallel_loop3A_307 : i32 to index
        %parallel_loop3A_381 = arith.constant 96 : index
        %parallel_loop3A_382 = tpu.vector_load %arg8[%parallel_loop3A_380, %parallel_loop3A_381] {strides = array<i32>} : memref<128x128xf32, #tpu.memory_space<vmem>>, vector<1x16xf32>,
        %parallel_loop3A_383 = vector.shape_cast %parallel_loop3A_382 : vector<1x16xf32> to vector<16xf32>
        %parallel_loop3A_384 = arith.constant 11.3137083 : f32
        %parallel_loop3A_385 = vector.broadcast %parallel_loop3A_384 : f32 to vector<16xf32>
        %parallel_loop3A_386 = arith.mulf %parallel_loop3A_383, %parallel_loop3A_385 : vector<16xf32>
        %parallel_loop3A_387 = arith.index_cast %parallel_loop3A_307 : i32 to index
        %parallel_loop3A_388 = arith.constant 96 : index
        %parallel_loop3A_389 = tpu.vector_load %arg8[%parallel_loop3A_387, %parallel_loop3A_388] {strides = array<i32>} : memref<128x128xf32, #tpu.memory_space<vmem>>, vector<1x16xf32>,
        %parallel_loop3A_390 = vector.shape_cast %parallel_loop3A_389 : vector<1x16xf32> to vector<16xf32>
        %parallel_loop3A_391 = vector.shape_cast %parallel_loop3A_386 : vector<16xf32> to vector<1x16xf32>
        tpu.vector_store %arg8[%parallel_loop3A_387, %parallel_loop3A_388], %parallel_loop3A_391 {strides = array<i32>} : memref<128x128xf32, #tpu.memory_space<vmem>>, vector<1x16xf32>,
        %parallel_loop3A_392 = arith.index_cast %parallel_loop3A_307 : i32 to index
        %parallel_loop3A_393 = arith.constant 112 : index
        %parallel_loop3A_394 = tpu.vector_load %arg8[%parallel_loop3A_392, %parallel_loop3A_393] {strides = array<i32>} : memref<128x128xf32, #tpu.memory_space<vmem>>, vector<1x16xf32>,
        %parallel_loop3A_395 = vector.shape_cast %parallel_loop3A_394 : vector<1x16xf32> to vector<16xf32>
        %parallel_loop3A_396 = arith.constant 11.3137083 : f32
        %parallel_loop3A_397 = vector.broadcast %parallel_loop3A_396 : f32 to vector<16xf32>
        %parallel_loop3A_398 = arith.mulf %parallel_loop3A_395, %parallel_loop3A_397 : vector<16xf32>
        %parallel_loop3A_399 = arith.index_cast %parallel_loop3A_307 : i32 to index
        %parallel_loop3A_400 = arith.constant 112 : index
        %parallel_loop3A_401 = tpu.vector_load %arg8[%parallel_loop3A_399, %parallel_loop3A_400] {strides = array<i32>} : memref<128x128xf32, #tpu.memory_space<vmem>>, vector<1x16xf32>,
        %parallel_loop3A_402 = vector.shape_cast %parallel_loop3A_401 : vector<1x16xf32> to vector<16xf32>
        %parallel_loop3A_403 = vector.shape_cast %parallel_loop3A_398 : vector<16xf32> to vector<1x16xf32>
        tpu.vector_store %arg8[%parallel_loop3A_399, %parallel_loop3A_400], %parallel_loop3A_403 {strides = array<i32>} : memref<128x128xf32, #tpu.memory_space<vmem>>, vector<1x16xf32>,
      } {sc.loop_unroll_factor = 4 : i64, sc.parallel_access}
      %add3A_192 = arith.addi %mul3A_2, %add3A_169 : i32
      %mul3A_193 = arith.constant 128 : i32
      %mul3A_194 = arith.muli %add3A_192, %mul3A_193 : i32
      %dma_start3A_195 = arith.constant 0 : i32
      %dma_start3A_196 = tpu.memref_slice %arg4[%mul3A_194, %dma_start3A_195] : memref<819200x128xf32, #tpu.memory_space<hbm>> -> memref<128x128xf32, #tpu.memory_space<hbm>>
      %dma_start3A_197 = arith.constant 0 : i32
      %dma_start3A_198 = tpu.memref_slice %arg4[%mul3A_194, %dma_start3A_197] : memref<819200x128xf32, #tpu.memory_space<hbm>> -> memref<128x128xf32, #tpu.memory_space<hbm>>
      tpu.enqueue_dma source(%arg8 : memref<128x128xf32, #tpu.memory_space<vmem>>) target(%dma_start3A_198 : memref<128x128xf32, #tpu.memory_space<hbm>>) target_semaphore(%arg20 : memref<!tpu.dma_semaphore, #tpu.memory_space<semaphore_mem>>)
      %mul3A_199 = arith.constant 6 : i32
      %mul3A_200 = arith.muli %scan3A_102, %mul3A_199 : i32
      %add3A_201 = arith.constant 3 : i32
      %add3A_202 = arith.addi %mul3A_200, %add3A_201 : i32
      %dma_wait3A_203 = arith.constant 0 : i32
      %dma_wait3A_204 = tpu.memref_slice %arg5[%add3A_202, %dma_wait3A_203] : memref<200x128xi32, #tpu.memory_space<vmem>> -> memref<1x128xi32, #tpu.memory_space<vmem>>
      %dma_wait3A_205 = tpu.memref_squeeze %dma_wait3A_204 : memref<1x128xi32, #tpu.memory_space<vmem>> -> memref<128xi32, #tpu.memory_space<vmem>>
      %dma_wait3A_206 = arith.constant 0 : i32
      %dma_wait3A_207 = arith.constant 0 : i32
      %dma_wait3A_208 = tpu.memref_slice %arg2[%dma_wait3A_206, %dma_wait3A_207] : memref<100000x128xf32, #tpu.memory_space<hbm>> -> memref<100000x128xf32, #tpu.memory_space<hbm>>
      tpu.wait_indirect_dma semaphore(%arg15 : memref<!tpu.dma_semaphore, #tpu.memory_space<semaphore_mem>>) src(%dma_wait3A_208 : memref<100000x128xf32, #tpu.memory_space<hbm>>) dst(%arg9 : memref<128x128xf32, #tpu.memory_space<vmem>>)
      %sub3A = arith.constant 3 : i32
      %sub3A_209 = arith.subi %add3A_202, %sub3A : i32
      %add3A_210 = arith.addi %mul3A_2, %sub3A_209 : i32
      %mul3A_211 = arith.constant 128 : i32
      %mul3A_212 = arith.muli %add3A_210, %mul3A_211 : i32
      %dma_wait3A_213 = arith.constant 0 : i32
      %dma_wait3A_214 = tpu.memref_slice %arg4[%mul3A_212, %dma_wait3A_213] : memref<819200x128xf32, #tpu.memory_space<hbm>> -> memref<128x128xf32, #tpu.memory_space<hbm>>
      %dma_wait3A_215 = arith.constant 0 : i32
      %dma_wait3A_216 = tpu.memref_slice %arg4[%mul3A_212, %dma_wait3A_215] : memref<819200x128xf32, #tpu.memory_space<hbm>> -> memref<128x128xf32, #tpu.memory_space<hbm>>
      tpu.wait_dma2 semaphore(%arg18 : memref<!tpu.dma_semaphore, #tpu.memory_space<semaphore_mem>>) src(%arg6 : memref<128x128xf32, #tpu.memory_space<vmem>>) dst(%dma_wait3A_216 : memref<128x128xf32, #tpu.memory_space<hbm>>)
      %add3A_217 = arith.constant 3 : i32
      %add3A_218 = arith.addi %add3A_202, %add3A_217 : i32
      %dma_start3A_219 = arith.constant 0 : i32
      %dma_start3A_220 = tpu.memref_slice %arg5[%add3A_218, %dma_start3A_219] : memref<200x128xi32, #tpu.memory_space<vmem>> -> memref<1x128xi32, #tpu.memory_space<vmem>>
      %dma_start3A_221 = tpu.memref_squeeze %dma_start3A_220 : memref<1x128xi32, #tpu.memory_space<vmem>> -> memref<128xi32, #tpu.memory_space<vmem>>
      %dma_start3A_222 = arith.constant 0 : i32
      %dma_start3A_223 = arith.constant 0 : i32
      %dma_start3A_224 = tpu.memref_slice %arg2[%dma_start3A_222, %dma_start3A_223] : memref<100000x128xf32, #tpu.memory_space<hbm>> -> memref<100000x128xf32, #tpu.memory_space<hbm>>
      tpu.enqueue_indirect_dma source(%dma_start3A_224 : memref<100000x128xf32, #tpu.memory_space<hbm>>) target(%arg6 : memref<128x128xf32, #tpu.memory_space<vmem>>) offsets(%dma_start3A_221 : memref<128xi32, #tpu.memory_space<vmem>>) semaphore(%arg12 : memref<!tpu.dma_semaphore, #tpu.memory_space<semaphore_mem>>)
      %parallel_loop3A_225 = arith.constant 0 : i32
      %parallel_loop3A_226 = arith.constant 128 : i32
      %parallel_loop3A_227 = arith.constant 1 : i32
      scf.for %parallel_loop3A_307 = %parallel_loop3A_225 to %parallel_loop3A_226 step %parallel_loop3A_227  : i32 {
        %parallel_loop3A_308 = arith.index_cast %parallel_loop3A_307 : i32 to index
        %parallel_loop3A_309 = arith.constant 0 : index
        %parallel_loop3A_310 = tpu.vector_load %arg9[%parallel_loop3A_308, %parallel_loop3A_309] {strides = array<i32>} : memref<128x128xf32, #tpu.memory_space<vmem>>, vector<1x16xf32>,
        %parallel_loop3A_311 = vector.shape_cast %parallel_loop3A_310 : vector<1x16xf32> to vector<16xf32>
        %parallel_loop3A_312 = arith.constant 11.3137083 : f32
        %parallel_loop3A_313 = vector.broadcast %parallel_loop3A_312 : f32 to vector<16xf32>
        %parallel_loop3A_314 = arith.mulf %parallel_loop3A_311, %parallel_loop3A_313 : vector<16xf32>
        %parallel_loop3A_315 = arith.index_cast %parallel_loop3A_307 : i32 to index
        %parallel_loop3A_316 = arith.constant 0 : index
        %parallel_loop3A_317 = tpu.vector_load %arg9[%parallel_loop3A_315, %parallel_loop3A_316] {strides = array<i32>} : memref<128x128xf32, #tpu.memory_space<vmem>>, vector<1x16xf32>,
        %parallel_loop3A_318 = vector.shape_cast %parallel_loop3A_317 : vector<1x16xf32> to vector<16xf32>
        %parallel_loop3A_319 = vector.shape_cast %parallel_loop3A_314 : vector<16xf32> to vector<1x16xf32>
        tpu.vector_store %arg9[%parallel_loop3A_315, %parallel_loop3A_316], %parallel_loop3A_319 {strides = array<i32>} : memref<128x128xf32, #tpu.memory_space<vmem>>, vector<1x16xf32>,
        %parallel_loop3A_320 = arith.index_cast %parallel_loop3A_307 : i32 to index
        %parallel_loop3A_321 = arith.constant 16 : index
        %parallel_loop3A_322 = tpu.vector_load %arg9[%parallel_loop3A_320, %parallel_loop3A_321] {strides = array<i32>} : memref<128x128xf32, #tpu.memory_space<vmem>>, vector<1x16xf32>,
        %parallel_loop3A_323 = vector.shape_cast %parallel_loop3A_322 : vector<1x16xf32> to vector<16xf32>
        %parallel_loop3A_324 = arith.constant 11.3137083 : f32
        %parallel_loop3A_325 = vector.broadcast %parallel_loop3A_324 : f32 to vector<16xf32>
        %parallel_loop3A_326 = arith.mulf %parallel_loop3A_323, %parallel_loop3A_325 : vector<16xf32>
        %parallel_loop3A_327 = arith.index_cast %parallel_loop3A_307 : i32 to index
        %parallel_loop3A_328 = arith.constant 16 : index
        %parallel_loop3A_329 = tpu.vector_load %arg9[%parallel_loop3A_327, %parallel_loop3A_328] {strides = array<i32>} : memref<128x128xf32, #tpu.memory_space<vmem>>, vector<1x16xf32>,
        %parallel_loop3A_330 = vector.shape_cast %parallel_loop3A_329 : vector<1x16xf32> to vector<16xf32>
        %parallel_loop3A_331 = vector.shape_cast %parallel_loop3A_326 : vector<16xf32> to vector<1x16xf32>
        tpu.vector_store %arg9[%parallel_loop3A_327, %parallel_loop3A_328], %parallel_loop3A_331 {strides = array<i32>} : memref<128x128xf32, #tpu.memory_space<vmem>>, vector<1x16xf32>,
        %parallel_loop3A_332 = arith.index_cast %parallel_loop3A_307 : i32 to index
        %parallel_loop3A_333 = arith.constant 32 : index
        %parallel_loop3A_334 = tpu.vector_load %arg9[%parallel_loop3A_332, %parallel_loop3A_333] {strides = array<i32>} : memref<128x128xf32, #tpu.memory_space<vmem>>, vector<1x16xf32>,
        %parallel_loop3A_335 = vector.shape_cast %parallel_loop3A_334 : vector<1x16xf32> to vector<16xf32>
        %parallel_loop3A_336 = arith.constant 11.3137083 : f32
        %parallel_loop3A_337 = vector.broadcast %parallel_loop3A_336 : f32 to vector<16xf32>
        %parallel_loop3A_338 = arith.mulf %parallel_loop3A_335, %parallel_loop3A_337 : vector<16xf32>
        %parallel_loop3A_339 = arith.index_cast %parallel_loop3A_307 : i32 to index
        %parallel_loop3A_340 = arith.constant 32 : index
        %parallel_loop3A_341 = tpu.vector_load %arg9[%parallel_loop3A_339, %parallel_loop3A_340] {strides = array<i32>} : memref<128x128xf32, #tpu.memory_space<vmem>>, vector<1x16xf32>,
        %parallel_loop3A_342 = vector.shape_cast %parallel_loop3A_341 : vector<1x16xf32> to vector<16xf32>
        %parallel_loop3A_343 = vector.shape_cast %parallel_loop3A_338 : vector<16xf32> to vector<1x16xf32>
        tpu.vector_store %arg9[%parallel_loop3A_339, %parallel_loop3A_340], %parallel_loop3A_343 {strides = array<i32>} : memref<128x128xf32, #tpu.memory_space<vmem>>, vector<1x16xf32>,
        %parallel_loop3A_344 = arith.index_cast %parallel_loop3A_307 : i32 to index
        %parallel_loop3A_345 = arith.constant 48 : index
        %parallel_loop3A_346 = tpu.vector_load %arg9[%parallel_loop3A_344, %parallel_loop3A_345] {strides = array<i32>} : memref<128x128xf32, #tpu.memory_space<vmem>>, vector<1x16xf32>,
        %parallel_loop3A_347 = vector.shape_cast %parallel_loop3A_346 : vector<1x16xf32> to vector<16xf32>
        %parallel_loop3A_348 = arith.constant 11.3137083 : f32
        %parallel_loop3A_349 = vector.broadcast %parallel_loop3A_348 : f32 to vector<16xf32>
        %parallel_loop3A_350 = arith.mulf %parallel_loop3A_347, %parallel_loop3A_349 : vector<16xf32>
        %parallel_loop3A_351 = arith.index_cast %parallel_loop3A_307 : i32 to index
        %parallel_loop3A_352 = arith.constant 48 : index
        %parallel_loop3A_353 = tpu.vector_load %arg9[%parallel_loop3A_351, %parallel_loop3A_352] {strides = array<i32>} : memref<128x128xf32, #tpu.memory_space<vmem>>, vector<1x16xf32>,
        %parallel_loop3A_354 = vector.shape_cast %parallel_loop3A_353 : vector<1x16xf32> to vector<16xf32>
        %parallel_loop3A_355 = vector.shape_cast %parallel_loop3A_350 : vector<16xf32> to vector<1x16xf32>
        tpu.vector_store %arg9[%parallel_loop3A_351, %parallel_loop3A_352], %parallel_loop3A_355 {strides = array<i32>} : memref<128x128xf32, #tpu.memory_space<vmem>>, vector<1x16xf32>,
        %parallel_loop3A_356 = arith.index_cast %parallel_loop3A_307 : i32 to index
        %parallel_loop3A_357 = arith.constant 64 : index
        %parallel_loop3A_358 = tpu.vector_load %arg9[%parallel_loop3A_356, %parallel_loop3A_357] {strides = array<i32>} : memref<128x128xf32, #tpu.memory_space<vmem>>, vector<1x16xf32>,
        %parallel_loop3A_359 = vector.shape_cast %parallel_loop3A_358 : vector<1x16xf32> to vector<16xf32>
        %parallel_loop3A_360 = arith.constant 11.3137083 : f32
        %parallel_loop3A_361 = vector.broadcast %parallel_loop3A_360 : f32 to vector<16xf32>
        %parallel_loop3A_362 = arith.mulf %parallel_loop3A_359, %parallel_loop3A_361 : vector<16xf32>
        %parallel_loop3A_363 = arith.index_cast %parallel_loop3A_307 : i32 to index
        %parallel_loop3A_364 = arith.constant 64 : index
        %parallel_loop3A_365 = tpu.vector_load %arg9[%parallel_loop3A_363, %parallel_loop3A_364] {strides = array<i32>} : memref<128x128xf32, #tpu.memory_space<vmem>>, vector<1x16xf32>,
        %parallel_loop3A_366 = vector.shape_cast %parallel_loop3A_365 : vector<1x16xf32> to vector<16xf32>
        %parallel_loop3A_367 = vector.shape_cast %parallel_loop3A_362 : vector<16xf32> to vector<1x16xf32>
        tpu.vector_store %arg9[%parallel_loop3A_363, %parallel_loop3A_364], %parallel_loop3A_367 {strides = array<i32>} : memref<128x128xf32, #tpu.memory_space<vmem>>, vector<1x16xf32>,
        %parallel_loop3A_368 = arith.index_cast %parallel_loop3A_307 : i32 to index
        %parallel_loop3A_369 = arith.constant 80 : index
        %parallel_loop3A_370 = tpu.vector_load %arg9[%parallel_loop3A_368, %parallel_loop3A_369] {strides = array<i32>} : memref<128x128xf32, #tpu.memory_space<vmem>>, vector<1x16xf32>,
        %parallel_loop3A_371 = vector.shape_cast %parallel_loop3A_370 : vector<1x16xf32> to vector<16xf32>
        %parallel_loop3A_372 = arith.constant 11.3137083 : f32
        %parallel_loop3A_373 = vector.broadcast %parallel_loop3A_372 : f32 to vector<16xf32>
        %parallel_loop3A_374 = arith.mulf %parallel_loop3A_371, %parallel_loop3A_373 : vector<16xf32>
        %parallel_loop3A_375 = arith.index_cast %parallel_loop3A_307 : i32 to index
        %parallel_loop3A_376 = arith.constant 80 : index
        %parallel_loop3A_377 = tpu.vector_load %arg9[%parallel_loop3A_375, %parallel_loop3A_376] {strides = array<i32>} : memref<128x128xf32, #tpu.memory_space<vmem>>, vector<1x16xf32>,
        %parallel_loop3A_378 = vector.shape_cast %parallel_loop3A_377 : vector<1x16xf32> to vector<16xf32>
        %parallel_loop3A_379 = vector.shape_cast %parallel_loop3A_374 : vector<16xf32> to vector<1x16xf32>
        tpu.vector_store %arg9[%parallel_loop3A_375, %parallel_loop3A_376], %parallel_loop3A_379 {strides = array<i32>} : memref<128x128xf32, #tpu.memory_space<vmem>>, vector<1x16xf32>,
        %parallel_loop3A_380 = arith.index_cast %parallel_loop3A_307 : i32 to index
        %parallel_loop3A_381 = arith.constant 96 : index
        %parallel_loop3A_382 = tpu.vector_load %arg9[%parallel_loop3A_380, %parallel_loop3A_381] {strides = array<i32>} : memref<128x128xf32, #tpu.memory_space<vmem>>, vector<1x16xf32>,
        %parallel_loop3A_383 = vector.shape_cast %parallel_loop3A_382 : vector<1x16xf32> to vector<16xf32>
        %parallel_loop3A_384 = arith.constant 11.3137083 : f32
        %parallel_loop3A_385 = vector.broadcast %parallel_loop3A_384 : f32 to vector<16xf32>
        %parallel_loop3A_386 = arith.mulf %parallel_loop3A_383, %parallel_loop3A_385 : vector<16xf32>
        %parallel_loop3A_387 = arith.index_cast %parallel_loop3A_307 : i32 to index
        %parallel_loop3A_388 = arith.constant 96 : index
        %parallel_loop3A_389 = tpu.vector_load %arg9[%parallel_loop3A_387, %parallel_loop3A_388] {strides = array<i32>} : memref<128x128xf32, #tpu.memory_space<vmem>>, vector<1x16xf32>,
        %parallel_loop3A_390 = vector.shape_cast %parallel_loop3A_389 : vector<1x16xf32> to vector<16xf32>
        %parallel_loop3A_391 = vector.shape_cast %parallel_loop3A_386 : vector<16xf32> to vector<1x16xf32>
        tpu.vector_store %arg9[%parallel_loop3A_387, %parallel_loop3A_388], %parallel_loop3A_391 {strides = array<i32>} : memref<128x128xf32, #tpu.memory_space<vmem>>, vector<1x16xf32>,
        %parallel_loop3A_392 = arith.index_cast %parallel_loop3A_307 : i32 to index
        %parallel_loop3A_393 = arith.constant 112 : index
        %parallel_loop3A_394 = tpu.vector_load %arg9[%parallel_loop3A_392, %parallel_loop3A_393] {strides = array<i32>} : memref<128x128xf32, #tpu.memory_space<vmem>>, vector<1x16xf32>,
        %parallel_loop3A_395 = vector.shape_cast %parallel_loop3A_394 : vector<1x16xf32> to vector<16xf32>
        %parallel_loop3A_396 = arith.constant 11.3137083 : f32
        %parallel_loop3A_397 = vector.broadcast %parallel_loop3A_396 : f32 to vector<16xf32>
        %parallel_loop3A_398 = arith.mulf %parallel_loop3A_395, %parallel_loop3A_397 : vector<16xf32>
        %parallel_loop3A_399 = arith.index_cast %parallel_loop3A_307 : i32 to index
        %parallel_loop3A_400 = arith.constant 112 : index
        %parallel_loop3A_401 = tpu.vector_load %arg9[%parallel_loop3A_399, %parallel_loop3A_400] {strides = array<i32>} : memref<128x128xf32, #tpu.memory_space<vmem>>, vector<1x16xf32>,
        %parallel_loop3A_402 = vector.shape_cast %parallel_loop3A_401 : vector<1x16xf32> to vector<16xf32>
        %parallel_loop3A_403 = vector.shape_cast %parallel_loop3A_398 : vector<16xf32> to vector<1x16xf32>
        tpu.vector_store %arg9[%parallel_loop3A_399, %parallel_loop3A_400], %parallel_loop3A_403 {strides = array<i32>} : memref<128x128xf32, #tpu.memory_space<vmem>>, vector<1x16xf32>,
      } {sc.loop_unroll_factor = 4 : i64, sc.parallel_access}
      %add3A_228 = arith.addi %mul3A_2, %add3A_202 : i32
      %mul3A_229 = arith.constant 128 : i32
      %mul3A_230 = arith.muli %add3A_228, %mul3A_229 : i32
      %dma_start3A_231 = arith.constant 0 : i32
      %dma_start3A_232 = tpu.memref_slice %arg4[%mul3A_230, %dma_start3A_231] : memref<819200x128xf32, #tpu.memory_space<hbm>> -> memref<128x128xf32, #tpu.memory_space<hbm>>
      %dma_start3A_233 = arith.constant 0 : i32
      %dma_start3A_234 = tpu.memref_slice %arg4[%mul3A_230, %dma_start3A_233] : memref<819200x128xf32, #tpu.memory_space<hbm>> -> memref<128x128xf32, #tpu.memory_space<hbm>>
      tpu.enqueue_dma source(%arg9 : memref<128x128xf32, #tpu.memory_space<vmem>>) target(%dma_start3A_234 : memref<128x128xf32, #tpu.memory_space<hbm>>) target_semaphore(%arg21 : memref<!tpu.dma_semaphore, #tpu.memory_space<semaphore_mem>>)
      %mul3A_235 = arith.constant 6 : i32
      %mul3A_236 = arith.muli %scan3A_102, %mul3A_235 : i32
      %add3A_237 = arith.constant 4 : i32
      %add3A_238 = arith.addi %mul3A_236, %add3A_237 : i32
      %dma_wait3A_239 = arith.constant 0 : i32
      %dma_wait3A_240 = tpu.memref_slice %arg5[%add3A_238, %dma_wait3A_239] : memref<200x128xi32, #tpu.memory_space<vmem>> -> memref<1x128xi32, #tpu.memory_space<vmem>>
      %dma_wait3A_241 = tpu.memref_squeeze %dma_wait3A_240 : memref<1x128xi32, #tpu.memory_space<vmem>> -> memref<128xi32, #tpu.memory_space<vmem>>
      %dma_wait3A_242 = arith.constant 0 : i32
      %dma_wait3A_243 = arith.constant 0 : i32
      %dma_wait3A_244 = tpu.memref_slice %arg2[%dma_wait3A_242, %dma_wait3A_243] : memref<100000x128xf32, #tpu.memory_space<hbm>> -> memref<100000x128xf32, #tpu.memory_space<hbm>>
      tpu.wait_indirect_dma semaphore(%arg16 : memref<!tpu.dma_semaphore, #tpu.memory_space<semaphore_mem>>) src(%dma_wait3A_244 : memref<100000x128xf32, #tpu.memory_space<hbm>>) dst(%arg10 : memref<128x128xf32, #tpu.memory_space<vmem>>)
      %sub3A_245 = arith.constant 3 : i32
      %sub3A_246 = arith.subi %add3A_238, %sub3A_245 : i32
      %add3A_247 = arith.addi %mul3A_2, %sub3A_246 : i32
      %mul3A_248 = arith.constant 128 : i32
      %mul3A_249 = arith.muli %add3A_247, %mul3A_248 : i32
      %dma_wait3A_250 = arith.constant 0 : i32
      %dma_wait3A_251 = tpu.memref_slice %arg4[%mul3A_249, %dma_wait3A_250] : memref<819200x128xf32, #tpu.memory_space<hbm>> -> memref<128x128xf32, #tpu.memory_space<hbm>>
      %dma_wait3A_252 = arith.constant 0 : i32
      %dma_wait3A_253 = tpu.memref_slice %arg4[%mul3A_249, %dma_wait3A_252] : memref<819200x128xf32, #tpu.memory_space<hbm>> -> memref<128x128xf32, #tpu.memory_space<hbm>>
      tpu.wait_dma2 semaphore(%arg19 : memref<!tpu.dma_semaphore, #tpu.memory_space<semaphore_mem>>) src(%arg7 : memref<128x128xf32, #tpu.memory_space<vmem>>) dst(%dma_wait3A_253 : memref<128x128xf32, #tpu.memory_space<hbm>>)
      %add3A_254 = arith.constant 3 : i32
      %add3A_255 = arith.addi %add3A_238, %add3A_254 : i32
      %dma_start3A_256 = arith.constant 0 : i32
      %dma_start3A_257 = tpu.memref_slice %arg5[%add3A_255, %dma_start3A_256] : memref<200x128xi32, #tpu.memory_space<vmem>> -> memref<1x128xi32, #tpu.memory_space<vmem>>
      %dma_start3A_258 = tpu.memref_squeeze %dma_start3A_257 : memref<1x128xi32, #tpu.memory_space<vmem>> -> memref<128xi32, #tpu.memory_space<vmem>>
      %dma_start3A_259 = arith.constant 0 : i32
      %dma_start3A_260 = arith.constant 0 : i32
      %dma_start3A_261 = tpu.memref_slice %arg2[%dma_start3A_259, %dma_start3A_260] : memref<100000x128xf32, #tpu.memory_space<hbm>> -> memref<100000x128xf32, #tpu.memory_space<hbm>>
      tpu.enqueue_indirect_dma source(%dma_start3A_261 : memref<100000x128xf32, #tpu.memory_space<hbm>>) target(%arg7 : memref<128x128xf32, #tpu.memory_space<vmem>>) offsets(%dma_start3A_258 : memref<128xi32, #tpu.memory_space<vmem>>) semaphore(%arg13 : memref<!tpu.dma_semaphore, #tpu.memory_space<semaphore_mem>>)
      %parallel_loop3A_262 = arith.constant 0 : i32
      %parallel_loop3A_263 = arith.constant 128 : i32
      %parallel_loop3A_264 = arith.constant 1 : i32
      scf.for %parallel_loop3A_307 = %parallel_loop3A_262 to %parallel_loop3A_263 step %parallel_loop3A_264  : i32 {
        %parallel_loop3A_308 = arith.index_cast %parallel_loop3A_307 : i32 to index
        %parallel_loop3A_309 = arith.constant 0 : index
        %parallel_loop3A_310 = tpu.vector_load %arg10[%parallel_loop3A_308, %parallel_loop3A_309] {strides = array<i32>} : memref<128x128xf32, #tpu.memory_space<vmem>>, vector<1x16xf32>,
        %parallel_loop3A_311 = vector.shape_cast %parallel_loop3A_310 : vector<1x16xf32> to vector<16xf32>
        %parallel_loop3A_312 = arith.constant 11.3137083 : f32
        %parallel_loop3A_313 = vector.broadcast %parallel_loop3A_312 : f32 to vector<16xf32>
        %parallel_loop3A_314 = arith.mulf %parallel_loop3A_311, %parallel_loop3A_313 : vector<16xf32>
        %parallel_loop3A_315 = arith.index_cast %parallel_loop3A_307 : i32 to index
        %parallel_loop3A_316 = arith.constant 0 : index
        %parallel_loop3A_317 = tpu.vector_load %arg10[%parallel_loop3A_315, %parallel_loop3A_316] {strides = array<i32>} : memref<128x128xf32, #tpu.memory_space<vmem>>, vector<1x16xf32>,
        %parallel_loop3A_318 = vector.shape_cast %parallel_loop3A_317 : vector<1x16xf32> to vector<16xf32>
        %parallel_loop3A_319 = vector.shape_cast %parallel_loop3A_314 : vector<16xf32> to vector<1x16xf32>
        tpu.vector_store %arg10[%parallel_loop3A_315, %parallel_loop3A_316], %parallel_loop3A_319 {strides = array<i32>} : memref<128x128xf32, #tpu.memory_space<vmem>>, vector<1x16xf32>,
        %parallel_loop3A_320 = arith.index_cast %parallel_loop3A_307 : i32 to index
        %parallel_loop3A_321 = arith.constant 16 : index
        %parallel_loop3A_322 = tpu.vector_load %arg10[%parallel_loop3A_320, %parallel_loop3A_321] {strides = array<i32>} : memref<128x128xf32, #tpu.memory_space<vmem>>, vector<1x16xf32>,
        %parallel_loop3A_323 = vector.shape_cast %parallel_loop3A_322 : vector<1x16xf32> to vector<16xf32>
        %parallel_loop3A_324 = arith.constant 11.3137083 : f32
        %parallel_loop3A_325 = vector.broadcast %parallel_loop3A_324 : f32 to vector<16xf32>
        %parallel_loop3A_326 = arith.mulf %parallel_loop3A_323, %parallel_loop3A_325 : vector<16xf32>
        %parallel_loop3A_327 = arith.index_cast %parallel_loop3A_307 : i32 to index
        %parallel_loop3A_328 = arith.constant 16 : index
        %parallel_loop3A_329 = tpu.vector_load %arg10[%parallel_loop3A_327, %parallel_loop3A_328] {strides = array<i32>} : memref<128x128xf32, #tpu.memory_space<vmem>>, vector<1x16xf32>,
        %parallel_loop3A_330 = vector.shape_cast %parallel_loop3A_329 : vector<1x16xf32> to vector<16xf32>
        %parallel_loop3A_331 = vector.shape_cast %parallel_loop3A_326 : vector<16xf32> to vector<1x16xf32>
        tpu.vector_store %arg10[%parallel_loop3A_327, %parallel_loop3A_328], %parallel_loop3A_331 {strides = array<i32>} : memref<128x128xf32, #tpu.memory_space<vmem>>, vector<1x16xf32>,
        %parallel_loop3A_332 = arith.index_cast %parallel_loop3A_307 : i32 to index
        %parallel_loop3A_333 = arith.constant 32 : index
        %parallel_loop3A_334 = tpu.vector_load %arg10[%parallel_loop3A_332, %parallel_loop3A_333] {strides = array<i32>} : memref<128x128xf32, #tpu.memory_space<vmem>>, vector<1x16xf32>,
        %parallel_loop3A_335 = vector.shape_cast %parallel_loop3A_334 : vector<1x16xf32> to vector<16xf32>
        %parallel_loop3A_336 = arith.constant 11.3137083 : f32
        %parallel_loop3A_337 = vector.broadcast %parallel_loop3A_336 : f32 to vector<16xf32>
        %parallel_loop3A_338 = arith.mulf %parallel_loop3A_335, %parallel_loop3A_337 : vector<16xf32>
        %parallel_loop3A_339 = arith.index_cast %parallel_loop3A_307 : i32 to index
        %parallel_loop3A_340 = arith.constant 32 : index
        %parallel_loop3A_341 = tpu.vector_load %arg10[%parallel_loop3A_339, %parallel_loop3A_340] {strides = array<i32>} : memref<128x128xf32, #tpu.memory_space<vmem>>, vector<1x16xf32>,
        %parallel_loop3A_342 = vector.shape_cast %parallel_loop3A_341 : vector<1x16xf32> to vector<16xf32>
        %parallel_loop3A_343 = vector.shape_cast %parallel_loop3A_338 : vector<16xf32> to vector<1x16xf32>
        tpu.vector_store %arg10[%parallel_loop3A_339, %parallel_loop3A_340], %parallel_loop3A_343 {strides = array<i32>} : memref<128x128xf32, #tpu.memory_space<vmem>>, vector<1x16xf32>,
        %parallel_loop3A_344 = arith.index_cast %parallel_loop3A_307 : i32 to index
        %parallel_loop3A_345 = arith.constant 48 : index
        %parallel_loop3A_346 = tpu.vector_load %arg10[%parallel_loop3A_344, %parallel_loop3A_345] {strides = array<i32>} : memref<128x128xf32, #tpu.memory_space<vmem>>, vector<1x16xf32>,
        %parallel_loop3A_347 = vector.shape_cast %parallel_loop3A_346 : vector<1x16xf32> to vector<16xf32>
        %parallel_loop3A_348 = arith.constant 11.3137083 : f32
        %parallel_loop3A_349 = vector.broadcast %parallel_loop3A_348 : f32 to vector<16xf32>
        %parallel_loop3A_350 = arith.mulf %parallel_loop3A_347, %parallel_loop3A_349 : vector<16xf32>
        %parallel_loop3A_351 = arith.index_cast %parallel_loop3A_307 : i32 to index
        %parallel_loop3A_352 = arith.constant 48 : index
        %parallel_loop3A_353 = tpu.vector_load %arg10[%parallel_loop3A_351, %parallel_loop3A_352] {strides = array<i32>} : memref<128x128xf32, #tpu.memory_space<vmem>>, vector<1x16xf32>,
        %parallel_loop3A_354 = vector.shape_cast %parallel_loop3A_353 : vector<1x16xf32> to vector<16xf32>
        %parallel_loop3A_355 = vector.shape_cast %parallel_loop3A_350 : vector<16xf32> to vector<1x16xf32>
        tpu.vector_store %arg10[%parallel_loop3A_351, %parallel_loop3A_352], %parallel_loop3A_355 {strides = array<i32>} : memref<128x128xf32, #tpu.memory_space<vmem>>, vector<1x16xf32>,
        %parallel_loop3A_356 = arith.index_cast %parallel_loop3A_307 : i32 to index
        %parallel_loop3A_357 = arith.constant 64 : index
        %parallel_loop3A_358 = tpu.vector_load %arg10[%parallel_loop3A_356, %parallel_loop3A_357] {strides = array<i32>} : memref<128x128xf32, #tpu.memory_space<vmem>>, vector<1x16xf32>,
        %parallel_loop3A_359 = vector.shape_cast %parallel_loop3A_358 : vector<1x16xf32> to vector<16xf32>
        %parallel_loop3A_360 = arith.constant 11.3137083 : f32
        %parallel_loop3A_361 = vector.broadcast %parallel_loop3A_360 : f32 to vector<16xf32>
        %parallel_loop3A_362 = arith.mulf %parallel_loop3A_359, %parallel_loop3A_361 : vector<16xf32>
        %parallel_loop3A_363 = arith.index_cast %parallel_loop3A_307 : i32 to index
        %parallel_loop3A_364 = arith.constant 64 : index
        %parallel_loop3A_365 = tpu.vector_load %arg10[%parallel_loop3A_363, %parallel_loop3A_364] {strides = array<i32>} : memref<128x128xf32, #tpu.memory_space<vmem>>, vector<1x16xf32>,
        %parallel_loop3A_366 = vector.shape_cast %parallel_loop3A_365 : vector<1x16xf32> to vector<16xf32>
        %parallel_loop3A_367 = vector.shape_cast %parallel_loop3A_362 : vector<16xf32> to vector<1x16xf32>
        tpu.vector_store %arg10[%parallel_loop3A_363, %parallel_loop3A_364], %parallel_loop3A_367 {strides = array<i32>} : memref<128x128xf32, #tpu.memory_space<vmem>>, vector<1x16xf32>,
        %parallel_loop3A_368 = arith.index_cast %parallel_loop3A_307 : i32 to index
        %parallel_loop3A_369 = arith.constant 80 : index
        %parallel_loop3A_370 = tpu.vector_load %arg10[%parallel_loop3A_368, %parallel_loop3A_369] {strides = array<i32>} : memref<128x128xf32, #tpu.memory_space<vmem>>, vector<1x16xf32>,
        %parallel_loop3A_371 = vector.shape_cast %parallel_loop3A_370 : vector<1x16xf32> to vector<16xf32>
        %parallel_loop3A_372 = arith.constant 11.3137083 : f32
        %parallel_loop3A_373 = vector.broadcast %parallel_loop3A_372 : f32 to vector<16xf32>
        %parallel_loop3A_374 = arith.mulf %parallel_loop3A_371, %parallel_loop3A_373 : vector<16xf32>
        %parallel_loop3A_375 = arith.index_cast %parallel_loop3A_307 : i32 to index
        %parallel_loop3A_376 = arith.constant 80 : index
        %parallel_loop3A_377 = tpu.vector_load %arg10[%parallel_loop3A_375, %parallel_loop3A_376] {strides = array<i32>} : memref<128x128xf32, #tpu.memory_space<vmem>>, vector<1x16xf32>,
        %parallel_loop3A_378 = vector.shape_cast %parallel_loop3A_377 : vector<1x16xf32> to vector<16xf32>
        %parallel_loop3A_379 = vector.shape_cast %parallel_loop3A_374 : vector<16xf32> to vector<1x16xf32>
        tpu.vector_store %arg10[%parallel_loop3A_375, %parallel_loop3A_376], %parallel_loop3A_379 {strides = array<i32>} : memref<128x128xf32, #tpu.memory_space<vmem>>, vector<1x16xf32>,
        %parallel_loop3A_380 = arith.index_cast %parallel_loop3A_307 : i32 to index
        %parallel_loop3A_381 = arith.constant 96 : index
        %parallel_loop3A_382 = tpu.vector_load %arg10[%parallel_loop3A_380, %parallel_loop3A_381] {strides = array<i32>} : memref<128x128xf32, #tpu.memory_space<vmem>>, vector<1x16xf32>,
        %parallel_loop3A_383 = vector.shape_cast %parallel_loop3A_382 : vector<1x16xf32> to vector<16xf32>
        %parallel_loop3A_384 = arith.constant 11.3137083 : f32
        %parallel_loop3A_385 = vector.broadcast %parallel_loop3A_384 : f32 to vector<16xf32>
        %parallel_loop3A_386 = arith.mulf %parallel_loop3A_383, %parallel_loop3A_385 : vector<16xf32>
        %parallel_loop3A_387 = arith.index_cast %parallel_loop3A_307 : i32 to index
        %parallel_loop3A_388 = arith.constant 96 : index
        %parallel_loop3A_389 = tpu.vector_load %arg10[%parallel_loop3A_387, %parallel_loop3A_388] {strides = array<i32>} : memref<128x128xf32, #tpu.memory_space<vmem>>, vector<1x16xf32>,
        %parallel_loop3A_390 = vector.shape_cast %parallel_loop3A_389 : vector<1x16xf32> to vector<16xf32>
        %parallel_loop3A_391 = vector.shape_cast %parallel_loop3A_386 : vector<16xf32> to vector<1x16xf32>
        tpu.vector_store %arg10[%parallel_loop3A_387, %parallel_loop3A_388], %parallel_loop3A_391 {strides = array<i32>} : memref<128x128xf32, #tpu.memory_space<vmem>>, vector<1x16xf32>,
        %parallel_loop3A_392 = arith.index_cast %parallel_loop3A_307 : i32 to index
        %parallel_loop3A_393 = arith.constant 112 : index
        %parallel_loop3A_394 = tpu.vector_load %arg10[%parallel_loop3A_392, %parallel_loop3A_393] {strides = array<i32>} : memref<128x128xf32, #tpu.memory_space<vmem>>, vector<1x16xf32>,
        %parallel_loop3A_395 = vector.shape_cast %parallel_loop3A_394 : vector<1x16xf32> to vector<16xf32>
        %parallel_loop3A_396 = arith.constant 11.3137083 : f32
        %parallel_loop3A_397 = vector.broadcast %parallel_loop3A_396 : f32 to vector<16xf32>
        %parallel_loop3A_398 = arith.mulf %parallel_loop3A_395, %parallel_loop3A_397 : vector<16xf32>
        %parallel_loop3A_399 = arith.index_cast %parallel_loop3A_307 : i32 to index
        %parallel_loop3A_400 = arith.constant 112 : index
        %parallel_loop3A_401 = tpu.vector_load %arg10[%parallel_loop3A_399, %parallel_loop3A_400] {strides = array<i32>} : memref<128x128xf32, #tpu.memory_space<vmem>>, vector<1x16xf32>,
        %parallel_loop3A_402 = vector.shape_cast %parallel_loop3A_401 : vector<1x16xf32> to vector<16xf32>
        %parallel_loop3A_403 = vector.shape_cast %parallel_loop3A_398 : vector<16xf32> to vector<1x16xf32>
        tpu.vector_store %arg10[%parallel_loop3A_399, %parallel_loop3A_400], %parallel_loop3A_403 {strides = array<i32>} : memref<128x128xf32, #tpu.memory_space<vmem>>, vector<1x16xf32>,
      } {sc.loop_unroll_factor = 4 : i64, sc.parallel_access}
      %add3A_265 = arith.addi %mul3A_2, %add3A_238 : i32
      %mul3A_266 = arith.constant 128 : i32
      %mul3A_267 = arith.muli %add3A_265, %mul3A_266 : i32
      %dma_start3A_268 = arith.constant 0 : i32
      %dma_start3A_269 = tpu.memref_slice %arg4[%mul3A_267, %dma_start3A_268] : memref<819200x128xf32, #tpu.memory_space<hbm>> -> memref<128x128xf32, #tpu.memory_space<hbm>>
      %dma_start3A_270 = arith.constant 0 : i32
      %dma_start3A_271 = tpu.memref_slice %arg4[%mul3A_267, %dma_start3A_270] : memref<819200x128xf32, #tpu.memory_space<hbm>> -> memref<128x128xf32, #tpu.memory_space<hbm>>
      tpu.enqueue_dma source(%arg10 : memref<128x128xf32, #tpu.memory_space<vmem>>) target(%dma_start3A_271 : memref<128x128xf32, #tpu.memory_space<hbm>>) target_semaphore(%arg22 : memref<!tpu.dma_semaphore, #tpu.memory_space<semaphore_mem>>)
      %mul3A_272 = arith.constant 6 : i32
      %mul3A_273 = arith.muli %scan3A_102, %mul3A_272 : i32
      %add3A_274 = arith.constant 5 : i32
      %add3A_275 = arith.addi %mul3A_273, %add3A_274 : i32
      %dma_wait3A_276 = arith.constant 0 : i32
      %dma_wait3A_277 = tpu.memref_slice %arg5[%add3A_275, %dma_wait3A_276] : memref<200x128xi32, #tpu.memory_space<vmem>> -> memref<1x128xi32, #tpu.memory_space<vmem>>
      %dma_wait3A_278 = tpu.memref_squeeze %dma_wait3A_277 : memref<1x128xi32, #tpu.memory_space<vmem>> -> memref<128xi32, #tpu.memory_space<vmem>>
      %dma_wait3A_279 = arith.constant 0 : i32
      %dma_wait3A_280 = arith.constant 0 : i32
      %dma_wait3A_281 = tpu.memref_slice %arg2[%dma_wait3A_279, %dma_wait3A_280] : memref<100000x128xf32, #tpu.memory_space<hbm>> -> memref<100000x128xf32, #tpu.memory_space<hbm>>
      tpu.wait_indirect_dma semaphore(%arg17 : memref<!tpu.dma_semaphore, #tpu.memory_space<semaphore_mem>>) src(%dma_wait3A_281 : memref<100000x128xf32, #tpu.memory_space<hbm>>) dst(%arg11 : memref<128x128xf32, #tpu.memory_space<vmem>>)
      %sub3A_282 = arith.constant 3 : i32
      %sub3A_283 = arith.subi %add3A_275, %sub3A_282 : i32
      %add3A_284 = arith.addi %mul3A_2, %sub3A_283 : i32
      %mul3A_285 = arith.constant 128 : i32
      %mul3A_286 = arith.muli %add3A_284, %mul3A_285 : i32
      %dma_wait3A_287 = arith.constant 0 : i32
      %dma_wait3A_288 = tpu.memref_slice %arg4[%mul3A_286, %dma_wait3A_287] : memref<819200x128xf32, #tpu.memory_space<hbm>> -> memref<128x128xf32, #tpu.memory_space<hbm>>
      %dma_wait3A_289 = arith.constant 0 : i32
      %dma_wait3A_290 = tpu.memref_slice %arg4[%mul3A_286, %dma_wait3A_289] : memref<819200x128xf32, #tpu.memory_space<hbm>> -> memref<128x128xf32, #tpu.memory_space<hbm>>
      tpu.wait_dma2 semaphore(%arg20 : memref<!tpu.dma_semaphore, #tpu.memory_space<semaphore_mem>>) src(%arg8 : memref<128x128xf32, #tpu.memory_space<vmem>>) dst(%dma_wait3A_290 : memref<128x128xf32, #tpu.memory_space<hbm>>)
      %add3A_291 = arith.constant 3 : i32
      %add3A_292 = arith.addi %add3A_275, %add3A_291 : i32
      %lt3A = arith.constant 200 : i32
      %lt3A_293 = arith.cmpi slt, %add3A_292, %lt3A : i32
      %convert_element_type3A_294 = arith.extui %lt3A_293 : i1 to i32
      %cond3A_295 = arith.constant 0 : i32
      %cond3A_296 = arith.cmpi ne, %convert_element_type3A_294, %cond3A_295 : i32
      scf.if %cond3A_296 {
        %add3A_307 = arith.constant 3 : i32
        %add3A_308 = arith.addi %add3A_275, %add3A_307 : i32
        %dma_start3A_309 = arith.constant 0 : i32
        %dma_start3A_310 = tpu.memref_slice %arg5[%add3A_308, %dma_start3A_309] : memref<200x128xi32, #tpu.memory_space<vmem>> -> memref<1x128xi32, #tpu.memory_space<vmem>>
        %dma_start3A_311 = tpu.memref_squeeze %dma_start3A_310 : memref<1x128xi32, #tpu.memory_space<vmem>> -> memref<128xi32, #tpu.memory_space<vmem>>
        %dma_start3A_312 = arith.constant 0 : i32
        %dma_start3A_313 = arith.constant 0 : i32
        %dma_start3A_314 = tpu.memref_slice %arg2[%dma_start3A_312, %dma_start3A_313] : memref<100000x128xf32, #tpu.memory_space<hbm>> -> memref<100000x128xf32, #tpu.memory_space<hbm>>
        tpu.enqueue_indirect_dma source(%dma_start3A_314 : memref<100000x128xf32, #tpu.memory_space<hbm>>) target(%arg8 : memref<128x128xf32, #tpu.memory_space<vmem>>) offsets(%dma_start3A_311 : memref<128xi32, #tpu.memory_space<vmem>>) semaphore(%arg14 : memref<!tpu.dma_semaphore, #tpu.memory_space<semaphore_mem>>)
      } else {
      }
      %parallel_loop3A_297 = arith.constant 0 : i32
      %parallel_loop3A_298 = arith.constant 128 : i32
      %parallel_loop3A_299 = arith.constant 1 : i32
      scf.for %parallel_loop3A_307 = %parallel_loop3A_297 to %parallel_loop3A_298 step %parallel_loop3A_299  : i32 {
        %parallel_loop3A_308 = arith.index_cast %parallel_loop3A_307 : i32 to index
        %parallel_loop3A_309 = arith.constant 0 : index
        %parallel_loop3A_310 = tpu.vector_load %arg11[%parallel_loop3A_308, %parallel_loop3A_309] {strides = array<i32>} : memref<128x128xf32, #tpu.memory_space<vmem>>, vector<1x16xf32>,
        %parallel_loop3A_311 = vector.shape_cast %parallel_loop3A_310 : vector<1x16xf32> to vector<16xf32>
        %parallel_loop3A_312 = arith.constant 11.3137083 : f32
        %parallel_loop3A_313 = vector.broadcast %parallel_loop3A_312 : f32 to vector<16xf32>
        %parallel_loop3A_314 = arith.mulf %parallel_loop3A_311, %parallel_loop3A_313 : vector<16xf32>
        %parallel_loop3A_315 = arith.index_cast %parallel_loop3A_307 : i32 to index
        %parallel_loop3A_316 = arith.constant 0 : index
        %parallel_loop3A_317 = tpu.vector_load %arg11[%parallel_loop3A_315, %parallel_loop3A_316] {strides = array<i32>} : memref<128x128xf32, #tpu.memory_space<vmem>>, vector<1x16xf32>,
        %parallel_loop3A_318 = vector.shape_cast %parallel_loop3A_317 : vector<1x16xf32> to vector<16xf32>
        %parallel_loop3A_319 = vector.shape_cast %parallel_loop3A_314 : vector<16xf32> to vector<1x16xf32>
        tpu.vector_store %arg11[%parallel_loop3A_315, %parallel_loop3A_316], %parallel_loop3A_319 {strides = array<i32>} : memref<128x128xf32, #tpu.memory_space<vmem>>, vector<1x16xf32>,
        %parallel_loop3A_320 = arith.index_cast %parallel_loop3A_307 : i32 to index
        %parallel_loop3A_321 = arith.constant 16 : index
        %parallel_loop3A_322 = tpu.vector_load %arg11[%parallel_loop3A_320, %parallel_loop3A_321] {strides = array<i32>} : memref<128x128xf32, #tpu.memory_space<vmem>>, vector<1x16xf32>,
        %parallel_loop3A_323 = vector.shape_cast %parallel_loop3A_322 : vector<1x16xf32> to vector<16xf32>
        %parallel_loop3A_324 = arith.constant 11.3137083 : f32
        %parallel_loop3A_325 = vector.broadcast %parallel_loop3A_324 : f32 to vector<16xf32>
        %parallel_loop3A_326 = arith.mulf %parallel_loop3A_323, %parallel_loop3A_325 : vector<16xf32>
        %parallel_loop3A_327 = arith.index_cast %parallel_loop3A_307 : i32 to index
        %parallel_loop3A_328 = arith.constant 16 : index
        %parallel_loop3A_329 = tpu.vector_load %arg11[%parallel_loop3A_327, %parallel_loop3A_328] {strides = array<i32>} : memref<128x128xf32, #tpu.memory_space<vmem>>, vector<1x16xf32>,
        %parallel_loop3A_330 = vector.shape_cast %parallel_loop3A_329 : vector<1x16xf32> to vector<16xf32>
        %parallel_loop3A_331 = vector.shape_cast %parallel_loop3A_326 : vector<16xf32> to vector<1x16xf32>
        tpu.vector_store %arg11[%parallel_loop3A_327, %parallel_loop3A_328], %parallel_loop3A_331 {strides = array<i32>} : memref<128x128xf32, #tpu.memory_space<vmem>>, vector<1x16xf32>,
        %parallel_loop3A_332 = arith.index_cast %parallel_loop3A_307 : i32 to index
        %parallel_loop3A_333 = arith.constant 32 : index
        %parallel_loop3A_334 = tpu.vector_load %arg11[%parallel_loop3A_332, %parallel_loop3A_333] {strides = array<i32>} : memref<128x128xf32, #tpu.memory_space<vmem>>, vector<1x16xf32>,
        %parallel_loop3A_335 = vector.shape_cast %parallel_loop3A_334 : vector<1x16xf32> to vector<16xf32>
        %parallel_loop3A_336 = arith.constant 11.3137083 : f32
        %parallel_loop3A_337 = vector.broadcast %parallel_loop3A_336 : f32 to vector<16xf32>
        %parallel_loop3A_338 = arith.mulf %parallel_loop3A_335, %parallel_loop3A_337 : vector<16xf32>
        %parallel_loop3A_339 = arith.index_cast %parallel_loop3A_307 : i32 to index
        %parallel_loop3A_340 = arith.constant 32 : index
        %parallel_loop3A_341 = tpu.vector_load %arg11[%parallel_loop3A_339, %parallel_loop3A_340] {strides = array<i32>} : memref<128x128xf32, #tpu.memory_space<vmem>>, vector<1x16xf32>,
        %parallel_loop3A_342 = vector.shape_cast %parallel_loop3A_341 : vector<1x16xf32> to vector<16xf32>
        %parallel_loop3A_343 = vector.shape_cast %parallel_loop3A_338 : vector<16xf32> to vector<1x16xf32>
        tpu.vector_store %arg11[%parallel_loop3A_339, %parallel_loop3A_340], %parallel_loop3A_343 {strides = array<i32>} : memref<128x128xf32, #tpu.memory_space<vmem>>, vector<1x16xf32>,
        %parallel_loop3A_344 = arith.index_cast %parallel_loop3A_307 : i32 to index
        %parallel_loop3A_345 = arith.constant 48 : index
        %parallel_loop3A_346 = tpu.vector_load %arg11[%parallel_loop3A_344, %parallel_loop3A_345] {strides = array<i32>} : memref<128x128xf32, #tpu.memory_space<vmem>>, vector<1x16xf32>,
        %parallel_loop3A_347 = vector.shape_cast %parallel_loop3A_346 : vector<1x16xf32> to vector<16xf32>
        %parallel_loop3A_348 = arith.constant 11.3137083 : f32
        %parallel_loop3A_349 = vector.broadcast %parallel_loop3A_348 : f32 to vector<16xf32>
        %parallel_loop3A_350 = arith.mulf %parallel_loop3A_347, %parallel_loop3A_349 : vector<16xf32>
        %parallel_loop3A_351 = arith.index_cast %parallel_loop3A_307 : i32 to index
        %parallel_loop3A_352 = arith.constant 48 : index
        %parallel_loop3A_353 = tpu.vector_load %arg11[%parallel_loop3A_351, %parallel_loop3A_352] {strides = array<i32>} : memref<128x128xf32, #tpu.memory_space<vmem>>, vector<1x16xf32>,
        %parallel_loop3A_354 = vector.shape_cast %parallel_loop3A_353 : vector<1x16xf32> to vector<16xf32>
        %parallel_loop3A_355 = vector.shape_cast %parallel_loop3A_350 : vector<16xf32> to vector<1x16xf32>
        tpu.vector_store %arg11[%parallel_loop3A_351, %parallel_loop3A_352], %parallel_loop3A_355 {strides = array<i32>} : memref<128x128xf32, #tpu.memory_space<vmem>>, vector<1x16xf32>,
        %parallel_loop3A_356 = arith.index_cast %parallel_loop3A_307 : i32 to index
        %parallel_loop3A_357 = arith.constant 64 : index
        %parallel_loop3A_358 = tpu.vector_load %arg11[%parallel_loop3A_356, %parallel_loop3A_357] {strides = array<i32>} : memref<128x128xf32, #tpu.memory_space<vmem>>, vector<1x16xf32>,
        %parallel_loop3A_359 = vector.shape_cast %parallel_loop3A_358 : vector<1x16xf32> to vector<16xf32>
        %parallel_loop3A_360 = arith.constant 11.3137083 : f32
        %parallel_loop3A_361 = vector.broadcast %parallel_loop3A_360 : f32 to vector<16xf32>
        %parallel_loop3A_362 = arith.mulf %parallel_loop3A_359, %parallel_loop3A_361 : vector<16xf32>
        %parallel_loop3A_363 = arith.index_cast %parallel_loop3A_307 : i32 to index
        %parallel_loop3A_364 = arith.constant 64 : index
        %parallel_loop3A_365 = tpu.vector_load %arg11[%parallel_loop3A_363, %parallel_loop3A_364] {strides = array<i32>} : memref<128x128xf32, #tpu.memory_space<vmem>>, vector<1x16xf32>,
        %parallel_loop3A_366 = vector.shape_cast %parallel_loop3A_365 : vector<1x16xf32> to vector<16xf32>
        %parallel_loop3A_367 = vector.shape_cast %parallel_loop3A_362 : vector<16xf32> to vector<1x16xf32>
        tpu.vector_store %arg11[%parallel_loop3A_363, %parallel_loop3A_364], %parallel_loop3A_367 {strides = array<i32>} : memref<128x128xf32, #tpu.memory_space<vmem>>, vector<1x16xf32>,
        %parallel_loop3A_368 = arith.index_cast %parallel_loop3A_307 : i32 to index
        %parallel_loop3A_369 = arith.constant 80 : index
        %parallel_loop3A_370 = tpu.vector_load %arg11[%parallel_loop3A_368, %parallel_loop3A_369] {strides = array<i32>} : memref<128x128xf32, #tpu.memory_space<vmem>>, vector<1x16xf32>,
        %parallel_loop3A_371 = vector.shape_cast %parallel_loop3A_370 : vector<1x16xf32> to vector<16xf32>
        %parallel_loop3A_372 = arith.constant 11.3137083 : f32
        %parallel_loop3A_373 = vector.broadcast %parallel_loop3A_372 : f32 to vector<16xf32>
        %parallel_loop3A_374 = arith.mulf %parallel_loop3A_371, %parallel_loop3A_373 : vector<16xf32>
        %parallel_loop3A_375 = arith.index_cast %parallel_loop3A_307 : i32 to index
        %parallel_loop3A_376 = arith.constant 80 : index
        %parallel_loop3A_377 = tpu.vector_load %arg11[%parallel_loop3A_375, %parallel_loop3A_376] {strides = array<i32>} : memref<128x128xf32, #tpu.memory_space<vmem>>, vector<1x16xf32>,
        %parallel_loop3A_378 = vector.shape_cast %parallel_loop3A_377 : vector<1x16xf32> to vector<16xf32>
        %parallel_loop3A_379 = vector.shape_cast %parallel_loop3A_374 : vector<16xf32> to vector<1x16xf32>
        tpu.vector_store %arg11[%parallel_loop3A_375, %parallel_loop3A_376], %parallel_loop3A_379 {strides = array<i32>} : memref<128x128xf32, #tpu.memory_space<vmem>>, vector<1x16xf32>,
        %parallel_loop3A_380 = arith.index_cast %parallel_loop3A_307 : i32 to index
        %parallel_loop3A_381 = arith.constant 96 : index
        %parallel_loop3A_382 = tpu.vector_load %arg11[%parallel_loop3A_380, %parallel_loop3A_381] {strides = array<i32>} : memref<128x128xf32, #tpu.memory_space<vmem>>, vector<1x16xf32>,
        %parallel_loop3A_383 = vector.shape_cast %parallel_loop3A_382 : vector<1x16xf32> to vector<16xf32>
        %parallel_loop3A_384 = arith.constant 11.3137083 : f32
        %parallel_loop3A_385 = vector.broadcast %parallel_loop3A_384 : f32 to vector<16xf32>
        %parallel_loop3A_386 = arith.mulf %parallel_loop3A_383, %parallel_loop3A_385 : vector<16xf32>
        %parallel_loop3A_387 = arith.index_cast %parallel_loop3A_307 : i32 to index
        %parallel_loop3A_388 = arith.constant 96 : index
        %parallel_loop3A_389 = tpu.vector_load %arg11[%parallel_loop3A_387, %parallel_loop3A_388] {strides = array<i32>} : memref<128x128xf32, #tpu.memory_space<vmem>>, vector<1x16xf32>,
        %parallel_loop3A_390 = vector.shape_cast %parallel_loop3A_389 : vector<1x16xf32> to vector<16xf32>
        %parallel_loop3A_391 = vector.shape_cast %parallel_loop3A_386 : vector<16xf32> to vector<1x16xf32>
        tpu.vector_store %arg11[%parallel_loop3A_387, %parallel_loop3A_388], %parallel_loop3A_391 {strides = array<i32>} : memref<128x128xf32, #tpu.memory_space<vmem>>, vector<1x16xf32>,
        %parallel_loop3A_392 = arith.index_cast %parallel_loop3A_307 : i32 to index
        %parallel_loop3A_393 = arith.constant 112 : index
        %parallel_loop3A_394 = tpu.vector_load %arg11[%parallel_loop3A_392, %parallel_loop3A_393] {strides = array<i32>} : memref<128x128xf32, #tpu.memory_space<vmem>>, vector<1x16xf32>,
        %parallel_loop3A_395 = vector.shape_cast %parallel_loop3A_394 : vector<1x16xf32> to vector<16xf32>
        %parallel_loop3A_396 = arith.constant 11.3137083 : f32
        %parallel_loop3A_397 = vector.broadcast %parallel_loop3A_396 : f32 to vector<16xf32>
        %parallel_loop3A_398 = arith.mulf %parallel_loop3A_395, %parallel_loop3A_397 : vector<16xf32>
        %parallel_loop3A_399 = arith.index_cast %parallel_loop3A_307 : i32 to index
        %parallel_loop3A_400 = arith.constant 112 : index
        %parallel_loop3A_401 = tpu.vector_load %arg11[%parallel_loop3A_399, %parallel_loop3A_400] {strides = array<i32>} : memref<128x128xf32, #tpu.memory_space<vmem>>, vector<1x16xf32>,
        %parallel_loop3A_402 = vector.shape_cast %parallel_loop3A_401 : vector<1x16xf32> to vector<16xf32>
        %parallel_loop3A_403 = vector.shape_cast %parallel_loop3A_398 : vector<16xf32> to vector<1x16xf32>
        tpu.vector_store %arg11[%parallel_loop3A_399, %parallel_loop3A_400], %parallel_loop3A_403 {strides = array<i32>} : memref<128x128xf32, #tpu.memory_space<vmem>>, vector<1x16xf32>,
      } {sc.loop_unroll_factor = 4 : i64, sc.parallel_access}
      %add3A_300 = arith.addi %mul3A_2, %add3A_275 : i32
      %mul3A_301 = arith.constant 128 : i32
      %mul3A_302 = arith.muli %add3A_300, %mul3A_301 : i32
      %dma_start3A_303 = arith.constant 0 : i32
      %dma_start3A_304 = tpu.memref_slice %arg4[%mul3A_302, %dma_start3A_303] : memref<819200x128xf32, #tpu.memory_space<hbm>> -> memref<128x128xf32, #tpu.memory_space<hbm>>
      %dma_start3A_305 = arith.constant 0 : i32
      %dma_start3A_306 = tpu.memref_slice %arg4[%mul3A_302, %dma_start3A_305] : memref<819200x128xf32, #tpu.memory_space<hbm>> -> memref<128x128xf32, #tpu.memory_space<hbm>>
      tpu.enqueue_dma source(%arg11 : memref<128x128xf32, #tpu.memory_space<vmem>>) target(%dma_start3A_306 : memref<128x128xf32, #tpu.memory_space<hbm>>) target_semaphore(%arg23 : memref<!tpu.dma_semaphore, #tpu.memory_space<semaphore_mem>>)
    }
    %scan3A_27 = arith.constant 33 : i32
    %dma_wait3A = arith.constant 198 : i32
    %dma_wait3A_28 = arith.constant 0 : i32
    %dma_wait3A_29 = tpu.memref_slice %arg5[%dma_wait3A, %dma_wait3A_28] : memref<200x128xi32, #tpu.memory_space<vmem>> -> memref<1x128xi32, #tpu.memory_space<vmem>>
    %dma_wait3A_30 = tpu.memref_squeeze %dma_wait3A_29 : memref<1x128xi32, #tpu.memory_space<vmem>> -> memref<128xi32, #tpu.memory_space<vmem>>
    %dma_wait3A_31 = arith.constant 0 : i32
    %dma_wait3A_32 = arith.constant 0 : i32
    %dma_wait3A_33 = tpu.memref_slice %arg2[%dma_wait3A_31, %dma_wait3A_32] : memref<100000x128xf32, #tpu.memory_space<hbm>> -> memref<100000x128xf32, #tpu.memory_space<hbm>>
    tpu.wait_indirect_dma semaphore(%arg12 : memref<!tpu.dma_semaphore, #tpu.memory_space<semaphore_mem>>) src(%dma_wait3A_33 : memref<100000x128xf32, #tpu.memory_space<hbm>>) dst(%arg6 : memref<128x128xf32, #tpu.memory_space<vmem>>)
    %add3A_34 = arith.constant 195 : i32
    %add3A_35 = arith.addi %mul3A_2, %add3A_34 : i32
    %mul3A_36 = arith.constant 128 : i32
    %mul3A_37 = arith.muli %add3A_35, %mul3A_36 : i32
    %dma_wait3A_38 = arith.constant 0 : i32
    %dma_wait3A_39 = tpu.memref_slice %arg4[%mul3A_37, %dma_wait3A_38] : memref<819200x128xf32, #tpu.memory_space<hbm>> -> memref<128x128xf32, #tpu.memory_space<hbm>>
    %dma_wait3A_40 = arith.constant 0 : i32
    %dma_wait3A_41 = tpu.memref_slice %arg4[%mul3A_37, %dma_wait3A_40] : memref<819200x128xf32, #tpu.memory_space<hbm>> -> memref<128x128xf32, #tpu.memory_space<hbm>>
    tpu.wait_dma2 semaphore(%arg21 : memref<!tpu.dma_semaphore, #tpu.memory_space<semaphore_mem>>) src(%arg9 : memref<128x128xf32, #tpu.memory_space<vmem>>) dst(%dma_wait3A_41 : memref<128x128xf32, #tpu.memory_space<hbm>>)
    %parallel_loop3A = arith.constant 0 : i32
    %parallel_loop3A_42 = arith.constant 128 : i32
    %parallel_loop3A_43 = arith.constant 1 : i32
    scf.for %parallel_loop3A_102 = %parallel_loop3A to %parallel_loop3A_42 step %parallel_loop3A_43  : i32 {
      %parallel_loop3A_103 = arith.index_cast %parallel_loop3A_102 : i32 to index
      %parallel_loop3A_104 = arith.constant 0 : index
      %parallel_loop3A_105 = tpu.vector_load %arg6[%parallel_loop3A_103, %parallel_loop3A_104] {strides = array<i32>} : memref<128x128xf32, #tpu.memory_space<vmem>>, vector<1x16xf32>,
      %parallel_loop3A_106 = vector.shape_cast %parallel_loop3A_105 : vector<1x16xf32> to vector<16xf32>
      %parallel_loop3A_107 = arith.constant 11.3137083 : f32
      %parallel_loop3A_108 = vector.broadcast %parallel_loop3A_107 : f32 to vector<16xf32>
      %parallel_loop3A_109 = arith.mulf %parallel_loop3A_106, %parallel_loop3A_108 : vector<16xf32>
      %parallel_loop3A_110 = arith.index_cast %parallel_loop3A_102 : i32 to index
      %parallel_loop3A_111 = arith.constant 0 : index
      %parallel_loop3A_112 = tpu.vector_load %arg6[%parallel_loop3A_110, %parallel_loop3A_111] {strides = array<i32>} : memref<128x128xf32, #tpu.memory_space<vmem>>, vector<1x16xf32>,
      %parallel_loop3A_113 = vector.shape_cast %parallel_loop3A_112 : vector<1x16xf32> to vector<16xf32>
      %parallel_loop3A_114 = vector.shape_cast %parallel_loop3A_109 : vector<16xf32> to vector<1x16xf32>
      tpu.vector_store %arg6[%parallel_loop3A_110, %parallel_loop3A_111], %parallel_loop3A_114 {strides = array<i32>} : memref<128x128xf32, #tpu.memory_space<vmem>>, vector<1x16xf32>,
      %parallel_loop3A_115 = arith.index_cast %parallel_loop3A_102 : i32 to index
      %parallel_loop3A_116 = arith.constant 16 : index
      %parallel_loop3A_117 = tpu.vector_load %arg6[%parallel_loop3A_115, %parallel_loop3A_116] {strides = array<i32>} : memref<128x128xf32, #tpu.memory_space<vmem>>, vector<1x16xf32>,
      %parallel_loop3A_118 = vector.shape_cast %parallel_loop3A_117 : vector<1x16xf32> to vector<16xf32>
      %parallel_loop3A_119 = arith.constant 11.3137083 : f32
      %parallel_loop3A_120 = vector.broadcast %parallel_loop3A_119 : f32 to vector<16xf32>
      %parallel_loop3A_121 = arith.mulf %parallel_loop3A_118, %parallel_loop3A_120 : vector<16xf32>
      %parallel_loop3A_122 = arith.index_cast %parallel_loop3A_102 : i32 to index
      %parallel_loop3A_123 = arith.constant 16 : index
      %parallel_loop3A_124 = tpu.vector_load %arg6[%parallel_loop3A_122, %parallel_loop3A_123] {strides = array<i32>} : memref<128x128xf32, #tpu.memory_space<vmem>>, vector<1x16xf32>,
      %parallel_loop3A_125 = vector.shape_cast %parallel_loop3A_124 : vector<1x16xf32> to vector<16xf32>
      %parallel_loop3A_126 = vector.shape_cast %parallel_loop3A_121 : vector<16xf32> to vector<1x16xf32>
      tpu.vector_store %arg6[%parallel_loop3A_122, %parallel_loop3A_123], %parallel_loop3A_126 {strides = array<i32>} : memref<128x128xf32, #tpu.memory_space<vmem>>, vector<1x16xf32>,
      %parallel_loop3A_127 = arith.index_cast %parallel_loop3A_102 : i32 to index
      %parallel_loop3A_128 = arith.constant 32 : index
      %parallel_loop3A_129 = tpu.vector_load %arg6[%parallel_loop3A_127, %parallel_loop3A_128] {strides = array<i32>} : memref<128x128xf32, #tpu.memory_space<vmem>>, vector<1x16xf32>,
      %parallel_loop3A_130 = vector.shape_cast %parallel_loop3A_129 : vector<1x16xf32> to vector<16xf32>
      %parallel_loop3A_131 = arith.constant 11.3137083 : f32
      %parallel_loop3A_132 = vector.broadcast %parallel_loop3A_131 : f32 to vector<16xf32>
      %parallel_loop3A_133 = arith.mulf %parallel_loop3A_130, %parallel_loop3A_132 : vector<16xf32>
      %parallel_loop3A_134 = arith.index_cast %parallel_loop3A_102 : i32 to index
      %parallel_loop3A_135 = arith.constant 32 : index
      %parallel_loop3A_136 = tpu.vector_load %arg6[%parallel_loop3A_134, %parallel_loop3A_135] {strides = array<i32>} : memref<128x128xf32, #tpu.memory_space<vmem>>, vector<1x16xf32>,
      %parallel_loop3A_137 = vector.shape_cast %parallel_loop3A_136 : vector<1x16xf32> to vector<16xf32>
      %parallel_loop3A_138 = vector.shape_cast %parallel_loop3A_133 : vector<16xf32> to vector<1x16xf32>
      tpu.vector_store %arg6[%parallel_loop3A_134, %parallel_loop3A_135], %parallel_loop3A_138 {strides = array<i32>} : memref<128x128xf32, #tpu.memory_space<vmem>>, vector<1x16xf32>,
      %parallel_loop3A_139 = arith.index_cast %parallel_loop3A_102 : i32 to index
      %parallel_loop3A_140 = arith.constant 48 : index
      %parallel_loop3A_141 = tpu.vector_load %arg6[%parallel_loop3A_139, %parallel_loop3A_140] {strides = array<i32>} : memref<128x128xf32, #tpu.memory_space<vmem>>, vector<1x16xf32>,
      %parallel_loop3A_142 = vector.shape_cast %parallel_loop3A_141 : vector<1x16xf32> to vector<16xf32>
      %parallel_loop3A_143 = arith.constant 11.3137083 : f32
      %parallel_loop3A_144 = vector.broadcast %parallel_loop3A_143 : f32 to vector<16xf32>
      %parallel_loop3A_145 = arith.mulf %parallel_loop3A_142, %parallel_loop3A_144 : vector<16xf32>
      %parallel_loop3A_146 = arith.index_cast %parallel_loop3A_102 : i32 to index
      %parallel_loop3A_147 = arith.constant 48 : index
      %parallel_loop3A_148 = tpu.vector_load %arg6[%parallel_loop3A_146, %parallel_loop3A_147] {strides = array<i32>} : memref<128x128xf32, #tpu.memory_space<vmem>>, vector<1x16xf32>,
      %parallel_loop3A_149 = vector.shape_cast %parallel_loop3A_148 : vector<1x16xf32> to vector<16xf32>
      %parallel_loop3A_150 = vector.shape_cast %parallel_loop3A_145 : vector<16xf32> to vector<1x16xf32>
      tpu.vector_store %arg6[%parallel_loop3A_146, %parallel_loop3A_147], %parallel_loop3A_150 {strides = array<i32>} : memref<128x128xf32, #tpu.memory_space<vmem>>, vector<1x16xf32>,
      %parallel_loop3A_151 = arith.index_cast %parallel_loop3A_102 : i32 to index
      %parallel_loop3A_152 = arith.constant 64 : index
      %parallel_loop3A_153 = tpu.vector_load %arg6[%parallel_loop3A_151, %parallel_loop3A_152] {strides = array<i32>} : memref<128x128xf32, #tpu.memory_space<vmem>>, vector<1x16xf32>,
      %parallel_loop3A_154 = vector.shape_cast %parallel_loop3A_153 : vector<1x16xf32> to vector<16xf32>
      %parallel_loop3A_155 = arith.constant 11.3137083 : f32
      %parallel_loop3A_156 = vector.broadcast %parallel_loop3A_155 : f32 to vector<16xf32>
      %parallel_loop3A_157 = arith.mulf %parallel_loop3A_154, %parallel_loop3A_156 : vector<16xf32>
      %parallel_loop3A_158 = arith.index_cast %parallel_loop3A_102 : i32 to index
      %parallel_loop3A_159 = arith.constant 64 : index
      %parallel_loop3A_160 = tpu.vector_load %arg6[%parallel_loop3A_158, %parallel_loop3A_159] {strides = array<i32>} : memref<128x128xf32, #tpu.memory_space<vmem>>, vector<1x16xf32>,
      %parallel_loop3A_161 = vector.shape_cast %parallel_loop3A_160 : vector<1x16xf32> to vector<16xf32>
      %parallel_loop3A_162 = vector.shape_cast %parallel_loop3A_157 : vector<16xf32> to vector<1x16xf32>
      tpu.vector_store %arg6[%parallel_loop3A_158, %parallel_loop3A_159], %parallel_loop3A_162 {strides = array<i32>} : memref<128x128xf32, #tpu.memory_space<vmem>>, vector<1x16xf32>,
      %parallel_loop3A_163 = arith.index_cast %parallel_loop3A_102 : i32 to index
      %parallel_loop3A_164 = arith.constant 80 : index
      %parallel_loop3A_165 = tpu.vector_load %arg6[%parallel_loop3A_163, %parallel_loop3A_164] {strides = array<i32>} : memref<128x128xf32, #tpu.memory_space<vmem>>, vector<1x16xf32>,
      %parallel_loop3A_166 = vector.shape_cast %parallel_loop3A_165 : vector<1x16xf32> to vector<16xf32>
      %parallel_loop3A_167 = arith.constant 11.3137083 : f32
      %parallel_loop3A_168 = vector.broadcast %parallel_loop3A_167 : f32 to vector<16xf32>
      %parallel_loop3A_169 = arith.mulf %parallel_loop3A_166, %parallel_loop3A_168 : vector<16xf32>
      %parallel_loop3A_170 = arith.index_cast %parallel_loop3A_102 : i32 to index
      %parallel_loop3A_171 = arith.constant 80 : index
      %parallel_loop3A_172 = tpu.vector_load %arg6[%parallel_loop3A_170, %parallel_loop3A_171] {strides = array<i32>} : memref<128x128xf32, #tpu.memory_space<vmem>>, vector<1x16xf32>,
      %parallel_loop3A_173 = vector.shape_cast %parallel_loop3A_172 : vector<1x16xf32> to vector<16xf32>
      %parallel_loop3A_174 = vector.shape_cast %parallel_loop3A_169 : vector<16xf32> to vector<1x16xf32>
      tpu.vector_store %arg6[%parallel_loop3A_170, %parallel_loop3A_171], %parallel_loop3A_174 {strides = array<i32>} : memref<128x128xf32, #tpu.memory_space<vmem>>, vector<1x16xf32>,
      %parallel_loop3A_175 = arith.index_cast %parallel_loop3A_102 : i32 to index
      %parallel_loop3A_176 = arith.constant 96 : index
      %parallel_loop3A_177 = tpu.vector_load %arg6[%parallel_loop3A_175, %parallel_loop3A_176] {strides = array<i32>} : memref<128x128xf32, #tpu.memory_space<vmem>>, vector<1x16xf32>,
      %parallel_loop3A_178 = vector.shape_cast %parallel_loop3A_177 : vector<1x16xf32> to vector<16xf32>
      %parallel_loop3A_179 = arith.constant 11.3137083 : f32
      %parallel_loop3A_180 = vector.broadcast %parallel_loop3A_179 : f32 to vector<16xf32>
      %parallel_loop3A_181 = arith.mulf %parallel_loop3A_178, %parallel_loop3A_180 : vector<16xf32>
      %parallel_loop3A_182 = arith.index_cast %parallel_loop3A_102 : i32 to index
      %parallel_loop3A_183 = arith.constant 96 : index
      %parallel_loop3A_184 = tpu.vector_load %arg6[%parallel_loop3A_182, %parallel_loop3A_183] {strides = array<i32>} : memref<128x128xf32, #tpu.memory_space<vmem>>, vector<1x16xf32>,
      %parallel_loop3A_185 = vector.shape_cast %parallel_loop3A_184 : vector<1x16xf32> to vector<16xf32>
      %parallel_loop3A_186 = vector.shape_cast %parallel_loop3A_181 : vector<16xf32> to vector<1x16xf32>
      tpu.vector_store %arg6[%parallel_loop3A_182, %parallel_loop3A_183], %parallel_loop3A_186 {strides = array<i32>} : memref<128x128xf32, #tpu.memory_space<vmem>>, vector<1x16xf32>,
      %parallel_loop3A_187 = arith.index_cast %parallel_loop3A_102 : i32 to index
      %parallel_loop3A_188 = arith.constant 112 : index
      %parallel_loop3A_189 = tpu.vector_load %arg6[%parallel_loop3A_187, %parallel_loop3A_188] {strides = array<i32>} : memref<128x128xf32, #tpu.memory_space<vmem>>, vector<1x16xf32>,
      %parallel_loop3A_190 = vector.shape_cast %parallel_loop3A_189 : vector<1x16xf32> to vector<16xf32>
      %parallel_loop3A_191 = arith.constant 11.3137083 : f32
      %parallel_loop3A_192 = vector.broadcast %parallel_loop3A_191 : f32 to vector<16xf32>
      %parallel_loop3A_193 = arith.mulf %parallel_loop3A_190, %parallel_loop3A_192 : vector<16xf32>
      %parallel_loop3A_194 = arith.index_cast %parallel_loop3A_102 : i32 to index
      %parallel_loop3A_195 = arith.constant 112 : index
      %parallel_loop3A_196 = tpu.vector_load %arg6[%parallel_loop3A_194, %parallel_loop3A_195] {strides = array<i32>} : memref<128x128xf32, #tpu.memory_space<vmem>>, vector<1x16xf32>,
      %parallel_loop3A_197 = vector.shape_cast %parallel_loop3A_196 : vector<1x16xf32> to vector<16xf32>
      %parallel_loop3A_198 = vector.shape_cast %parallel_loop3A_193 : vector<16xf32> to vector<1x16xf32>
      tpu.vector_store %arg6[%parallel_loop3A_194, %parallel_loop3A_195], %parallel_loop3A_198 {strides = array<i32>} : memref<128x128xf32, #tpu.memory_space<vmem>>, vector<1x16xf32>,
    } {sc.loop_unroll_factor = 4 : i64, sc.parallel_access}
    %add3A_44 = arith.constant 198 : i32
    %add3A_45 = arith.addi %mul3A_2, %add3A_44 : i32
    %mul3A_46 = arith.constant 128 : i32
    %mul3A_47 = arith.muli %add3A_45, %mul3A_46 : i32
    %dma_start3A_48 = arith.constant 0 : i32
    %dma_start3A_49 = tpu.memref_slice %arg4[%mul3A_47, %dma_start3A_48] : memref<819200x128xf32, #tpu.memory_space<hbm>> -> memref<128x128xf32, #tpu.memory_space<hbm>>
    %dma_start3A_50 = arith.constant 0 : i32
    %dma_start3A_51 = tpu.memref_slice %arg4[%mul3A_47, %dma_start3A_50] : memref<819200x128xf32, #tpu.memory_space<hbm>> -> memref<128x128xf32, #tpu.memory_space<hbm>>
    tpu.enqueue_dma source(%arg6 : memref<128x128xf32, #tpu.memory_space<vmem>>) target(%dma_start3A_51 : memref<128x128xf32, #tpu.memory_space<hbm>>) target_semaphore(%arg18 : memref<!tpu.dma_semaphore, #tpu.memory_space<semaphore_mem>>)
    %dma_wait3A_52 = arith.constant 199 : i32
    %dma_wait3A_53 = arith.constant 0 : i32
    %dma_wait3A_54 = tpu.memref_slice %arg5[%dma_wait3A_52, %dma_wait3A_53] : memref<200x128xi32, #tpu.memory_space<vmem>> -> memref<1x128xi32, #tpu.memory_space<vmem>>
    %dma_wait3A_55 = tpu.memref_squeeze %dma_wait3A_54 : memref<1x128xi32, #tpu.memory_space<vmem>> -> memref<128xi32, #tpu.memory_space<vmem>>
    %dma_wait3A_56 = arith.constant 0 : i32
    %dma_wait3A_57 = arith.constant 0 : i32
    %dma_wait3A_58 = tpu.memref_slice %arg2[%dma_wait3A_56, %dma_wait3A_57] : memref<100000x128xf32, #tpu.memory_space<hbm>> -> memref<100000x128xf32, #tpu.memory_space<hbm>>
    tpu.wait_indirect_dma semaphore(%arg13 : memref<!tpu.dma_semaphore, #tpu.memory_space<semaphore_mem>>) src(%dma_wait3A_58 : memref<100000x128xf32, #tpu.memory_space<hbm>>) dst(%arg7 : memref<128x128xf32, #tpu.memory_space<vmem>>)
    %add3A_59 = arith.constant 196 : i32
    %add3A_60 = arith.addi %mul3A_2, %add3A_59 : i32
    %mul3A_61 = arith.constant 128 : i32
    %mul3A_62 = arith.muli %add3A_60, %mul3A_61 : i32
    %dma_wait3A_63 = arith.constant 0 : i32
    %dma_wait3A_64 = tpu.memref_slice %arg4[%mul3A_62, %dma_wait3A_63] : memref<819200x128xf32, #tpu.memory_space<hbm>> -> memref<128x128xf32, #tpu.memory_space<hbm>>
    %dma_wait3A_65 = arith.constant 0 : i32
    %dma_wait3A_66 = tpu.memref_slice %arg4[%mul3A_62, %dma_wait3A_65] : memref<819200x128xf32, #tpu.memory_space<hbm>> -> memref<128x128xf32, #tpu.memory_space<hbm>>
    tpu.wait_dma2 semaphore(%arg22 : memref<!tpu.dma_semaphore, #tpu.memory_space<semaphore_mem>>) src(%arg10 : memref<128x128xf32, #tpu.memory_space<vmem>>) dst(%dma_wait3A_66 : memref<128x128xf32, #tpu.memory_space<hbm>>)
    %parallel_loop3A_67 = arith.constant 0 : i32
    %parallel_loop3A_68 = arith.constant 128 : i32
    %parallel_loop3A_69 = arith.constant 1 : i32
    scf.for %parallel_loop3A_102 = %parallel_loop3A_67 to %parallel_loop3A_68 step %parallel_loop3A_69  : i32 {
      %parallel_loop3A_103 = arith.index_cast %parallel_loop3A_102 : i32 to index
      %parallel_loop3A_104 = arith.constant 0 : index
      %parallel_loop3A_105 = tpu.vector_load %arg7[%parallel_loop3A_103, %parallel_loop3A_104] {strides = array<i32>} : memref<128x128xf32, #tpu.memory_space<vmem>>, vector<1x16xf32>,
      %parallel_loop3A_106 = vector.shape_cast %parallel_loop3A_105 : vector<1x16xf32> to vector<16xf32>
      %parallel_loop3A_107 = arith.constant 11.3137083 : f32
      %parallel_loop3A_108 = vector.broadcast %parallel_loop3A_107 : f32 to vector<16xf32>
      %parallel_loop3A_109 = arith.mulf %parallel_loop3A_106, %parallel_loop3A_108 : vector<16xf32>
      %parallel_loop3A_110 = arith.index_cast %parallel_loop3A_102 : i32 to index
      %parallel_loop3A_111 = arith.constant 0 : index
      %parallel_loop3A_112 = tpu.vector_load %arg7[%parallel_loop3A_110, %parallel_loop3A_111] {strides = array<i32>} : memref<128x128xf32, #tpu.memory_space<vmem>>, vector<1x16xf32>,
      %parallel_loop3A_113 = vector.shape_cast %parallel_loop3A_112 : vector<1x16xf32> to vector<16xf32>
      %parallel_loop3A_114 = vector.shape_cast %parallel_loop3A_109 : vector<16xf32> to vector<1x16xf32>
      tpu.vector_store %arg7[%parallel_loop3A_110, %parallel_loop3A_111], %parallel_loop3A_114 {strides = array<i32>} : memref<128x128xf32, #tpu.memory_space<vmem>>, vector<1x16xf32>,
      %parallel_loop3A_115 = arith.index_cast %parallel_loop3A_102 : i32 to index
      %parallel_loop3A_116 = arith.constant 16 : index
      %parallel_loop3A_117 = tpu.vector_load %arg7[%parallel_loop3A_115, %parallel_loop3A_116] {strides = array<i32>} : memref<128x128xf32, #tpu.memory_space<vmem>>, vector<1x16xf32>,
      %parallel_loop3A_118 = vector.shape_cast %parallel_loop3A_117 : vector<1x16xf32> to vector<16xf32>
      %parallel_loop3A_119 = arith.constant 11.3137083 : f32
      %parallel_loop3A_120 = vector.broadcast %parallel_loop3A_119 : f32 to vector<16xf32>
      %parallel_loop3A_121 = arith.mulf %parallel_loop3A_118, %parallel_loop3A_120 : vector<16xf32>
      %parallel_loop3A_122 = arith.index_cast %parallel_loop3A_102 : i32 to index
      %parallel_loop3A_123 = arith.constant 16 : index
      %parallel_loop3A_124 = tpu.vector_load %arg7[%parallel_loop3A_122, %parallel_loop3A_123] {strides = array<i32>} : memref<128x128xf32, #tpu.memory_space<vmem>>, vector<1x16xf32>,
      %parallel_loop3A_125 = vector.shape_cast %parallel_loop3A_124 : vector<1x16xf32> to vector<16xf32>
      %parallel_loop3A_126 = vector.shape_cast %parallel_loop3A_121 : vector<16xf32> to vector<1x16xf32>
      tpu.vector_store %arg7[%parallel_loop3A_122, %parallel_loop3A_123], %parallel_loop3A_126 {strides = array<i32>} : memref<128x128xf32, #tpu.memory_space<vmem>>, vector<1x16xf32>,
      %parallel_loop3A_127 = arith.index_cast %parallel_loop3A_102 : i32 to index
      %parallel_loop3A_128 = arith.constant 32 : index
      %parallel_loop3A_129 = tpu.vector_load %arg7[%parallel_loop3A_127, %parallel_loop3A_128] {strides = array<i32>} : memref<128x128xf32, #tpu.memory_space<vmem>>, vector<1x16xf32>,
      %parallel_loop3A_130 = vector.shape_cast %parallel_loop3A_129 : vector<1x16xf32> to vector<16xf32>
      %parallel_loop3A_131 = arith.constant 11.3137083 : f32
      %parallel_loop3A_132 = vector.broadcast %parallel_loop3A_131 : f32 to vector<16xf32>
      %parallel_loop3A_133 = arith.mulf %parallel_loop3A_130, %parallel_loop3A_132 : vector<16xf32>
      %parallel_loop3A_134 = arith.index_cast %parallel_loop3A_102 : i32 to index
      %parallel_loop3A_135 = arith.constant 32 : index
      %parallel_loop3A_136 = tpu.vector_load %arg7[%parallel_loop3A_134, %parallel_loop3A_135] {strides = array<i32>} : memref<128x128xf32, #tpu.memory_space<vmem>>, vector<1x16xf32>,
      %parallel_loop3A_137 = vector.shape_cast %parallel_loop3A_136 : vector<1x16xf32> to vector<16xf32>
      %parallel_loop3A_138 = vector.shape_cast %parallel_loop3A_133 : vector<16xf32> to vector<1x16xf32>
      tpu.vector_store %arg7[%parallel_loop3A_134, %parallel_loop3A_135], %parallel_loop3A_138 {strides = array<i32>} : memref<128x128xf32, #tpu.memory_space<vmem>>, vector<1x16xf32>,
      %parallel_loop3A_139 = arith.index_cast %parallel_loop3A_102 : i32 to index
      %parallel_loop3A_140 = arith.constant 48 : index
      %parallel_loop3A_141 = tpu.vector_load %arg7[%parallel_loop3A_139, %parallel_loop3A_140] {strides = array<i32>} : memref<128x128xf32, #tpu.memory_space<vmem>>, vector<1x16xf32>,
      %parallel_loop3A_142 = vector.shape_cast %parallel_loop3A_141 : vector<1x16xf32> to vector<16xf32>
      %parallel_loop3A_143 = arith.constant 11.3137083 : f32
      %parallel_loop3A_144 = vector.broadcast %parallel_loop3A_143 : f32 to vector<16xf32>
      %parallel_loop3A_145 = arith.mulf %parallel_loop3A_142, %parallel_loop3A_144 : vector<16xf32>
      %parallel_loop3A_146 = arith.index_cast %parallel_loop3A_102 : i32 to index
      %parallel_loop3A_147 = arith.constant 48 : index
      %parallel_loop3A_148 = tpu.vector_load %arg7[%parallel_loop3A_146, %parallel_loop3A_147] {strides = array<i32>} : memref<128x128xf32, #tpu.memory_space<vmem>>, vector<1x16xf32>,
      %parallel_loop3A_149 = vector.shape_cast %parallel_loop3A_148 : vector<1x16xf32> to vector<16xf32>
      %parallel_loop3A_150 = vector.shape_cast %parallel_loop3A_145 : vector<16xf32> to vector<1x16xf32>
      tpu.vector_store %arg7[%parallel_loop3A_146, %parallel_loop3A_147], %parallel_loop3A_150 {strides = array<i32>} : memref<128x128xf32, #tpu.memory_space<vmem>>, vector<1x16xf32>,
      %parallel_loop3A_151 = arith.index_cast %parallel_loop3A_102 : i32 to index
      %parallel_loop3A_152 = arith.constant 64 : index
      %parallel_loop3A_153 = tpu.vector_load %arg7[%parallel_loop3A_151, %parallel_loop3A_152] {strides = array<i32>} : memref<128x128xf32, #tpu.memory_space<vmem>>, vector<1x16xf32>,
      %parallel_loop3A_154 = vector.shape_cast %parallel_loop3A_153 : vector<1x16xf32> to vector<16xf32>
      %parallel_loop3A_155 = arith.constant 11.3137083 : f32
      %parallel_loop3A_156 = vector.broadcast %parallel_loop3A_155 : f32 to vector<16xf32>
      %parallel_loop3A_157 = arith.mulf %parallel_loop3A_154, %parallel_loop3A_156 : vector<16xf32>
      %parallel_loop3A_158 = arith.index_cast %parallel_loop3A_102 : i32 to index
      %parallel_loop3A_159 = arith.constant 64 : index
      %parallel_loop3A_160 = tpu.vector_load %arg7[%parallel_loop3A_158, %parallel_loop3A_159] {strides = array<i32>} : memref<128x128xf32, #tpu.memory_space<vmem>>, vector<1x16xf32>,
      %parallel_loop3A_161 = vector.shape_cast %parallel_loop3A_160 : vector<1x16xf32> to vector<16xf32>
      %parallel_loop3A_162 = vector.shape_cast %parallel_loop3A_157 : vector<16xf32> to vector<1x16xf32>
      tpu.vector_store %arg7[%parallel_loop3A_158, %parallel_loop3A_159], %parallel_loop3A_162 {strides = array<i32>} : memref<128x128xf32, #tpu.memory_space<vmem>>, vector<1x16xf32>,
      %parallel_loop3A_163 = arith.index_cast %parallel_loop3A_102 : i32 to index
      %parallel_loop3A_164 = arith.constant 80 : index
      %parallel_loop3A_165 = tpu.vector_load %arg7[%parallel_loop3A_163, %parallel_loop3A_164] {strides = array<i32>} : memref<128x128xf32, #tpu.memory_space<vmem>>, vector<1x16xf32>,
      %parallel_loop3A_166 = vector.shape_cast %parallel_loop3A_165 : vector<1x16xf32> to vector<16xf32>
      %parallel_loop3A_167 = arith.constant 11.3137083 : f32
      %parallel_loop3A_168 = vector.broadcast %parallel_loop3A_167 : f32 to vector<16xf32>
      %parallel_loop3A_169 = arith.mulf %parallel_loop3A_166, %parallel_loop3A_168 : vector<16xf32>
      %parallel_loop3A_170 = arith.index_cast %parallel_loop3A_102 : i32 to index
      %parallel_loop3A_171 = arith.constant 80 : index
      %parallel_loop3A_172 = tpu.vector_load %arg7[%parallel_loop3A_170, %parallel_loop3A_171] {strides = array<i32>} : memref<128x128xf32, #tpu.memory_space<vmem>>, vector<1x16xf32>,
      %parallel_loop3A_173 = vector.shape_cast %parallel_loop3A_172 : vector<1x16xf32> to vector<16xf32>
      %parallel_loop3A_174 = vector.shape_cast %parallel_loop3A_169 : vector<16xf32> to vector<1x16xf32>
      tpu.vector_store %arg7[%parallel_loop3A_170, %parallel_loop3A_171], %parallel_loop3A_174 {strides = array<i32>} : memref<128x128xf32, #tpu.memory_space<vmem>>, vector<1x16xf32>,
      %parallel_loop3A_175 = arith.index_cast %parallel_loop3A_102 : i32 to index
      %parallel_loop3A_176 = arith.constant 96 : index
      %parallel_loop3A_177 = tpu.vector_load %arg7[%parallel_loop3A_175, %parallel_loop3A_176] {strides = array<i32>} : memref<128x128xf32, #tpu.memory_space<vmem>>, vector<1x16xf32>,
      %parallel_loop3A_178 = vector.shape_cast %parallel_loop3A_177 : vector<1x16xf32> to vector<16xf32>
      %parallel_loop3A_179 = arith.constant 11.3137083 : f32
      %parallel_loop3A_180 = vector.broadcast %parallel_loop3A_179 : f32 to vector<16xf32>
      %parallel_loop3A_181 = arith.mulf %parallel_loop3A_178, %parallel_loop3A_180 : vector<16xf32>
      %parallel_loop3A_182 = arith.index_cast %parallel_loop3A_102 : i32 to index
      %parallel_loop3A_183 = arith.constant 96 : index
      %parallel_loop3A_184 = tpu.vector_load %arg7[%parallel_loop3A_182, %parallel_loop3A_183] {strides = array<i32>} : memref<128x128xf32, #tpu.memory_space<vmem>>, vector<1x16xf32>,
      %parallel_loop3A_185 = vector.shape_cast %parallel_loop3A_184 : vector<1x16xf32> to vector<16xf32>
      %parallel_loop3A_186 = vector.shape_cast %parallel_loop3A_181 : vector<16xf32> to vector<1x16xf32>
      tpu.vector_store %arg7[%parallel_loop3A_182, %parallel_loop3A_183], %parallel_loop3A_186 {strides = array<i32>} : memref<128x128xf32, #tpu.memory_space<vmem>>, vector<1x16xf32>,
      %parallel_loop3A_187 = arith.index_cast %parallel_loop3A_102 : i32 to index
      %parallel_loop3A_188 = arith.constant 112 : index
      %parallel_loop3A_189 = tpu.vector_load %arg7[%parallel_loop3A_187, %parallel_loop3A_188] {strides = array<i32>} : memref<128x128xf32, #tpu.memory_space<vmem>>, vector<1x16xf32>,
      %parallel_loop3A_190 = vector.shape_cast %parallel_loop3A_189 : vector<1x16xf32> to vector<16xf32>
      %parallel_loop3A_191 = arith.constant 11.3137083 : f32
      %parallel_loop3A_192 = vector.broadcast %parallel_loop3A_191 : f32 to vector<16xf32>
      %parallel_loop3A_193 = arith.mulf %parallel_loop3A_190, %parallel_loop3A_192 : vector<16xf32>
      %parallel_loop3A_194 = arith.index_cast %parallel_loop3A_102 : i32 to index
      %parallel_loop3A_195 = arith.constant 112 : index
      %parallel_loop3A_196 = tpu.vector_load %arg7[%parallel_loop3A_194, %parallel_loop3A_195] {strides = array<i32>} : memref<128x128xf32, #tpu.memory_space<vmem>>, vector<1x16xf32>,
      %parallel_loop3A_197 = vector.shape_cast %parallel_loop3A_196 : vector<1x16xf32> to vector<16xf32>
      %parallel_loop3A_198 = vector.shape_cast %parallel_loop3A_193 : vector<16xf32> to vector<1x16xf32>
      tpu.vector_store %arg7[%parallel_loop3A_194, %parallel_loop3A_195], %parallel_loop3A_198 {strides = array<i32>} : memref<128x128xf32, #tpu.memory_space<vmem>>, vector<1x16xf32>,
    } {sc.loop_unroll_factor = 4 : i64, sc.parallel_access}
    %add3A_70 = arith.constant 199 : i32
    %add3A_71 = arith.addi %mul3A_2, %add3A_70 : i32
    %mul3A_72 = arith.constant 128 : i32
    %mul3A_73 = arith.muli %add3A_71, %mul3A_72 : i32
    %dma_start3A_74 = arith.constant 0 : i32
    %dma_start3A_75 = tpu.memref_slice %arg4[%mul3A_73, %dma_start3A_74] : memref<819200x128xf32, #tpu.memory_space<hbm>> -> memref<128x128xf32, #tpu.memory_space<hbm>>
    %dma_start3A_76 = arith.constant 0 : i32
    %dma_start3A_77 = tpu.memref_slice %arg4[%mul3A_73, %dma_start3A_76] : memref<819200x128xf32, #tpu.memory_space<hbm>> -> memref<128x128xf32, #tpu.memory_space<hbm>>
    tpu.enqueue_dma source(%arg7 : memref<128x128xf32, #tpu.memory_space<vmem>>) target(%dma_start3A_77 : memref<128x128xf32, #tpu.memory_space<hbm>>) target_semaphore(%arg19 : memref<!tpu.dma_semaphore, #tpu.memory_space<semaphore_mem>>)
    %add3A_78 = arith.constant 197 : i32
    %add3A_79 = arith.addi %mul3A_2, %add3A_78 : i32
    %mul3A_80 = arith.constant 128 : i32
    %mul3A_81 = arith.muli %add3A_79, %mul3A_80 : i32
    %dma_wait3A_82 = arith.constant 0 : i32
    %dma_wait3A_83 = tpu.memref_slice %arg4[%mul3A_81, %dma_wait3A_82] : memref<819200x128xf32, #tpu.memory_space<hbm>> -> memref<128x128xf32, #tpu.memory_space<hbm>>
    %dma_wait3A_84 = arith.constant 0 : i32
    %dma_wait3A_85 = tpu.memref_slice %arg4[%mul3A_81, %dma_wait3A_84] : memref<819200x128xf32, #tpu.memory_space<hbm>> -> memref<128x128xf32, #tpu.memory_space<hbm>>
    tpu.wait_dma2 semaphore(%arg23 : memref<!tpu.dma_semaphore, #tpu.memory_space<semaphore_mem>>) src(%arg11 : memref<128x128xf32, #tpu.memory_space<vmem>>) dst(%dma_wait3A_85 : memref<128x128xf32, #tpu.memory_space<hbm>>)
    %add3A_86 = arith.constant 198 : i32
    %add3A_87 = arith.addi %mul3A_2, %add3A_86 : i32
    %mul3A_88 = arith.constant 128 : i32
    %mul3A_89 = arith.muli %add3A_87, %mul3A_88 : i32
    %dma_wait3A_90 = arith.constant 0 : i32
    %dma_wait3A_91 = tpu.memref_slice %arg4[%mul3A_89, %dma_wait3A_90] : memref<819200x128xf32, #tpu.memory_space<hbm>> -> memref<128x128xf32, #tpu.memory_space<hbm>>
    %dma_wait3A_92 = arith.constant 0 : i32
    %dma_wait3A_93 = tpu.memref_slice %arg4[%mul3A_89, %dma_wait3A_92] : memref<819200x128xf32, #tpu.memory_space<hbm>> -> memref<128x128xf32, #tpu.memory_space<hbm>>
    tpu.wait_dma2 semaphore(%arg18 : memref<!tpu.dma_semaphore, #tpu.memory_space<semaphore_mem>>) src(%arg6 : memref<128x128xf32, #tpu.memory_space<vmem>>) dst(%dma_wait3A_93 : memref<128x128xf32, #tpu.memory_space<hbm>>)
    %add3A_94 = arith.constant 199 : i32
    %add3A_95 = arith.addi %mul3A_2, %add3A_94 : i32
    %mul3A_96 = arith.constant 128 : i32
    %mul3A_97 = arith.muli %add3A_95, %mul3A_96 : i32
    %dma_wait3A_98 = arith.constant 0 : i32
    %dma_wait3A_99 = tpu.memref_slice %arg4[%mul3A_97, %dma_wait3A_98] : memref<819200x128xf32, #tpu.memory_space<hbm>> -> memref<128x128xf32, #tpu.memory_space<hbm>>
    %dma_wait3A_100 = arith.constant 0 : i32
    %dma_wait3A_101 = tpu.memref_slice %arg4[%mul3A_97, %dma_wait3A_100] : memref<819200x128xf32, #tpu.memory_space<hbm>> -> memref<128x128xf32, #tpu.memory_space<hbm>>
    tpu.wait_dma2 semaphore(%arg19 : memref<!tpu.dma_semaphore, #tpu.memory_space<semaphore_mem>>) src(%arg7 : memref<128x128xf32, #tpu.memory_space<vmem>>) dst(%dma_wait3A_101 : memref<128x128xf32, #tpu.memory_space<hbm>>)
    return
  }
}

</mosaic_0001>

<sc_bundles>
// kernel: kernel.3.cloned.1.call-start
scs
__scs_entry_jumppad:
0x0: {  	(pc) =	sbr.rel $0x88, $3  }
0x1: {  	(tag) =	ssettag $0x0;
	lr =	simm.s32 $0x1  }
0x2: {  	[smem:$0x3F9F] =	sst lr;
	_ =	strace $0xD0000000  }
0x3: {  	_ = 	snop  }
0x4: {  	_ = 	snop  }
0x5: {  	_ = 	snop  }
0x6: {  	_ = 	snop  }
0x7: {  	_ = 	snop  }
__scs_overlays_trampoline_lowered:
0x8: {  	[smem:$0x3FAE] =	sst s0  }
0x9: {  	[smem:$0x3FAF] =	sst s1  }
0xa: {  	[smem:$0x3FB0] =	sst s2  }
0xb: {  	[smem:$0x3FB1] =	sst s3  }
0xc: {  	[smem:$0x3FB2] =	sst s4  }
0xd: {  	[smem:$0x3FB3] =	sst s5  }
0xe: {  	[smem:$0x3FB4] =	sst s6  }
0xf: {  	[smem:$0x3FB5] =	sst s7  }
0x10: {  	[smem:$0x3FB6] =	sst s8  }
0x11: {  	[smem:$0x3FB7] =	sst s9;
	s0 =	simm.s32 @!p0 $0x0  }
0x12: {  	s1 =	sld [smem:$0x3F9D];
	s0 =	simm.s32 @p0 $0x1  }
0x13: {  	[smem:$0x3FB8] =	sst s0;
	s0 =	simm.s32 @!p1 $0x0  }
0x14: {  	s2 =	sld [smem:$0x3F9C];
	s0 =	simm.s32 @p1 $0x1  }
0x15: {  	[smem:$0x3FB9] =	sst s0;
	s0 =	simm.s32 @!p2 $0x0  }
0x16: {  	s3 =	sld [smem:$0x3FDB];
	s0 =	simm.s32 @p2 $0x1  }
0x17: {  	s4 =	simm.s32 $0x1BF5;
	[smem:$0x3FBB] =	sst s0  }
0x18: {  	s0 =	sld [smem:$0x3F9E];
	_ =	swait.ge [sflag:s4], $0x0  }
0x19: {  	s7 =	sld [smem:$0x3F9F]  }
0x1a: {  	s8 =	sadd.s32 $0xFFFFE003, lr  }
0x1b: {  	s9 =	sadd.s32 $0xFFFFFEF7, lr;
	s5 =	simm.s32 $0xFFFFFFFF;
	p2 =	slt.u32 s8, $0xFFFFF086  }
0x1c: {  	p1 =	slt.u32 s9, $0xF7A;
	s5 =	simm.s32 @!p2 $0x0  }
0x1d: {  	s5 =	simm.s32 @p1 $0x1;
	p0 =	seq.s32 s7, s2  }
0x1e: {  	s7 =	smul.u32 @!p0 $0xF7A, s2;
	p2 =	seq.s32 @!p0 s5, $0x0  }
0x1f: {  	s9 =	smul.u32 $0xF7A, s1;
	s8 =	simm.s32 @!p0 $0x1BF5;
	p2 =	por !p2, p0  }
0x20: {  	[sflag:s8] =	ssyncset.s32 @!p0 $0xFFFFF086;
	s6 =	sadd.s32 @!p0 s3, s7;
	s7 =	simm.s32 @!p0 $0x108  }
0x21: {  	s3 =	sadd.s32 s3, s9;
	s6 =	sadd.s32 @!p0 $0x88, s6;
	s7 =	simm.s32 @p2 $0x1082  }
0x22: {  	[simem:s7], [sflag:s8] =	dma.local @!p0 [hbm:s6], $0xF7A  }
0x23: {  	s9 =	sor.u32 $0xD0000000, s2;
	s6 =	simm.s32 $0x108;
	_ =	swait.ge @!p0 [sflag:s8], $0x0  }
0x24: {  	s3 =	sadd.s32 $0x88, s3;
	s6 =	simm.s32 @!p1 $0x1082;
	[sflag:s4] =	ssyncset.s32 $0xFFFFF086  }
0x25: {  	[simem:s6], [sflag:s4] =	dma.local [hbm:s3], $0xF7A  }
0x26: {  	[smem:$0x3F9F] =	sst s1;
	(tag) =	ssettag s2;
	_ =	strace s9  }
0x27: {  	s1 =	sld [smem:$0x3FAF]  }
0x28: {  	s2 =	sld [smem:$0x3FB0]  }
0x29: {  	s4 =	sld [smem:$0x3FB2]  }
0x2a: {  	p0 =	seq.s32 s5, $0x0;
	s5 =	sld [smem:$0x3FB3]  }
0x2b: {  	s6 =	sld [smem:$0x3FB4]  }
0x2c: {  	s7 =	sld [smem:$0x3FB5]  }
0x2d: {  	s3 =	simm.s32 $0x108;
	s8 =	sld [smem:$0x3FB6]  }
0x2e: {  	s3 =	simm.s32 @!p0 $0x1082;
	s9 =	sld [smem:$0x3FB7]  }
0x2f: {  	lr =	sadd.s32 s0, s3;
	s0 =	sld [smem:$0x3FAE]  }
0x30: {  	s3 =	sld [smem:$0x3FB1]  }
0x31: {  	[smem:$0x3FBA] =	sst s10  }
0x32: {  	s10 =	sld [smem:$0x3FB8];
	_ =	sdelay $0x3  }
0x33: {  	p0 =	seq.s32 s10, $0x1;
	s10 =	sld [smem:$0x3FBA];
	_ =	sdelay $0x3  }
0x34: {  	[smem:$0x3FBA] =	sst s10  }
0x35: {  	s10 =	sld [smem:$0x3FB9];
	_ =	sdelay $0x3  }
0x36: {  	p1 =	seq.s32 s10, $0x1;
	s10 =	sld [smem:$0x3FBA];
	_ =	sdelay $0x3  }
0x37: {  	[smem:$0x3FBA] =	sst s10  }
0x38: {  	s10 =	sld [smem:$0x3FBB]  }
0x39: {  	_ = 	snop;
	(pc) =	sbr.ind lr, $3  }
0x3a: {  	_ = 	snop  }
0x3b: {  	_ = 	snop  }
0x3c: {  	p2 =	seq.s32 s10, $0x1;
	s10 =	sld [smem:$0x3FBA]  }
0x3d: {  	_ =	shalt  }
0x3e: {  	_ =	shalt  }
0x3f: {  	_ =	shalt  }
0x40: {  	_ =	shalt  }
0x41: {  	_ =	shalt  }
0x42: {  	_ =	shalt  }
0x43: {  	_ =	shalt  }
0x44: {  	_ =	shalt  }
0x45: {  	_ =	shalt  }
0x46: {  	_ =	shalt  }
0x47: {  	_ =	shalt  }
0x48: {  	_ =	shalt  }
0x49: {  	_ =	shalt  }
0x4a: {  	_ =	shalt  }
0x4b: {  	_ =	shalt  }
0x4c: {  	_ =	shalt  }
0x4d: {  	_ =	shalt  }
0x4e: {  	_ =	shalt  }
0x4f: {  	_ =	shalt  }
0x50: {  	_ =	shalt  }
0x51: {  	_ =	shalt  }
0x52: {  	_ =	shalt  }
0x53: {  	_ =	shalt  }
0x54: {  	_ =	shalt  }
0x55: {  	_ =	shalt  }
0x56: {  	_ =	shalt  }
0x57: {  	_ =	shalt  }
0x58: {  	_ =	shalt  }
0x59: {  	_ =	shalt  }
0x5a: {  	_ =	shalt  }
0x5b: {  	_ =	shalt  }
0x5c: {  	_ =	shalt  }
0x5d: {  	_ =	shalt  }
0x5e: {  	_ =	shalt  }
0x5f: {  	_ =	shalt  }
0x60: {  	_ =	shalt  }
0x61: {  	_ =	shalt  }
0x62: {  	_ =	shalt  }
0x63: {  	_ =	shalt  }
0x64: {  	_ =	shalt  }
0x65: {  	_ =	shalt  }
0x66: {  	_ =	shalt  }
0x67: {  	_ =	shalt  }
0x68: {  	_ =	shalt  }
0x69: {  	_ =	shalt  }
0x6a: {  	_ =	shalt  }
0x6b: {  	_ =	shalt  }
0x6c: {  	_ =	shalt  }
0x6d: {  	_ =	shalt  }
0x6e: {  	_ =	shalt  }
0x6f: {  	_ =	shalt  }
0x70: {  	_ =	shalt  }
0x71: {  	_ =	shalt  }
0x72: {  	_ =	shalt  }
0x73: {  	_ =	shalt  }
0x74: {  	_ =	shalt  }
0x75: {  	_ =	shalt  }
0x76: {  	_ =	shalt  }
0x77: {  	_ =	shalt  }
0x78: {  	_ =	shalt  }
0x79: {  	_ =	shalt  }
0x7a: {  	_ =	shalt  }
0x7b: {  	_ =	shalt  }
0x7c: {  	_ =	shalt  }
0x7d: {  	_ =	shalt  }
0x7e: {  	_ =	shalt  }
0x7f: {  	_ =	shalt  }
0x80: {  	_ =	shalt  }
0x81: {  	_ =	shalt  }
0x82: {  	_ =	shalt  }
0x83: {  	_ =	shalt  }
0x84: {  	_ =	shalt  }
0x85: {  	_ =	shalt  }
0x86: {  	_ =	shalt  }
0x87: {  	_ =	shalt  }
.Lfunc_end0:
.L_simem_size_0:
called_computation_lowered:
.L_overlay_start_0:
0x88: {  	s2 =	sld [smem:$0x3FD9]  }
0x89: {  	s3 =	sld [smem:$0x3FFE];
	_ =	sdelay $0x1  }
0x8a: {  	s1 =	srdreg.scid  }
0x8b: {  	s0 =	sand.u32 $0x1, s1  }
0x8c: {  	s17 =	sshll.u32 s0, $0xA;
	s2 =	sadd.s32 s3, s2  }
0x8d: {  	s2 =	sadd.s32 s2, s17  }
0x8e: {  	[smem:$0x3FC6] =	sst s2  }
0x8f: {  	_ = 	snop  }
0x90: {  	s2 =	sld [smem:$0x3FC8]  }
0x91: {  	s18 =	sld [smem:$0x3FD0];
	(tm) =	ssettm $0x1  }
0x92: {  	s4 =	sld [smem:$0x3FFB];
	_ =	sdelay $0x3  }
0x93: {  	_ =	strace s4  }
0x94: {  	s4 =	sld [smem:$0x3FFC];
	_ =	sdelay $0x3  }
0x95: {  	_ =	strace s4  }
0x96: {  	s4 =	sld [smem:$0x3FFD];
	_ =	sdelay $0x3  }
0x97: {  	_ =	strace s4  }
0x98: {  	_ =	strace $0x8FFFFFFF  }
0x99: {  	s19 =	sld [smem:$0x3FDB];
	_ =	sdelay $0x1  }
0x9a: {  	s5 =	simm.s32 $_scs_section_size  }
0x9b: {  	s6 =	simm.s32 $_size__tile_overlayer_lowered;
	s7 =	simm.s32 $_tile_overlayer_lowered  }
0x9c: {  	s22 =	simm.s32 $0x1BFF;
	s21 =	sshll.u32 s7, $0x1;
	s4 =	sadd.s32 s5, s19  }
0x9d: {  	s8 =	simm.s32 $0x0;
	s20 =	sshll.u32 s6, $0x1;
	s6 =	sadd.s32 s21, s4  }
0x9e: {  	[timem:s8], [sflag:s22] =	dma.local [hbm:s6], s20  }
0x9f: {  	_ =	swait.ge [sflag:s22], s20  }
0xa0: {  	s5 =	ssub.s32 $0x0, s20;
	[sflag:s22] =	ssyncset.done $0x0  }
0xa1: {  	[sflag:s22] =	ssyncadd.s32 s5;
	_ =	sdelay $0x1  }
0xa2: {  	s23 =	simm.s32 $0x1B8B  }
0xa3: {  	_ =	swait.ge [sflag:s23], $0x1  }
0xa4: {  	[sflag:s23] =	ssyncset.done $0x0  }
0xa5: {  	s25 =	simm.s32 $0x1B8E;
	s24 =	sld [smem:$0x3FFE];
	[sflag:s23] =	ssyncadd.s32 $0xFFFFFFFF  }
0xa6: {  	s26 =	simm.s32 $execute0_lowered;
	[smem:$0x3FD2] =	sst s25  }
0xa7: {  	s6 =	sshll.u32 s26, $0x1;
	_ =	strace $0x80000046;
	[dreg:$0x1] =	wrdreg $0xFFFFFFFF  }
0xa8: {  	s28 =	simm.s32 $_size_execute0_lowered;
	s4 =	sadd.s32 s4, s6;
	[dreg:$0x0] =	wrdreg $0x0  }
0xa9: {  	s6 =	sshll.u32 s28, $0x1;
	[dreg:$0x2] =	wrdreg s4  }
0xaa: {  	[dreg:$0x3] =	wrdreg s6  }
0xab: {  	[dreg:$0x4] =	wrdreg $0xC0  }
0xac: {  	_ =	task [dreg:s8], $0x5FFFF  }
0xad: {  	[dreg:$0x1] =	wrdreg $0xFFFFFFFF  }
0xae: {  	[dreg:$0x0] =	wrdreg $0x60  }
0xaf: {  	[dreg:$0x2] =	wrdreg s2  }
0xb0: {  	[dreg:$0x3] =	wrdreg s24  }
0xb1: {  	[dreg:$0x4] =	wrdreg s18  }
0xb2: {  	[dreg:$0x5] =	wrdreg $0x9  }
0xb3: {  	_ =	task.clear_ibuf [dreg:s8], $0x6FFFF;
	_ =	strace $0x90000046  }
0xb4: {  	s29 =	simm.s32 $0x9;
	_ =	strace $0x80000048  }
0xb5: {  	_ =	swait.ge [sflag:s29], $0x1  }
0xb6: {  	[sflag:s29] =	ssyncadd.s32 $0xFFFFFFFF  }
0xb7: {  	_ =	strace $0x90000048  }
0xb8: {  	_ =	sfence  }
0xb9: {  	s30 =	sld [smem:$0x0];
	_ =	sdelay $0x2  }
0xba: {  	s31 =	sshll.u32 s1, $0xD;
	s1 =	sshrl.u32 s1, $0x2  }
0xbb: {  	s3 =	sand.u32 $0x4000, s31;
	s1 =	sadd.s32 s1, s30  }
0xbc: {  	s0 =	sor.u32 s3, s0;
	s1 =	sshll.u32 s1, $0x11  }
0xbd: {  	s0 =	sor.u32 s1, s0  }
0xbe: {  	s0 =	sadd.s32 $0x8F2B, s0  }
0xbf: {  	[sflag:s0] =	ssyncadd.remote.s32 $0x1  }
0xc0: {  	_ =	sfence.sel $0xFFFF  }
0xc1: {  	[dreg:$0x0] =	wrdreg $0xFFFFFFFF;
	(pc) =	sbr.abs _section_cstart, $3  }
0xc2: {  	[dreg:$0x1] =	wrdreg $0xFFFFFFFF  }
0xc3: {  	_ =	task.clear_ibuf [dreg:s8], $0x2FFFF;
	_ =	strace $0x9FFFFFFF  }
0xc4: {  	(tm) =	ssettm $0x7FFFFFFF  }
0xc5: {  	_ =	shalt  }
tec
execute0_lowered:
.L_overlay_start_1:
0x0: {  	(tag) =	ssettag $0x1  }
0x1: {  	s1 =	rddreg [dreg:$0x0];
	s0 =	srdreg.scid  }
0x2: {  	s3 =	stileid.u32;
	s2 =	rddreg [dreg:$0x1];
	s13 =	simm.s32 $0x80  }
0x3: {  	s14 =	simm.s32 $0x6400;
	s15 =	simm.s32 $0xA400;
	s17 =	simm.s32 $0xE400  }
0x4: {  	s18 =	simm.s32 $0x1;
	s19 =	simm.s32 $0x12400;
	s20 =	simm.s32 $0x2  }
0x5: {  	s21 =	simm.s32 $0x16400;
	s22 =	simm.s32 $0x3;
	s23 =	simm.s32 $0x1A400  }
0x6: {  	s24 =	simm.s32 $0x4;
	s28 =	simm.s32 $0x8;
	s29 =	simm.s32 $0x6  }
0x7: {  	s30 =	simm.s32 $0x9;
	s0 =	sand.u32 $0x1, s0;
	s4 =	sshll.u32 s3, $0x1  }
0x8: {  	s16 =	simm.s32 $0x0;
	s3 =	rddreg [dreg:$0x2];
	s5 =	sor.u32 s0, s4  }
0x9: {  	s4 =	simm.s32 $0x0;
	s0 =	ssub.s32 $0x2, s0;
	s6 =	smul.u32 $0xC80, s5  }
0xa: {  	[smem:$0x7FF] =	sst s4;
	s7 =	smul.u32 $0x320000, s5;
	s25 =	sshrl.u32 s0, $0x1  }
0xb: {  	s5 =	smul.u32 $0xC8, s5;
	_ =	strace $0x80000047;
	s0 =	ssub.s32 s0, s25  }
0xc: {  	s2 =	sadd.s32 s6, s2;
	s7 =	sshrl.u32 s7, $0x3;
	s0 =	smax.u32 s0, $0x1  }
0xd: {  	s2 =	sadd.s32 $0x400, s2;
	s26 =	sadd.s32 s3, s7;
	[dreg:$0x7] =	wrdreg s0  }
0xe: {  	s25 =	simm.s32 $0x7;
	[dreg:$0x4] =	wrdreg s2;
	s31 =	sadd.s32 $0x63000, s26  }
0xf: {  	s8 =	sor.u32 $0x2, s5;
	s2 =	sadd.s32 $0x63800, s26;
	[dreg:$0x5] =	wrdreg s31  }
0x10: {  	s7 =	sor.u32 $0x1, s5;
	s26 =	simm.s32 $0x5;
	[dreg:$0x6] =	wrdreg s2  }
.LBB2_1:
0x11: {  	s0 =	rddreg [dreg:$0x4];
	s12 =	simm.s32 $0xD  }
0x12: {  	[tilespmem:s4], [sflag:$0xD] =	stream.linear.gather [hbm4b:s0+s4], $0x6400, $0x38;
	[tilespmem:$0x1E400] =	vst v63  }
0x13: {  	_ =	swait.ge [sflag:s12], $0x6400  }
0x14: {  	[sflag:s12] =	ssyncset.done $0x0  }
0x15: {  	[sflag:s12] =	ssyncadd.s32 $0xFFFF9C00  }
0x16: {  	[tilespmem:s14], [sflag:$0x1] =	stream.indirect.gather [hbm4b:s1+s13], $0x80, s4, s13, $0xb8;
	[tilespmem:$0x1E400] =	vst v63  }
0x17: {  	_ = 	snop  }
0x18: {  	[tilespmem:s15], [sflag:$0x2] =	stream.indirect.gather [hbm4b:s1+s13], $0x80, s13, s13, $0xb8;
	[tilespmem:$0x1E400] =	vst v63  }
0x19: {  	s31 =	simm.s32 $0x100;
	s6 =	simm.s32 $0x0  }
0x1a: {  	[tilespmem:s17], [sflag:$0x3] =	stream.indirect.gather [hbm4b:s1+s13], $0x80, s31, s13, $0xb8;
	[tilespmem:$0x1E400] =	vst v63  }
.LBB2_2:
0x1b: {  	_ =	swait.ge [sflag:s18], $0x4000  }
0x1c: {  	s12 =	smul.u32 $0x6, s6;
	p0 =	seq.s32 s6, $0x0;
	[sflag:s18] =	ssyncset.done $0x0  }
0x1d: {  	s0 =	simm.s32 @!p0 $0xA;
	[sflag:s18] =	ssyncadd.s32 $0xFFFFC000  }
0x1e: {  	s9 =	sadd.s32 $0x3, s12;
	_ =	swait.ge @!p0 [sflag:s0], $0x4000  }
0x1f: {  	s2 =	sshll.u32 s9, $0x7;
	[sflag:s0] =	ssyncset.done @!p0 $0x0  }
0x20: {  	s10 =	simm.s32 $0x6500;
	s31 =	sand.u32 $0x3FFFFF80, s2;
	[sflag:s0] =	ssyncadd.s32 @!p0 $0xFFFFC000  }
0x21: {  	[tilespmem:s19], [sflag:$0x4] =	stream.indirect.gather [hbm4b:s1+s13], $0x80, s31, s13, $0xb8;
	[tilespmem:$0x1E400] =	vst v63  }
0x22: {  	v0 =	vld [tilespmem:s10+$0xF0]  }
0x23: {  	v1 =	vld [tilespmem:s10+$0xFFFFFF10]  }
0x24: {  	v2 =	vld [tilespmem:s10+$0xFFFFFF20]  }
0x25: {  	v3 =	vld [tilespmem:s10+$0xFFFFFF30]  }
0x26: {  	v6 =	vld [tilespmem:s10+$0xFFFFFF60]  }
0x27: {  	v4 =	vld [tilespmem:s10+$0xFFFFFF40]  }
0x28: {  	v5 =	vld [tilespmem:s10+$0xFFFFFF50];
	v0 =	vmul.f32 $1.131370830e+01, v0  }
0x29: {  	v8 =	vld [tilespmem:s10+$0xFFFFFF80];
	v1 =	vmul.f32 $1.131370830e+01, v1  }
0x2a: {  	v7 =	vld [tilespmem:s10+$0xFFFFFF70];
	v2 =	vmul.f32 $1.131370830e+01, v2;
	[tilespmem:s10+$0xF0] =	vst v0  }
0x2b: {  	v6 =	vmul.f32 $1.131370830e+01, v6;
	v0 =	vld [tilespmem:s10+$0xFFFFFF90];
	[tilespmem:s10+$0xFFFFFF10] =	vst v1  }
0x2c: {  	v1 =	vmul.f32 $1.131370830e+01, v3;
	v3 =	vld [tilespmem:s10+$0xFFFFFFA0];
	[tilespmem:s10+$0xFFFFFF20] =	vst v2;
	v2 =	vmul.f32 $1.131370830e+01, v4  }
0x2d: {  	[tilespmem:s10+$0xFFFFFF60] =	vst v6;
	v6 =	vld [tilespmem:s10+$0xFFFFFFF0]  }
0x2e: {  	v4 =	vld [tilespmem:s10+$0xFFFFFFB0];
	[tilespmem:s10+$0xFFFFFF40] =	vst v2;
	v2 =	vmul.f32 $1.131370830e+01, v8  }
0x2f: {  	[tilespmem:s10+$0xFFFFFF30] =	vst v1;
	v1 =	vmul.f32 $1.131370830e+01, v5;
	v5 =	vld [tilespmem:s10+$0xFFFFFFC0]  }
0x30: {  	v8 =	vld [tilespmem:s10+$0xFFFFFFD0];
	[tilespmem:s10+$0xFFFFFF80] =	vst v2;
	v2 =	vmul.f32 $1.131370830e+01, v7  }
0x31: {  	[tilespmem:s10+$0xFFFFFF50] =	vst v1;
	v1 =	vld [tilespmem:s10+$0xFFFFFFE0];
	v0 =	vmul.f32 $1.131370830e+01, v0  }
0x32: {  	v7 =	vld [tilespmem:s10+$0x30];
	v6 =	vmul.f32 $1.131370830e+01, v6;
	[tilespmem:s10+$0xFFFFFF70] =	vst v2  }
0x33: {  	v2 =	vmul.f32 $1.131370830e+01, v3;
	v3 =	vld [tilespmem:s10+$0x0];
	[tilespmem:s10+$0xFFFFFF90] =	vst v0  }
0x34: {  	v0 =	vmul.f32 $1.131370830e+01, v4;
	v4 =	vld [tilespmem:s10+$0x10];
	[tilespmem:s10+$0xFFFFFFF0] =	vst v6  }
0x35: {  	[tilespmem:s10+$0xFFFFFFA0] =	vst v2;
	v2 =	vmul.f32 $1.131370830e+01, v5;
	v5 =	vld [tilespmem:s10+$0x20]  }
0x36: {  	v6 =	vld [tilespmem:s10+$0x80];
	[tilespmem:s10+$0xFFFFFFB0] =	vst v0;
	v0 =	vmul.f32 $1.131370830e+01, v8  }
0x37: {  	v1 =	vmul.f32 $1.131370830e+01, v1;
	[tilespmem:s10+$0xFFFFFFC0] =	vst v2;
	v2 =	vld [tilespmem:s10+$0x40]  }
0x38: {  	[tilespmem:s10+$0xFFFFFFD0] =	vst v0;
	v0 =	vmul.f32 $1.131370830e+01, v3  }
0x39: {  	v3 =	vld [tilespmem:s10+$0x50];
	[tilespmem:s10+$0xFFFFFFE0] =	vst v1;
	v4 =	vmul.f32 $1.131370830e+01, v4  }
0x3a: {  	v1 =	vld [tilespmem:s10+$0x60];
	[tilespmem:s10+$0x0] =	vst v0;
	v0 =	vmul.f32 $1.131370830e+01, v5  }
0x3b: {  	v6 =	vmul.f32 $1.131370830e+01, v6;
	v5 =	vld [tilespmem:s10+$0x70];
	[tilespmem:s10+$0x10] =	vst v4  }
0x3c: {  	v4 =	vmul.f32 $1.131370830e+01, v7;
	v7 =	vld [tilespmem:s10+$0x90];
	[tilespmem:s10+$0x20] =	vst v0;
	v0 =	vmul.f32 $1.131370830e+01, v2  }
0x3d: {  	v8 =	vld [tilespmem:s10+$0xA0];
	[tilespmem:s10+$0x80] =	vst v6  }
0x3e: {  	v2 =	vmul.f32 $1.131370830e+01, v3;
	[tilespmem:s10+$0x40] =	vst v0;
	v0 =	vld [tilespmem:s10+$0xB0]  }
0x3f: {  	[tilespmem:s10+$0x30] =	vst v4;
	v3 =	vmul.f32 $1.131370830e+01, v1;
	v1 =	vld [tilespmem:s10+$0xC0]  }
0x40: {  	[tilespmem:s10+$0x50] =	vst v2;
	v4 =	vmul.f32 $1.131370830e+01, v5;
	v2 =	vld [tilespmem:s10+$0xD0]  }
0x41: {  	[tilespmem:s10+$0x60] =	vst v3;
	v3 =	vld [tilespmem:s10+$0xE0];
	v5 =	vmul.f32 $1.131370830e+01, v7  }
0x42: {  	s11 =	simm.s32 $0x0;
	s2 =	simm.s32 $0x6700;
	v6 =	vmul.f32 $1.131370830e+01, v8;
	[tilespmem:s10+$0x70] =	vst v4;
	v4 =	vld [tilespmem:s10+$0xFFFFFF00]  }
.LBB2_3:
0x43: {  	v7 =	vld [tilespmem:s2+$0xF0];
	s11 =	sadd.s32 $0x4, s11;
	[tilespmem:s10+$0x90] =	vst v5;
	v0 =	vmul.f32 $1.131370830e+01, v0  }
0x44: {  	v5 =	vld [tilespmem:s2+$0xFFFFFF10];
	p1 =	slt.u32 s11, $0x7C;
	[tilespmem:s10+$0xA0] =	vst v6;
	v1 =	vmul.f32 $1.131370830e+01, v1  }
0x45: {  	v6 =	vld [tilespmem:s2+$0xFFFFFF20];
	[tilespmem:s10+$0xB0] =	vst v0;
	v0 =	vmul.f32 $1.131370830e+01, v2  }
0x46: {  	v2 =	vld [tilespmem:s2+$0xFFFFFF30];
	[tilespmem:s10+$0xC0] =	vst v1;
	v1 =	vmul.f32 $1.131370830e+01, v3  }
0x47: {  	v3 =	vld [tilespmem:s2+$0xFFFFFF40];
	v4 =	vmul.f32 $1.131370830e+01, v4;
	[tilespmem:s10+$0xD0] =	vst v0  }
0x48: {  	v0 =	vld [tilespmem:s2+$0xFFFFFF50];
	v7 =	vmul.f32 $1.131370830e+01, v7;
	[tilespmem:s10+$0xE0] =	vst v1  }
0x49: {  	v1 =	vmul.f32 $1.131370830e+01, v5;
	v5 =	vld [tilespmem:s2+$0xFFFFFF60];
	[tilespmem:s10+$0xFFFFFF00] =	vst v4;
	s10 =	smov.u32 s2  }
0x4a: {  	v4 =	vmul.f32 $1.131370830e+01, v6;
	v6 =	vld [tilespmem:s2+$0xFFFFFF70];
	[tilespmem:s2+$0xF0] =	vst v7  }
0x4b: {  	[tilespmem:s2+$0xFFFFFF10] =	vst v1;
	v1 =	vmul.f32 $1.131370830e+01, v2;
	v2 =	vld [tilespmem:s2+$0xFFFFFF80]  }
0x4c: {  	[tilespmem:s2+$0xFFFFFF20] =	vst v4;
	v3 =	vmul.f32 $1.131370830e+01, v3;
	v4 =	vld [tilespmem:s2+$0xFFFFFF90]  }
0x4d: {  	[tilespmem:s2+$0xFFFFFF30] =	vst v1;
	v0 =	vmul.f32 $1.131370830e+01, v0;
	v1 =	vld [tilespmem:s2+$0xFFFFFFA0]  }
0x4e: {  	[tilespmem:s2+$0xFFFFFF40] =	vst v3;
	v3 =	vmul.f32 $1.131370830e+01, v5;
	v5 =	vld [tilespmem:s2+$0xFFFFFFB0]  }
0x4f: {  	[tilespmem:s2+$0xFFFFFF50] =	vst v0;
	v0 =	vmul.f32 $1.131370830e+01, v6;
	v6 =	vld [tilespmem:s2+$0xFFFFFFC0]  }
0x50: {  	[tilespmem:s2+$0xFFFFFF60] =	vst v3;
	v2 =	vmul.f32 $1.131370830e+01, v2;
	v3 =	vld [tilespmem:s2+$0xFFFFFFD0]  }
0x51: {  	[tilespmem:s2+$0xFFFFFF70] =	vst v0;
	v0 =	vmul.f32 $1.131370830e+01, v4;
	v4 =	vld [tilespmem:s2+$0xFFFFFFE0]  }
0x52: {  	[tilespmem:s2+$0xFFFFFF80] =	vst v2;
	v1 =	vmul.f32 $1.131370830e+01, v1;
	v2 =	vld [tilespmem:s2+$0xFFFFFFF0]  }
0x53: {  	[tilespmem:s2+$0xFFFFFF90] =	vst v0;
	v0 =	vmul.f32 $1.131370830e+01, v5;
	v5 =	vld [tilespmem:s2+$0x0]  }
0x54: {  	[tilespmem:s2+$0xFFFFFFA0] =	vst v1;
	v1 =	vmul.f32 $1.131370830e+01, v6;
	v6 =	vld [tilespmem:s2+$0x10]  }
0x55: {  	[tilespmem:s2+$0xFFFFFFB0] =	vst v0;
	v0 =	vmul.f32 $1.131370830e+01, v3;
	v3 =	vld [tilespmem:s2+$0x20]  }
0x56: {  	[tilespmem:s2+$0xFFFFFFC0] =	vst v1;
	v1 =	vmul.f32 $1.131370830e+01, v4;
	v4 =	vld [tilespmem:s2+$0x30]  }
0x57: {  	[tilespmem:s2+$0xFFFFFFD0] =	vst v0;
	v0 =	vmul.f32 $1.131370830e+01, v2;
	v2 =	vld [tilespmem:s2+$0x40]  }
0x58: {  	[tilespmem:s2+$0xFFFFFFE0] =	vst v1;
	v1 =	vmul.f32 $1.131370830e+01, v5;
	v5 =	vld [tilespmem:s2+$0x50]  }
0x59: {  	[tilespmem:s2+$0xFFFFFFF0] =	vst v0;
	v0 =	vmul.f32 $1.131370830e+01, v6;
	v6 =	vld [tilespmem:s2+$0x60]  }
0x5a: {  	[tilespmem:s2+$0x0] =	vst v1;
	v1 =	vmul.f32 $1.131370830e+01, v3;
	v3 =	vld [tilespmem:s2+$0x70]  }
0x5b: {  	[tilespmem:s2+$0x10] =	vst v0;
	v0 =	vmul.f32 $1.131370830e+01, v4;
	v4 =	vld [tilespmem:s2+$0x80]  }
0x5c: {  	[tilespmem:s2+$0x20] =	vst v1;
	v1 =	vmul.f32 $1.131370830e+01, v2;
	v7 =	vld [tilespmem:s2+$0x90]  }
0x5d: {  	[tilespmem:s2+$0x30] =	vst v0;
	v2 =	vmul.f32 $1.131370830e+01, v5;
	v8 =	vld [tilespmem:s2+$0xA0]  }
.Ltmp0:
0x5e: {  	[tilespmem:s2+$0x40] =	vst v1;
	v5 =	vmul.f32 $1.131370830e+01, v6;
	v0 =	vld [tilespmem:s2+$0xB0];
	(pc) =	sbr.rel @p1 .LBB2_3-.Ltmp0, $4  }
0x5f: {  	[tilespmem:s2+$0x50] =	vst v2;
	v3 =	vmul.f32 $1.131370830e+01, v3;
	v1 =	vld [tilespmem:s2+$0xC0]  }
0x60: {  	[tilespmem:s2+$0x60] =	vst v5;
	v6 =	vmul.f32 $1.131370830e+01, v4;
	v2 =	vld [tilespmem:s2+$0xD0]  }
0x61: {  	[tilespmem:s2+$0x70] =	vst v3;
	v5 =	vmul.f32 $1.131370830e+01, v7;
	v3 =	vld [tilespmem:s2+$0xE0]  }
0x62: {  	s2 =	sadd.s32 $0x200, s2;
	v4 =	vld [tilespmem:s10+$0xFFFFFF00];
	[tilespmem:s10+$0x80] =	vst v6;
	v6 =	vmul.f32 $1.131370830e+01, v8  }
0x63: {  	[tilespmem:s10+$0x90] =	vst v5;
	v0 =	vmul.f32 $1.131370830e+01, v0  }
0x64: {  	[tilespmem:s10+$0xA0] =	vst v6;
	v1 =	vmul.f32 $1.131370830e+01, v1  }
0x65: {  	[tilespmem:s10+$0xB0] =	vst v0;
	v0 =	vmul.f32 $1.131370830e+01, v2  }
0x66: {  	[tilespmem:s10+$0xC0] =	vst v1;
	v1 =	vmul.f32 $1.131370830e+01, v3  }
0x67: {  	s0 =	sadd.s32 s5, s12;
	v2 =	vmul.f32 $1.131370830e+01, v4;
	[tilespmem:s10+$0xD0] =	vst v0  }
0x68: {  	s0 =	sshll.u32 s0, $0xB;
	[tilespmem:s10+$0xE0] =	vst v1  }
0x69: {  	s0 =	sadd.s32 s3, s0;
	[tilespmem:s10+$0xFFFFFF00] =	vst v2  }
0x6a: {  	[hbm4b:s0+s4] =	stream.linear.scatter [tilespmem:s14], [sflag:$0x7], $0x4000, $0x38;
	[tilespmem:$0x1E400] =	vst v63  }
0x6b: {  	_ =	swait.ge [sflag:s20], $0x4000  }
0x6c: {  	[sflag:s20] =	ssyncset.done $0x0  }
0x6d: {  	s0 =	simm.s32 @!p0 $0xB;
	[sflag:s20] =	ssyncadd.s32 $0xFFFFC000  }
0x6e: {  	s10 =	sadd.s32 $0x4, s12;
	_ =	swait.ge @!p0 [sflag:s0], $0x4000  }
0x6f: {  	s2 =	sshll.u32 s10, $0x7;
	[sflag:s0] =	ssyncset.done @!p0 $0x0  }
0x70: {  	s11 =	sand.u32 $0x3FFFFF80, s2;
	[sflag:s0] =	ssyncadd.s32 @!p0 $0xFFFFC000  }
0x71: {  	[tilespmem:s21], [sflag:$0x5] =	stream.indirect.gather [hbm4b:s1+s13], $0x80, s11, s13, $0xb8;
	[tilespmem:$0x1E400] =	vst v63  }
0x72: {  	s11 =	simm.s32 $0xA500  }
0x73: {  	v0 =	vld [tilespmem:s11+$0xF0]  }
0x74: {  	v1 =	vld [tilespmem:s11+$0xFFFFFF10]  }
0x75: {  	v2 =	vld [tilespmem:s11+$0xFFFFFF20]  }
0x76: {  	v3 =	vld [tilespmem:s11+$0xFFFFFF30]  }
0x77: {  	v6 =	vld [tilespmem:s11+$0xFFFFFF60]  }
0x78: {  	v4 =	vld [tilespmem:s11+$0xFFFFFF40]  }
0x79: {  	v5 =	vld [tilespmem:s11+$0xFFFFFF50];
	v0 =	vmul.f32 $1.131370830e+01, v0  }
0x7a: {  	v8 =	vld [tilespmem:s11+$0xFFFFFF80];
	v1 =	vmul.f32 $1.131370830e+01, v1  }
0x7b: {  	v7 =	vld [tilespmem:s11+$0xFFFFFF70];
	v2 =	vmul.f32 $1.131370830e+01, v2;
	[tilespmem:s11+$0xF0] =	vst v0  }
0x7c: {  	v6 =	vmul.f32 $1.131370830e+01, v6;
	v0 =	vld [tilespmem:s11+$0xFFFFFF90];
	[tilespmem:s11+$0xFFFFFF10] =	vst v1  }
0x7d: {  	v1 =	vmul.f32 $1.131370830e+01, v3;
	v3 =	vld [tilespmem:s11+$0xFFFFFFA0];
	[tilespmem:s11+$0xFFFFFF20] =	vst v2;
	v2 =	vmul.f32 $1.131370830e+01, v4  }
0x7e: {  	[tilespmem:s11+$0xFFFFFF60] =	vst v6;
	v6 =	vld [tilespmem:s11+$0xFFFFFFF0]  }
0x7f: {  	v4 =	vld [tilespmem:s11+$0xFFFFFFB0];
	[tilespmem:s11+$0xFFFFFF40] =	vst v2;
	v2 =	vmul.f32 $1.131370830e+01, v8  }
0x80: {  	[tilespmem:s11+$0xFFFFFF30] =	vst v1;
	v1 =	vmul.f32 $1.131370830e+01, v5;
	v5 =	vld [tilespmem:s11+$0xFFFFFFC0]  }
0x81: {  	v8 =	vld [tilespmem:s11+$0xFFFFFFD0];
	[tilespmem:s11+$0xFFFFFF80] =	vst v2;
	v2 =	vmul.f32 $1.131370830e+01, v7  }
0x82: {  	[tilespmem:s11+$0xFFFFFF50] =	vst v1;
	v1 =	vld [tilespmem:s11+$0xFFFFFFE0];
	v0 =	vmul.f32 $1.131370830e+01, v0  }
0x83: {  	v7 =	vld [tilespmem:s11+$0x30];
	v6 =	vmul.f32 $1.131370830e+01, v6;
	[tilespmem:s11+$0xFFFFFF70] =	vst v2  }
0x84: {  	v2 =	vmul.f32 $1.131370830e+01, v3;
	v3 =	vld [tilespmem:s11+$0x0];
	[tilespmem:s11+$0xFFFFFF90] =	vst v0  }
0x85: {  	v0 =	vmul.f32 $1.131370830e+01, v4;
	v4 =	vld [tilespmem:s11+$0x10];
	[tilespmem:s11+$0xFFFFFFF0] =	vst v6  }
0x86: {  	[tilespmem:s11+$0xFFFFFFA0] =	vst v2;
	v2 =	vmul.f32 $1.131370830e+01, v5;
	v5 =	vld [tilespmem:s11+$0x20]  }
0x87: {  	v6 =	vld [tilespmem:s11+$0x80];
	[tilespmem:s11+$0xFFFFFFB0] =	vst v0;
	v0 =	vmul.f32 $1.131370830e+01, v8  }
0x88: {  	v1 =	vmul.f32 $1.131370830e+01, v1;
	[tilespmem:s11+$0xFFFFFFC0] =	vst v2;
	v2 =	vld [tilespmem:s11+$0x40]  }
0x89: {  	[tilespmem:s11+$0xFFFFFFD0] =	vst v0;
	v0 =	vmul.f32 $1.131370830e+01, v3  }
0x8a: {  	v3 =	vld [tilespmem:s11+$0x50];
	[tilespmem:s11+$0xFFFFFFE0] =	vst v1;
	v4 =	vmul.f32 $1.131370830e+01, v4  }
0x8b: {  	v1 =	vld [tilespmem:s11+$0x60];
	[tilespmem:s11+$0x0] =	vst v0;
	v0 =	vmul.f32 $1.131370830e+01, v5  }
0x8c: {  	v6 =	vmul.f32 $1.131370830e+01, v6;
	v5 =	vld [tilespmem:s11+$0x70];
	[tilespmem:s11+$0x10] =	vst v4  }
0x8d: {  	v4 =	vmul.f32 $1.131370830e+01, v7;
	v7 =	vld [tilespmem:s11+$0x90];
	[tilespmem:s11+$0x20] =	vst v0;
	v0 =	vmul.f32 $1.131370830e+01, v2  }
0x8e: {  	v8 =	vld [tilespmem:s11+$0xA0];
	[tilespmem:s11+$0x80] =	vst v6  }
0x8f: {  	v2 =	vmul.f32 $1.131370830e+01, v3;
	[tilespmem:s11+$0x40] =	vst v0;
	v0 =	vld [tilespmem:s11+$0xB0]  }
0x90: {  	[tilespmem:s11+$0x30] =	vst v4;
	v3 =	vmul.f32 $1.131370830e+01, v1;
	v1 =	vld [tilespmem:s11+$0xC0]  }
0x91: {  	[tilespmem:s11+$0x50] =	vst v2;
	v4 =	vmul.f32 $1.131370830e+01, v5;
	v2 =	vld [tilespmem:s11+$0xD0]  }
0x92: {  	[tilespmem:s11+$0x60] =	vst v3;
	v3 =	vld [tilespmem:s11+$0xE0];
	v5 =	vmul.f32 $1.131370830e+01, v7  }
0x93: {  	s31 =	simm.s32 $0x0;
	s2 =	simm.s32 $0xA700;
	v6 =	vmul.f32 $1.131370830e+01, v8;
	[tilespmem:s11+$0x70] =	vst v4;
	v4 =	vld [tilespmem:s11+$0xFFFFFF00]  }
.LBB2_5:
0x94: {  	v7 =	vld [tilespmem:s2+$0xF0];
	s31 =	sadd.s32 $0x4, s31;
	[tilespmem:s11+$0x90] =	vst v5;
	v0 =	vmul.f32 $1.131370830e+01, v0  }
0x95: {  	v5 =	vld [tilespmem:s2+$0xFFFFFF10];
	p1 =	slt.u32 s31, $0x7C;
	[tilespmem:s11+$0xA0] =	vst v6;
	v1 =	vmul.f32 $1.131370830e+01, v1  }
0x96: {  	v6 =	vld [tilespmem:s2+$0xFFFFFF20];
	[tilespmem:s11+$0xB0] =	vst v0;
	v0 =	vmul.f32 $1.131370830e+01, v2  }
0x97: {  	v2 =	vld [tilespmem:s2+$0xFFFFFF30];
	[tilespmem:s11+$0xC0] =	vst v1;
	v1 =	vmul.f32 $1.131370830e+01, v3  }
0x98: {  	v3 =	vld [tilespmem:s2+$0xFFFFFF40];
	v4 =	vmul.f32 $1.131370830e+01, v4;
	[tilespmem:s11+$0xD0] =	vst v0  }
0x99: {  	v0 =	vld [tilespmem:s2+$0xFFFFFF50];
	v7 =	vmul.f32 $1.131370830e+01, v7;
	[tilespmem:s11+$0xE0] =	vst v1  }
0x9a: {  	v1 =	vmul.f32 $1.131370830e+01, v5;
	v5 =	vld [tilespmem:s2+$0xFFFFFF60];
	[tilespmem:s11+$0xFFFFFF00] =	vst v4;
	s11 =	smov.u32 s2  }
0x9b: {  	v4 =	vmul.f32 $1.131370830e+01, v6;
	v6 =	vld [tilespmem:s2+$0xFFFFFF70];
	[tilespmem:s2+$0xF0] =	vst v7  }
0x9c: {  	[tilespmem:s2+$0xFFFFFF10] =	vst v1;
	v1 =	vmul.f32 $1.131370830e+01, v2;
	v2 =	vld [tilespmem:s2+$0xFFFFFF80]  }
0x9d: {  	[tilespmem:s2+$0xFFFFFF20] =	vst v4;
	v3 =	vmul.f32 $1.131370830e+01, v3;
	v4 =	vld [tilespmem:s2+$0xFFFFFF90]  }
0x9e: {  	[tilespmem:s2+$0xFFFFFF30] =	vst v1;
	v0 =	vmul.f32 $1.131370830e+01, v0;
	v1 =	vld [tilespmem:s2+$0xFFFFFFA0]  }
0x9f: {  	[tilespmem:s2+$0xFFFFFF40] =	vst v3;
	v3 =	vmul.f32 $1.131370830e+01, v5;
	v5 =	vld [tilespmem:s2+$0xFFFFFFB0]  }
0xa0: {  	[tilespmem:s2+$0xFFFFFF50] =	vst v0;
	v0 =	vmul.f32 $1.131370830e+01, v6;
	v6 =	vld [tilespmem:s2+$0xFFFFFFC0]  }
0xa1: {  	[tilespmem:s2+$0xFFFFFF60] =	vst v3;
	v2 =	vmul.f32 $1.131370830e+01, v2;
	v3 =	vld [tilespmem:s2+$0xFFFFFFD0]  }
0xa2: {  	[tilespmem:s2+$0xFFFFFF70] =	vst v0;
	v0 =	vmul.f32 $1.131370830e+01, v4;
	v4 =	vld [tilespmem:s2+$0xFFFFFFE0]  }
0xa3: {  	[tilespmem:s2+$0xFFFFFF80] =	vst v2;
	v1 =	vmul.f32 $1.131370830e+01, v1;
	v2 =	vld [tilespmem:s2+$0xFFFFFFF0]  }
0xa4: {  	[tilespmem:s2+$0xFFFFFF90] =	vst v0;
	v0 =	vmul.f32 $1.131370830e+01, v5;
	v5 =	vld [tilespmem:s2+$0x0]  }
0xa5: {  	[tilespmem:s2+$0xFFFFFFA0] =	vst v1;
	v1 =	vmul.f32 $1.131370830e+01, v6;
	v6 =	vld [tilespmem:s2+$0x10]  }
0xa6: {  	[tilespmem:s2+$0xFFFFFFB0] =	vst v0;
	v0 =	vmul.f32 $1.131370830e+01, v3;
	v3 =	vld [tilespmem:s2+$0x20]  }
0xa7: {  	[tilespmem:s2+$0xFFFFFFC0] =	vst v1;
	v1 =	vmul.f32 $1.131370830e+01, v4;
	v4 =	vld [tilespmem:s2+$0x30]  }
0xa8: {  	[tilespmem:s2+$0xFFFFFFD0] =	vst v0;
	v0 =	vmul.f32 $1.131370830e+01, v2;
	v2 =	vld [tilespmem:s2+$0x40]  }
0xa9: {  	[tilespmem:s2+$0xFFFFFFE0] =	vst v1;
	v1 =	vmul.f32 $1.131370830e+01, v5;
	v5 =	vld [tilespmem:s2+$0x50]  }
0xaa: {  	[tilespmem:s2+$0xFFFFFFF0] =	vst v0;
	v0 =	vmul.f32 $1.131370830e+01, v6;
	v6 =	vld [tilespmem:s2+$0x60]  }
0xab: {  	[tilespmem:s2+$0x0] =	vst v1;
	v1 =	vmul.f32 $1.131370830e+01, v3;
	v3 =	vld [tilespmem:s2+$0x70]  }
0xac: {  	[tilespmem:s2+$0x10] =	vst v0;
	v0 =	vmul.f32 $1.131370830e+01, v4;
	v4 =	vld [tilespmem:s2+$0x80]  }
0xad: {  	[tilespmem:s2+$0x20] =	vst v1;
	v1 =	vmul.f32 $1.131370830e+01, v2;
	v7 =	vld [tilespmem:s2+$0x90]  }
0xae: {  	[tilespmem:s2+$0x30] =	vst v0;
	v2 =	vmul.f32 $1.131370830e+01, v5;
	v8 =	vld [tilespmem:s2+$0xA0]  }
.Ltmp1:
0xaf: {  	[tilespmem:s2+$0x40] =	vst v1;
	v5 =	vmul.f32 $1.131370830e+01, v6;
	v0 =	vld [tilespmem:s2+$0xB0];
	(pc) =	sbr.rel @p1 .LBB2_5-.Ltmp1, $4  }
0xb0: {  	[tilespmem:s2+$0x50] =	vst v2;
	v3 =	vmul.f32 $1.131370830e+01, v3;
	v1 =	vld [tilespmem:s2+$0xC0]  }
0xb1: {  	[tilespmem:s2+$0x60] =	vst v5;
	v6 =	vmul.f32 $1.131370830e+01, v4;
	v2 =	vld [tilespmem:s2+$0xD0]  }
0xb2: {  	[tilespmem:s2+$0x70] =	vst v3;
	v5 =	vmul.f32 $1.131370830e+01, v7;
	v3 =	vld [tilespmem:s2+$0xE0]  }
0xb3: {  	s2 =	sadd.s32 $0x200, s2;
	v4 =	vld [tilespmem:s11+$0xFFFFFF00];
	[tilespmem:s11+$0x80] =	vst v6;
	v6 =	vmul.f32 $1.131370830e+01, v8  }
0xb4: {  	[tilespmem:s11+$0x90] =	vst v5;
	v0 =	vmul.f32 $1.131370830e+01, v0  }
0xb5: {  	[tilespmem:s11+$0xA0] =	vst v6;
	v1 =	vmul.f32 $1.131370830e+01, v1  }
0xb6: {  	[tilespmem:s11+$0xB0] =	vst v0;
	v0 =	vmul.f32 $1.131370830e+01, v2  }
0xb7: {  	s0 =	sadd.s32 s12, s7;
	[tilespmem:s11+$0xC0] =	vst v1;
	v1 =	vmul.f32 $1.131370830e+01, v3  }
0xb8: {  	s0 =	sshll.u32 s0, $0xB;
	v2 =	vmul.f32 $1.131370830e+01, v4;
	[tilespmem:s11+$0xD0] =	vst v0  }
0xb9: {  	s0 =	sand.u32 $0x1FFFF800, s0;
	[tilespmem:s11+$0xE0] =	vst v1  }
0xba: {  	s0 =	sadd.s32 s3, s0;
	[tilespmem:s11+$0xFFFFFF00] =	vst v2  }
0xbb: {  	[hbm4b:s0+s4] =	stream.linear.scatter [tilespmem:s15], [sflag:$0x8], $0x4000, $0x38;
	[tilespmem:$0x1E400] =	vst v63  }
0xbc: {  	_ =	swait.ge [sflag:s22], $0x4000  }
0xbd: {  	[sflag:s22] =	ssyncset.done $0x0  }
0xbe: {  	s0 =	simm.s32 @!p0 $0xC;
	[sflag:s22] =	ssyncadd.s32 $0xFFFFC000  }
0xbf: {  	s11 =	sadd.s32 $0x5, s12;
	_ =	swait.ge @!p0 [sflag:s0], $0x4000  }
0xc0: {  	s2 =	sshll.u32 s11, $0x7;
	[sflag:s0] =	ssyncset.done @!p0 $0x0  }
0xc1: {  	s31 =	simm.s32 $0xE500;
	s2 =	sand.u32 $0x3FFFFF80, s2;
	[sflag:s0] =	ssyncadd.s32 @!p0 $0xFFFFC000  }
0xc2: {  	[tilespmem:s23], [sflag:$0x6] =	stream.indirect.gather [hbm4b:s1+s13], $0x80, s2, s13, $0xb8;
	[tilespmem:$0x1E400] =	vst v63  }
0xc3: {  	v0 =	vld [tilespmem:s31+$0xF0]  }
0xc4: {  	v1 =	vld [tilespmem:s31+$0xFFFFFF10]  }
0xc5: {  	v2 =	vld [tilespmem:s31+$0xFFFFFF20]  }
0xc6: {  	v3 =	vld [tilespmem:s31+$0xFFFFFF30]  }
0xc7: {  	v6 =	vld [tilespmem:s31+$0xFFFFFF60]  }
0xc8: {  	v4 =	vld [tilespmem:s31+$0xFFFFFF40]  }
0xc9: {  	v5 =	vld [tilespmem:s31+$0xFFFFFF50];
	v0 =	vmul.f32 $1.131370830e+01, v0  }
0xca: {  	v8 =	vld [tilespmem:s31+$0xFFFFFF80];
	v1 =	vmul.f32 $1.131370830e+01, v1  }
0xcb: {  	v7 =	vld [tilespmem:s31+$0xFFFFFF70];
	v2 =	vmul.f32 $1.131370830e+01, v2;
	[tilespmem:s31+$0xF0] =	vst v0  }
0xcc: {  	v6 =	vmul.f32 $1.131370830e+01, v6;
	v0 =	vld [tilespmem:s31+$0xFFFFFF90];
	[tilespmem:s31+$0xFFFFFF10] =	vst v1  }
0xcd: {  	v1 =	vmul.f32 $1.131370830e+01, v3;
	v3 =	vld [tilespmem:s31+$0xFFFFFFA0];
	[tilespmem:s31+$0xFFFFFF20] =	vst v2;
	v2 =	vmul.f32 $1.131370830e+01, v4  }
0xce: {  	[tilespmem:s31+$0xFFFFFF60] =	vst v6;
	v6 =	vld [tilespmem:s31+$0xFFFFFFF0]  }
0xcf: {  	v4 =	vld [tilespmem:s31+$0xFFFFFFB0];
	[tilespmem:s31+$0xFFFFFF40] =	vst v2;
	v2 =	vmul.f32 $1.131370830e+01, v8  }
0xd0: {  	[tilespmem:s31+$0xFFFFFF30] =	vst v1;
	v1 =	vmul.f32 $1.131370830e+01, v5;
	v5 =	vld [tilespmem:s31+$0xFFFFFFC0]  }
0xd1: {  	v8 =	vld [tilespmem:s31+$0xFFFFFFD0];
	[tilespmem:s31+$0xFFFFFF80] =	vst v2;
	v2 =	vmul.f32 $1.131370830e+01, v7  }
0xd2: {  	[tilespmem:s31+$0xFFFFFF50] =	vst v1;
	v1 =	vld [tilespmem:s31+$0xFFFFFFE0];
	v0 =	vmul.f32 $1.131370830e+01, v0  }
0xd3: {  	v7 =	vld [tilespmem:s31+$0x30];
	v6 =	vmul.f32 $1.131370830e+01, v6;
	[tilespmem:s31+$0xFFFFFF70] =	vst v2  }
0xd4: {  	v2 =	vmul.f32 $1.131370830e+01, v3;
	v3 =	vld [tilespmem:s31+$0x0];
	[tilespmem:s31+$0xFFFFFF90] =	vst v0  }
0xd5: {  	v0 =	vmul.f32 $1.131370830e+01, v4;
	v4 =	vld [tilespmem:s31+$0x10];
	[tilespmem:s31+$0xFFFFFFF0] =	vst v6  }
0xd6: {  	[tilespmem:s31+$0xFFFFFFA0] =	vst v2;
	v2 =	vmul.f32 $1.131370830e+01, v5;
	v5 =	vld [tilespmem:s31+$0x20]  }
0xd7: {  	v6 =	vld [tilespmem:s31+$0x80];
	[tilespmem:s31+$0xFFFFFFB0] =	vst v0;
	v0 =	vmul.f32 $1.131370830e+01, v8  }
0xd8: {  	v1 =	vmul.f32 $1.131370830e+01, v1;
	[tilespmem:s31+$0xFFFFFFC0] =	vst v2;
	v2 =	vld [tilespmem:s31+$0x40]  }
0xd9: {  	[tilespmem:s31+$0xFFFFFFD0] =	vst v0;
	v0 =	vmul.f32 $1.131370830e+01, v3  }
0xda: {  	v3 =	vld [tilespmem:s31+$0x50];
	[tilespmem:s31+$0xFFFFFFE0] =	vst v1;
	v4 =	vmul.f32 $1.131370830e+01, v4  }
0xdb: {  	v1 =	vld [tilespmem:s31+$0x60];
	[tilespmem:s31+$0x0] =	vst v0;
	v0 =	vmul.f32 $1.131370830e+01, v5  }
0xdc: {  	v6 =	vmul.f32 $1.131370830e+01, v6;
	v5 =	vld [tilespmem:s31+$0x70];
	[tilespmem:s31+$0x10] =	vst v4  }
0xdd: {  	v4 =	vmul.f32 $1.131370830e+01, v7;
	v7 =	vld [tilespmem:s31+$0x90];
	[tilespmem:s31+$0x20] =	vst v0;
	v0 =	vmul.f32 $1.131370830e+01, v2  }
0xde: {  	v8 =	vld [tilespmem:s31+$0xA0];
	[tilespmem:s31+$0x80] =	vst v6  }
0xdf: {  	v2 =	vmul.f32 $1.131370830e+01, v3;
	[tilespmem:s31+$0x40] =	vst v0;
	v0 =	vld [tilespmem:s31+$0xB0]  }
0xe0: {  	[tilespmem:s31+$0x30] =	vst v4;
	v3 =	vmul.f32 $1.131370830e+01, v1;
	v1 =	vld [tilespmem:s31+$0xC0]  }
0xe1: {  	[tilespmem:s31+$0x50] =	vst v2;
	v4 =	vmul.f32 $1.131370830e+01, v5;
	v2 =	vld [tilespmem:s31+$0xD0]  }
0xe2: {  	[tilespmem:s31+$0x60] =	vst v3;
	v3 =	vld [tilespmem:s31+$0xE0];
	v5 =	vmul.f32 $1.131370830e+01, v7  }
0xe3: {  	s0 =	simm.s32 $0xE700;
	s2 =	simm.s32 $0x0;
	v6 =	vmul.f32 $1.131370830e+01, v8;
	[tilespmem:s31+$0x70] =	vst v4;
	v4 =	vld [tilespmem:s31+$0xFFFFFF00]  }
.LBB2_7:
0xe4: {  	v7 =	vld [tilespmem:s0+$0xF0];
	s2 =	sadd.s32 $0x4, s2;
	[tilespmem:s31+$0x90] =	vst v5;
	v0 =	vmul.f32 $1.131370830e+01, v0  }
0xe5: {  	v5 =	vld [tilespmem:s0+$0xFFFFFF10];
	p0 =	slt.u32 s2, $0x7C;
	[tilespmem:s31+$0xA0] =	vst v6;
	v1 =	vmul.f32 $1.131370830e+01, v1  }
0xe6: {  	v6 =	vld [tilespmem:s0+$0xFFFFFF20];
	[tilespmem:s31+$0xB0] =	vst v0;
	v0 =	vmul.f32 $1.131370830e+01, v2  }
0xe7: {  	v2 =	vld [tilespmem:s0+$0xFFFFFF30];
	[tilespmem:s31+$0xC0] =	vst v1;
	v1 =	vmul.f32 $1.131370830e+01, v3  }
0xe8: {  	v3 =	vld [tilespmem:s0+$0xFFFFFF40];
	v4 =	vmul.f32 $1.131370830e+01, v4;
	[tilespmem:s31+$0xD0] =	vst v0  }
0xe9: {  	v0 =	vld [tilespmem:s0+$0xFFFFFF50];
	v7 =	vmul.f32 $1.131370830e+01, v7;
	[tilespmem:s31+$0xE0] =	vst v1  }
0xea: {  	v1 =	vmul.f32 $1.131370830e+01, v5;
	v5 =	vld [tilespmem:s0+$0xFFFFFF60];
	[tilespmem:s31+$0xFFFFFF00] =	vst v4;
	s31 =	smov.u32 s0  }
0xeb: {  	v4 =	vmul.f32 $1.131370830e+01, v6;
	v6 =	vld [tilespmem:s0+$0xFFFFFF70];
	[tilespmem:s0+$0xF0] =	vst v7  }
0xec: {  	[tilespmem:s0+$0xFFFFFF10] =	vst v1;
	v1 =	vmul.f32 $1.131370830e+01, v2;
	v2 =	vld [tilespmem:s0+$0xFFFFFF80]  }
0xed: {  	[tilespmem:s0+$0xFFFFFF20] =	vst v4;
	v3 =	vmul.f32 $1.131370830e+01, v3;
	v4 =	vld [tilespmem:s0+$0xFFFFFF90]  }
0xee: {  	[tilespmem:s0+$0xFFFFFF30] =	vst v1;
	v0 =	vmul.f32 $1.131370830e+01, v0;
	v1 =	vld [tilespmem:s0+$0xFFFFFFA0]  }
0xef: {  	[tilespmem:s0+$0xFFFFFF40] =	vst v3;
	v3 =	vmul.f32 $1.131370830e+01, v5;
	v5 =	vld [tilespmem:s0+$0xFFFFFFB0]  }
0xf0: {  	[tilespmem:s0+$0xFFFFFF50] =	vst v0;
	v0 =	vmul.f32 $1.131370830e+01, v6;
	v6 =	vld [tilespmem:s0+$0xFFFFFFC0]  }
0xf1: {  	[tilespmem:s0+$0xFFFFFF60] =	vst v3;
	v2 =	vmul.f32 $1.131370830e+01, v2;
	v3 =	vld [tilespmem:s0+$0xFFFFFFD0]  }
0xf2: {  	[tilespmem:s0+$0xFFFFFF70] =	vst v0;
	v0 =	vmul.f32 $1.131370830e+01, v4;
	v4 =	vld [tilespmem:s0+$0xFFFFFFE0]  }
0xf3: {  	[tilespmem:s0+$0xFFFFFF80] =	vst v2;
	v1 =	vmul.f32 $1.131370830e+01, v1;
	v2 =	vld [tilespmem:s0+$0xFFFFFFF0]  }
0xf4: {  	[tilespmem:s0+$0xFFFFFF90] =	vst v0;
	v0 =	vmul.f32 $1.131370830e+01, v5;
	v5 =	vld [tilespmem:s0+$0x0]  }
0xf5: {  	[tilespmem:s0+$0xFFFFFFA0] =	vst v1;
	v1 =	vmul.f32 $1.131370830e+01, v6;
	v6 =	vld [tilespmem:s0+$0x10]  }
0xf6: {  	[tilespmem:s0+$0xFFFFFFB0] =	vst v0;
	v0 =	vmul.f32 $1.131370830e+01, v3;
	v3 =	vld [tilespmem:s0+$0x20]  }
0xf7: {  	[tilespmem:s0+$0xFFFFFFC0] =	vst v1;
	v1 =	vmul.f32 $1.131370830e+01, v4;
	v4 =	vld [tilespmem:s0+$0x30]  }
0xf8: {  	[tilespmem:s0+$0xFFFFFFD0] =	vst v0;
	v0 =	vmul.f32 $1.131370830e+01, v2;
	v2 =	vld [tilespmem:s0+$0x40]  }
0xf9: {  	[tilespmem:s0+$0xFFFFFFE0] =	vst v1;
	v1 =	vmul.f32 $1.131370830e+01, v5;
	v5 =	vld [tilespmem:s0+$0x50]  }
0xfa: {  	[tilespmem:s0+$0xFFFFFFF0] =	vst v0;
	v0 =	vmul.f32 $1.131370830e+01, v6;
	v6 =	vld [tilespmem:s0+$0x60]  }
0xfb: {  	[tilespmem:s0+$0x0] =	vst v1;
	v1 =	vmul.f32 $1.131370830e+01, v3;
	v3 =	vld [tilespmem:s0+$0x70]  }
0xfc: {  	[tilespmem:s0+$0x10] =	vst v0;
	v0 =	vmul.f32 $1.131370830e+01, v4;
	v4 =	vld [tilespmem:s0+$0x80]  }
0xfd: {  	[tilespmem:s0+$0x20] =	vst v1;
	v1 =	vmul.f32 $1.131370830e+01, v2;
	v7 =	vld [tilespmem:s0+$0x90]  }
0xfe: {  	[tilespmem:s0+$0x30] =	vst v0;
	v2 =	vmul.f32 $1.131370830e+01, v5;
	v8 =	vld [tilespmem:s0+$0xA0]  }
.Ltmp2:
0xff: {  	[tilespmem:s0+$0x40] =	vst v1;
	v5 =	vmul.f32 $1.131370830e+01, v6;
	v0 =	vld [tilespmem:s0+$0xB0];
	(pc) =	sbr.rel @p0 .LBB2_7-.Ltmp2, $4  }
0x100: {  	[tilespmem:s0+$0x50] =	vst v2;
	v3 =	vmul.f32 $1.131370830e+01, v3;
	v1 =	vld [tilespmem:s0+$0xC0]  }
0x101: {  	[tilespmem:s0+$0x60] =	vst v5;
	v6 =	vmul.f32 $1.131370830e+01, v4;
	v2 =	vld [tilespmem:s0+$0xD0]  }
0x102: {  	[tilespmem:s0+$0x70] =	vst v3;
	v5 =	vmul.f32 $1.131370830e+01, v7;
	v3 =	vld [tilespmem:s0+$0xE0]  }
0x103: {  	s0 =	sadd.s32 $0x200, s0;
	v4 =	vld [tilespmem:s31+$0xFFFFFF00];
	[tilespmem:s31+$0x80] =	vst v6;
	v6 =	vmul.f32 $1.131370830e+01, v8  }
0x104: {  	[tilespmem:s31+$0x90] =	vst v5;
	v0 =	vmul.f32 $1.131370830e+01, v0  }
0x105: {  	[tilespmem:s31+$0xA0] =	vst v6;
	v1 =	vmul.f32 $1.131370830e+01, v1  }
0x106: {  	[tilespmem:s31+$0xB0] =	vst v0;
	v0 =	vmul.f32 $1.131370830e+01, v2  }
0x107: {  	s0 =	sadd.s32 s12, s8;
	[tilespmem:s31+$0xC0] =	vst v1;
	v1 =	vmul.f32 $1.131370830e+01, v3  }
0x108: {  	s0 =	sshll.u32 s0, $0xB;
	v2 =	vmul.f32 $1.131370830e+01, v4;
	[tilespmem:s31+$0xD0] =	vst v0  }
0x109: {  	s0 =	sand.u32 $0x1FFFF000, s0;
	[tilespmem:s31+$0xE0] =	vst v1  }
0x10a: {  	s0 =	sadd.s32 s3, s0;
	[tilespmem:s31+$0xFFFFFF00] =	vst v2  }
0x10b: {  	[hbm4b:s0+s4] =	stream.linear.scatter [tilespmem:s17], [sflag:$0x9], $0x4000, $0x38;
	[tilespmem:$0x1E400] =	vst v63  }
0x10c: {  	_ =	swait.ge [sflag:s24], $0x4000  }
0x10d: {  	[sflag:s24] =	ssyncset.done $0x0  }
0x10e: {  	s12 =	smul.u32 $0xC00, s6;
	[sflag:s24] =	ssyncadd.s32 $0xFFFFC000  }
0x10f: {  	_ =	swait.ge [sflag:s25], $0x4000  }
0x110: {  	s12 =	sshra.s32 s12, $0x2;
	[sflag:s25] =	ssyncset.done $0x0  }
0x111: {  	s31 =	simm.s32 $0x12500;
	s0 =	sadd.s32 $0x300, s12;
	[sflag:s25] =	ssyncadd.s32 $0xFFFFC000  }
0x112: {  	[tilespmem:s14], [sflag:$0x1] =	stream.indirect.gather [hbm4b:s1+s13], $0x80, s0, s13, $0xb8;
	[tilespmem:$0x1E400] =	vst v63  }
0x113: {  	v0 =	vld [tilespmem:s31+$0xF0]  }
0x114: {  	v1 =	vld [tilespmem:s31+$0xFFFFFF10]  }
0x115: {  	v2 =	vld [tilespmem:s31+$0xFFFFFF20]  }
0x116: {  	v3 =	vld [tilespmem:s31+$0xFFFFFF30]  }
0x117: {  	v6 =	vld [tilespmem:s31+$0xFFFFFF60]  }
0x118: {  	v4 =	vld [tilespmem:s31+$0xFFFFFF40]  }
0x119: {  	v5 =	vld [tilespmem:s31+$0xFFFFFF50];
	v0 =	vmul.f32 $1.131370830e+01, v0  }
0x11a: {  	v8 =	vld [tilespmem:s31+$0xFFFFFF80];
	v1 =	vmul.f32 $1.131370830e+01, v1  }
0x11b: {  	v7 =	vld [tilespmem:s31+$0xFFFFFF70];
	v2 =	vmul.f32 $1.131370830e+01, v2;
	[tilespmem:s31+$0xF0] =	vst v0  }
0x11c: {  	v6 =	vmul.f32 $1.131370830e+01, v6;
	v0 =	vld [tilespmem:s31+$0xFFFFFF90];
	[tilespmem:s31+$0xFFFFFF10] =	vst v1  }
0x11d: {  	v1 =	vmul.f32 $1.131370830e+01, v3;
	v3 =	vld [tilespmem:s31+$0xFFFFFFA0];
	[tilespmem:s31+$0xFFFFFF20] =	vst v2;
	v2 =	vmul.f32 $1.131370830e+01, v4  }
0x11e: {  	[tilespmem:s31+$0xFFFFFF60] =	vst v6;
	v6 =	vld [tilespmem:s31+$0xFFFFFFF0]  }
0x11f: {  	v4 =	vld [tilespmem:s31+$0xFFFFFFB0];
	[tilespmem:s31+$0xFFFFFF40] =	vst v2;
	v2 =	vmul.f32 $1.131370830e+01, v8  }
0x120: {  	[tilespmem:s31+$0xFFFFFF30] =	vst v1;
	v1 =	vmul.f32 $1.131370830e+01, v5;
	v5 =	vld [tilespmem:s31+$0xFFFFFFC0]  }
0x121: {  	v8 =	vld [tilespmem:s31+$0xFFFFFFD0];
	[tilespmem:s31+$0xFFFFFF80] =	vst v2;
	v2 =	vmul.f32 $1.131370830e+01, v7  }
0x122: {  	[tilespmem:s31+$0xFFFFFF50] =	vst v1;
	v1 =	vld [tilespmem:s31+$0xFFFFFFE0];
	v0 =	vmul.f32 $1.131370830e+01, v0  }
0x123: {  	v7 =	vld [tilespmem:s31+$0x30];
	v6 =	vmul.f32 $1.131370830e+01, v6;
	[tilespmem:s31+$0xFFFFFF70] =	vst v2  }
0x124: {  	v2 =	vmul.f32 $1.131370830e+01, v3;
	v3 =	vld [tilespmem:s31+$0x0];
	[tilespmem:s31+$0xFFFFFF90] =	vst v0  }
0x125: {  	v0 =	vmul.f32 $1.131370830e+01, v4;
	v4 =	vld [tilespmem:s31+$0x10];
	[tilespmem:s31+$0xFFFFFFF0] =	vst v6  }
0x126: {  	[tilespmem:s31+$0xFFFFFFA0] =	vst v2;
	v2 =	vmul.f32 $1.131370830e+01, v5;
	v5 =	vld [tilespmem:s31+$0x20]  }
0x127: {  	v6 =	vld [tilespmem:s31+$0x80];
	[tilespmem:s31+$0xFFFFFFB0] =	vst v0;
	v0 =	vmul.f32 $1.131370830e+01, v8  }
0x128: {  	v1 =	vmul.f32 $1.131370830e+01, v1;
	[tilespmem:s31+$0xFFFFFFC0] =	vst v2;
	v2 =	vld [tilespmem:s31+$0x40]  }
0x129: {  	[tilespmem:s31+$0xFFFFFFD0] =	vst v0;
	v0 =	vmul.f32 $1.131370830e+01, v3  }
0x12a: {  	v3 =	vld [tilespmem:s31+$0x50];
	[tilespmem:s31+$0xFFFFFFE0] =	vst v1;
	v4 =	vmul.f32 $1.131370830e+01, v4  }
0x12b: {  	v1 =	vld [tilespmem:s31+$0x60];
	[tilespmem:s31+$0x0] =	vst v0;
	v0 =	vmul.f32 $1.131370830e+01, v5  }
0x12c: {  	v6 =	vmul.f32 $1.131370830e+01, v6;
	v5 =	vld [tilespmem:s31+$0x70];
	[tilespmem:s31+$0x10] =	vst v4  }
0x12d: {  	v4 =	vmul.f32 $1.131370830e+01, v7;
	v7 =	vld [tilespmem:s31+$0x90];
	[tilespmem:s31+$0x20] =	vst v0;
	v0 =	vmul.f32 $1.131370830e+01, v2  }
0x12e: {  	v8 =	vld [tilespmem:s31+$0xA0];
	[tilespmem:s31+$0x80] =	vst v6  }
0x12f: {  	v2 =	vmul.f32 $1.131370830e+01, v3;
	[tilespmem:s31+$0x40] =	vst v0;
	v0 =	vld [tilespmem:s31+$0xB0]  }
0x130: {  	[tilespmem:s31+$0x30] =	vst v4;
	v3 =	vmul.f32 $1.131370830e+01, v1;
	v1 =	vld [tilespmem:s31+$0xC0]  }
0x131: {  	[tilespmem:s31+$0x50] =	vst v2;
	v4 =	vmul.f32 $1.131370830e+01, v5;
	v2 =	vld [tilespmem:s31+$0xD0]  }
0x132: {  	[tilespmem:s31+$0x60] =	vst v3;
	v3 =	vld [tilespmem:s31+$0xE0];
	v5 =	vmul.f32 $1.131370830e+01, v7  }
0x133: {  	s2 =	simm.s32 $0x0;
	s0 =	simm.s32 $0x12700;
	v6 =	vmul.f32 $1.131370830e+01, v8;
	[tilespmem:s31+$0x70] =	vst v4;
	v4 =	vld [tilespmem:s31+$0xFFFFFF00]  }
.LBB2_9:
0x134: {  	v7 =	vld [tilespmem:s0+$0xF0];
	s2 =	sadd.s32 $0x4, s2;
	[tilespmem:s31+$0x90] =	vst v5;
	v0 =	vmul.f32 $1.131370830e+01, v0  }
0x135: {  	v5 =	vld [tilespmem:s0+$0xFFFFFF10];
	p0 =	slt.u32 s2, $0x7C;
	[tilespmem:s31+$0xA0] =	vst v6;
	v1 =	vmul.f32 $1.131370830e+01, v1  }
0x136: {  	v6 =	vld [tilespmem:s0+$0xFFFFFF20];
	[tilespmem:s31+$0xB0] =	vst v0;
	v0 =	vmul.f32 $1.131370830e+01, v2  }
0x137: {  	v2 =	vld [tilespmem:s0+$0xFFFFFF30];
	[tilespmem:s31+$0xC0] =	vst v1;
	v1 =	vmul.f32 $1.131370830e+01, v3  }
0x138: {  	v3 =	vld [tilespmem:s0+$0xFFFFFF40];
	v4 =	vmul.f32 $1.131370830e+01, v4;
	[tilespmem:s31+$0xD0] =	vst v0  }
0x139: {  	v0 =	vld [tilespmem:s0+$0xFFFFFF50];
	v7 =	vmul.f32 $1.131370830e+01, v7;
	[tilespmem:s31+$0xE0] =	vst v1  }
0x13a: {  	v1 =	vmul.f32 $1.131370830e+01, v5;
	v5 =	vld [tilespmem:s0+$0xFFFFFF60];
	[tilespmem:s31+$0xFFFFFF00] =	vst v4;
	s31 =	smov.u32 s0  }
0x13b: {  	v4 =	vmul.f32 $1.131370830e+01, v6;
	v6 =	vld [tilespmem:s0+$0xFFFFFF70];
	[tilespmem:s0+$0xF0] =	vst v7  }
0x13c: {  	[tilespmem:s0+$0xFFFFFF10] =	vst v1;
	v1 =	vmul.f32 $1.131370830e+01, v2;
	v2 =	vld [tilespmem:s0+$0xFFFFFF80]  }
0x13d: {  	[tilespmem:s0+$0xFFFFFF20] =	vst v4;
	v3 =	vmul.f32 $1.131370830e+01, v3;
	v4 =	vld [tilespmem:s0+$0xFFFFFF90]  }
0x13e: {  	[tilespmem:s0+$0xFFFFFF30] =	vst v1;
	v0 =	vmul.f32 $1.131370830e+01, v0;
	v1 =	vld [tilespmem:s0+$0xFFFFFFA0]  }
0x13f: {  	[tilespmem:s0+$0xFFFFFF40] =	vst v3;
	v3 =	vmul.f32 $1.131370830e+01, v5;
	v5 =	vld [tilespmem:s0+$0xFFFFFFB0]  }
0x140: {  	[tilespmem:s0+$0xFFFFFF50] =	vst v0;
	v0 =	vmul.f32 $1.131370830e+01, v6;
	v6 =	vld [tilespmem:s0+$0xFFFFFFC0]  }
0x141: {  	[tilespmem:s0+$0xFFFFFF60] =	vst v3;
	v2 =	vmul.f32 $1.131370830e+01, v2;
	v3 =	vld [tilespmem:s0+$0xFFFFFFD0]  }
0x142: {  	[tilespmem:s0+$0xFFFFFF70] =	vst v0;
	v0 =	vmul.f32 $1.131370830e+01, v4;
	v4 =	vld [tilespmem:s0+$0xFFFFFFE0]  }
0x143: {  	[tilespmem:s0+$0xFFFFFF80] =	vst v2;
	v1 =	vmul.f32 $1.131370830e+01, v1;
	v2 =	vld [tilespmem:s0+$0xFFFFFFF0]  }
0x144: {  	[tilespmem:s0+$0xFFFFFF90] =	vst v0;
	v0 =	vmul.f32 $1.131370830e+01, v5;
	v5 =	vld [tilespmem:s0+$0x0]  }
0x145: {  	[tilespmem:s0+$0xFFFFFFA0] =	vst v1;
	v1 =	vmul.f32 $1.131370830e+01, v6;
	v6 =	vld [tilespmem:s0+$0x10]  }
0x146: {  	[tilespmem:s0+$0xFFFFFFB0] =	vst v0;
	v0 =	vmul.f32 $1.131370830e+01, v3;
	v3 =	vld [tilespmem:s0+$0x20]  }
0x147: {  	[tilespmem:s0+$0xFFFFFFC0] =	vst v1;
	v1 =	vmul.f32 $1.131370830e+01, v4;
	v4 =	vld [tilespmem:s0+$0x30]  }
0x148: {  	[tilespmem:s0+$0xFFFFFFD0] =	vst v0;
	v0 =	vmul.f32 $1.131370830e+01, v2;
	v2 =	vld [tilespmem:s0+$0x40]  }
0x149: {  	[tilespmem:s0+$0xFFFFFFE0] =	vst v1;
	v1 =	vmul.f32 $1.131370830e+01, v5;
	v5 =	vld [tilespmem:s0+$0x50]  }
0x14a: {  	[tilespmem:s0+$0xFFFFFFF0] =	vst v0;
	v0 =	vmul.f32 $1.131370830e+01, v6;
	v6 =	vld [tilespmem:s0+$0x60]  }
0x14b: {  	[tilespmem:s0+$0x0] =	vst v1;
	v1 =	vmul.f32 $1.131370830e+01, v3;
	v3 =	vld [tilespmem:s0+$0x70]  }
0x14c: {  	[tilespmem:s0+$0x10] =	vst v0;
	v0 =	vmul.f32 $1.131370830e+01, v4;
	v4 =	vld [tilespmem:s0+$0x80]  }
0x14d: {  	[tilespmem:s0+$0x20] =	vst v1;
	v1 =	vmul.f32 $1.131370830e+01, v2;
	v7 =	vld [tilespmem:s0+$0x90]  }
0x14e: {  	[tilespmem:s0+$0x30] =	vst v0;
	v2 =	vmul.f32 $1.131370830e+01, v5;
	v8 =	vld [tilespmem:s0+$0xA0]  }
.Ltmp3:
0x14f: {  	[tilespmem:s0+$0x40] =	vst v1;
	v5 =	vmul.f32 $1.131370830e+01, v6;
	v0 =	vld [tilespmem:s0+$0xB0];
	(pc) =	sbr.rel @p0 .LBB2_9-.Ltmp3, $4  }
0x150: {  	[tilespmem:s0+$0x50] =	vst v2;
	v3 =	vmul.f32 $1.131370830e+01, v3;
	v1 =	vld [tilespmem:s0+$0xC0]  }
0x151: {  	[tilespmem:s0+$0x60] =	vst v5;
	v6 =	vmul.f32 $1.131370830e+01, v4;
	v2 =	vld [tilespmem:s0+$0xD0]  }
0x152: {  	[tilespmem:s0+$0x70] =	vst v3;
	v5 =	vmul.f32 $1.131370830e+01, v7;
	v3 =	vld [tilespmem:s0+$0xE0]  }
0x153: {  	s0 =	sadd.s32 $0x200, s0;
	v4 =	vld [tilespmem:s31+$0xFFFFFF00];
	[tilespmem:s31+$0x80] =	vst v6;
	v6 =	vmul.f32 $1.131370830e+01, v8  }
0x154: {  	[tilespmem:s31+$0x90] =	vst v5;
	v0 =	vmul.f32 $1.131370830e+01, v0  }
0x155: {  	[tilespmem:s31+$0xA0] =	vst v6;
	v1 =	vmul.f32 $1.131370830e+01, v1  }
0x156: {  	[tilespmem:s31+$0xB0] =	vst v0;
	v0 =	vmul.f32 $1.131370830e+01, v2  }
0x157: {  	s0 =	sadd.s32 s5, s9;
	[tilespmem:s31+$0xC0] =	vst v1;
	v1 =	vmul.f32 $1.131370830e+01, v3  }
0x158: {  	s0 =	sshll.u32 s0, $0xB;
	v2 =	vmul.f32 $1.131370830e+01, v4;
	[tilespmem:s31+$0xD0] =	vst v0  }
0x159: {  	s0 =	sand.u32 $0x1FFFF800, s0;
	[tilespmem:s31+$0xE0] =	vst v1  }
0x15a: {  	s0 =	sadd.s32 s3, s0;
	[tilespmem:s31+$0xFFFFFF00] =	vst v2  }
0x15b: {  	[hbm4b:s0+s4] =	stream.linear.scatter [tilespmem:s19], [sflag:$0xA], $0x4000, $0x38;
	[tilespmem:$0x1E400] =	vst v63  }
0x15c: {  	_ =	swait.ge [sflag:s26], $0x4000  }
0x15d: {  	[sflag:s26] =	ssyncset.done $0x0  }
0x15e: {  	[sflag:s26] =	ssyncadd.s32 $0xFFFFC000  }
0x15f: {  	_ =	swait.ge [sflag:s28], $0x4000  }
0x160: {  	[sflag:s28] =	ssyncset.done $0x0  }
0x161: {  	s9 =	simm.s32 $0x16500;
	s31 =	sadd.s32 $0x380, s12;
	[sflag:s28] =	ssyncadd.s32 $0xFFFFC000  }
0x162: {  	[tilespmem:s15], [sflag:$0x2] =	stream.indirect.gather [hbm4b:s1+s13], $0x80, s31, s13, $0xb8;
	[tilespmem:$0x1E400] =	vst v63  }
0x163: {  	v0 =	vld [tilespmem:s9+$0xF0]  }
0x164: {  	v1 =	vld [tilespmem:s9+$0xFFFFFF10]  }
0x165: {  	v2 =	vld [tilespmem:s9+$0xFFFFFF20]  }
0x166: {  	v3 =	vld [tilespmem:s9+$0xFFFFFF30]  }
0x167: {  	v6 =	vld [tilespmem:s9+$0xFFFFFF60]  }
0x168: {  	v4 =	vld [tilespmem:s9+$0xFFFFFF40]  }
0x169: {  	v5 =	vld [tilespmem:s9+$0xFFFFFF50];
	v0 =	vmul.f32 $1.131370830e+01, v0  }
0x16a: {  	v8 =	vld [tilespmem:s9+$0xFFFFFF80];
	v1 =	vmul.f32 $1.131370830e+01, v1  }
0x16b: {  	v7 =	vld [tilespmem:s9+$0xFFFFFF70];
	v2 =	vmul.f32 $1.131370830e+01, v2;
	[tilespmem:s9+$0xF0] =	vst v0  }
0x16c: {  	v6 =	vmul.f32 $1.131370830e+01, v6;
	v0 =	vld [tilespmem:s9+$0xFFFFFF90];
	[tilespmem:s9+$0xFFFFFF10] =	vst v1  }
0x16d: {  	v1 =	vmul.f32 $1.131370830e+01, v3;
	v3 =	vld [tilespmem:s9+$0xFFFFFFA0];
	[tilespmem:s9+$0xFFFFFF20] =	vst v2;
	v2 =	vmul.f32 $1.131370830e+01, v4  }
0x16e: {  	[tilespmem:s9+$0xFFFFFF60] =	vst v6;
	v6 =	vld [tilespmem:s9+$0xFFFFFFF0]  }
0x16f: {  	v4 =	vld [tilespmem:s9+$0xFFFFFFB0];
	[tilespmem:s9+$0xFFFFFF40] =	vst v2;
	v2 =	vmul.f32 $1.131370830e+01, v8  }
0x170: {  	[tilespmem:s9+$0xFFFFFF30] =	vst v1;
	v1 =	vmul.f32 $1.131370830e+01, v5;
	v5 =	vld [tilespmem:s9+$0xFFFFFFC0]  }
0x171: {  	v8 =	vld [tilespmem:s9+$0xFFFFFFD0];
	[tilespmem:s9+$0xFFFFFF80] =	vst v2;
	v2 =	vmul.f32 $1.131370830e+01, v7  }
0x172: {  	[tilespmem:s9+$0xFFFFFF50] =	vst v1;
	v1 =	vld [tilespmem:s9+$0xFFFFFFE0];
	v0 =	vmul.f32 $1.131370830e+01, v0  }
0x173: {  	v7 =	vld [tilespmem:s9+$0x30];
	v6 =	vmul.f32 $1.131370830e+01, v6;
	[tilespmem:s9+$0xFFFFFF70] =	vst v2  }
0x174: {  	v2 =	vmul.f32 $1.131370830e+01, v3;
	v3 =	vld [tilespmem:s9+$0x0];
	[tilespmem:s9+$0xFFFFFF90] =	vst v0  }
0x175: {  	v0 =	vmul.f32 $1.131370830e+01, v4;
	v4 =	vld [tilespmem:s9+$0x10];
	[tilespmem:s9+$0xFFFFFFF0] =	vst v6  }
0x176: {  	[tilespmem:s9+$0xFFFFFFA0] =	vst v2;
	v2 =	vmul.f32 $1.131370830e+01, v5;
	v5 =	vld [tilespmem:s9+$0x20]  }
0x177: {  	v6 =	vld [tilespmem:s9+$0x80];
	[tilespmem:s9+$0xFFFFFFB0] =	vst v0;
	v0 =	vmul.f32 $1.131370830e+01, v8  }
0x178: {  	v1 =	vmul.f32 $1.131370830e+01, v1;
	[tilespmem:s9+$0xFFFFFFC0] =	vst v2;
	v2 =	vld [tilespmem:s9+$0x40]  }
0x179: {  	[tilespmem:s9+$0xFFFFFFD0] =	vst v0;
	v0 =	vmul.f32 $1.131370830e+01, v3  }
0x17a: {  	v3 =	vld [tilespmem:s9+$0x50];
	[tilespmem:s9+$0xFFFFFFE0] =	vst v1;
	v4 =	vmul.f32 $1.131370830e+01, v4  }
0x17b: {  	v1 =	vld [tilespmem:s9+$0x60];
	[tilespmem:s9+$0x0] =	vst v0;
	v0 =	vmul.f32 $1.131370830e+01, v5  }
0x17c: {  	v6 =	vmul.f32 $1.131370830e+01, v6;
	v5 =	vld [tilespmem:s9+$0x70];
	[tilespmem:s9+$0x10] =	vst v4  }
0x17d: {  	v4 =	vmul.f32 $1.131370830e+01, v7;
	v7 =	vld [tilespmem:s9+$0x90];
	[tilespmem:s9+$0x20] =	vst v0;
	v0 =	vmul.f32 $1.131370830e+01, v2  }
0x17e: {  	v8 =	vld [tilespmem:s9+$0xA0];
	[tilespmem:s9+$0x80] =	vst v6  }
0x17f: {  	v2 =	vmul.f32 $1.131370830e+01, v3;
	[tilespmem:s9+$0x40] =	vst v0;
	v0 =	vld [tilespmem:s9+$0xB0]  }
0x180: {  	[tilespmem:s9+$0x30] =	vst v4;
	v3 =	vmul.f32 $1.131370830e+01, v1;
	v1 =	vld [tilespmem:s9+$0xC0]  }
0x181: {  	[tilespmem:s9+$0x50] =	vst v2;
	v4 =	vmul.f32 $1.131370830e+01, v5;
	v2 =	vld [tilespmem:s9+$0xD0]  }
0x182: {  	[tilespmem:s9+$0x60] =	vst v3;
	v3 =	vld [tilespmem:s9+$0xE0];
	v5 =	vmul.f32 $1.131370830e+01, v7  }
0x183: {  	s2 =	simm.s32 $0x0;
	s0 =	simm.s32 $0x16700;
	v6 =	vmul.f32 $1.131370830e+01, v8;
	[tilespmem:s9+$0x70] =	vst v4;
	v4 =	vld [tilespmem:s9+$0xFFFFFF00]  }
.LBB2_11:
0x184: {  	v7 =	vld [tilespmem:s0+$0xF0];
	s2 =	sadd.s32 $0x4, s2;
	[tilespmem:s9+$0x90] =	vst v5;
	v0 =	vmul.f32 $1.131370830e+01, v0  }
0x185: {  	v5 =	vld [tilespmem:s0+$0xFFFFFF10];
	p0 =	slt.u32 s2, $0x7C;
	[tilespmem:s9+$0xA0] =	vst v6;
	v1 =	vmul.f32 $1.131370830e+01, v1  }
0x186: {  	v6 =	vld [tilespmem:s0+$0xFFFFFF20];
	[tilespmem:s9+$0xB0] =	vst v0;
	v0 =	vmul.f32 $1.131370830e+01, v2  }
0x187: {  	v2 =	vld [tilespmem:s0+$0xFFFFFF30];
	[tilespmem:s9+$0xC0] =	vst v1;
	v1 =	vmul.f32 $1.131370830e+01, v3  }
0x188: {  	v3 =	vld [tilespmem:s0+$0xFFFFFF40];
	v4 =	vmul.f32 $1.131370830e+01, v4;
	[tilespmem:s9+$0xD0] =	vst v0  }
0x189: {  	v0 =	vld [tilespmem:s0+$0xFFFFFF50];
	v7 =	vmul.f32 $1.131370830e+01, v7;
	[tilespmem:s9+$0xE0] =	vst v1  }
0x18a: {  	v1 =	vmul.f32 $1.131370830e+01, v5;
	v5 =	vld [tilespmem:s0+$0xFFFFFF60];
	[tilespmem:s9+$0xFFFFFF00] =	vst v4;
	s9 =	smov.u32 s0  }
0x18b: {  	v4 =	vmul.f32 $1.131370830e+01, v6;
	v6 =	vld [tilespmem:s0+$0xFFFFFF70];
	[tilespmem:s0+$0xF0] =	vst v7  }
0x18c: {  	[tilespmem:s0+$0xFFFFFF10] =	vst v1;
	v1 =	vmul.f32 $1.131370830e+01, v2;
	v2 =	vld [tilespmem:s0+$0xFFFFFF80]  }
0x18d: {  	[tilespmem:s0+$0xFFFFFF20] =	vst v4;
	v3 =	vmul.f32 $1.131370830e+01, v3;
	v4 =	vld [tilespmem:s0+$0xFFFFFF90]  }
0x18e: {  	[tilespmem:s0+$0xFFFFFF30] =	vst v1;
	v0 =	vmul.f32 $1.131370830e+01, v0;
	v1 =	vld [tilespmem:s0+$0xFFFFFFA0]  }
0x18f: {  	[tilespmem:s0+$0xFFFFFF40] =	vst v3;
	v3 =	vmul.f32 $1.131370830e+01, v5;
	v5 =	vld [tilespmem:s0+$0xFFFFFFB0]  }
0x190: {  	[tilespmem:s0+$0xFFFFFF50] =	vst v0;
	v0 =	vmul.f32 $1.131370830e+01, v6;
	v6 =	vld [tilespmem:s0+$0xFFFFFFC0]  }
0x191: {  	[tilespmem:s0+$0xFFFFFF60] =	vst v3;
	v2 =	vmul.f32 $1.131370830e+01, v2;
	v3 =	vld [tilespmem:s0+$0xFFFFFFD0]  }
0x192: {  	[tilespmem:s0+$0xFFFFFF70] =	vst v0;
	v0 =	vmul.f32 $1.131370830e+01, v4;
	v4 =	vld [tilespmem:s0+$0xFFFFFFE0]  }
0x193: {  	[tilespmem:s0+$0xFFFFFF80] =	vst v2;
	v1 =	vmul.f32 $1.131370830e+01, v1;
	v2 =	vld [tilespmem:s0+$0xFFFFFFF0]  }
0x194: {  	[tilespmem:s0+$0xFFFFFF90] =	vst v0;
	v0 =	vmul.f32 $1.131370830e+01, v5;
	v5 =	vld [tilespmem:s0+$0x0]  }
0x195: {  	[tilespmem:s0+$0xFFFFFFA0] =	vst v1;
	v1 =	vmul.f32 $1.131370830e+01, v6;
	v6 =	vld [tilespmem:s0+$0x10]  }
0x196: {  	[tilespmem:s0+$0xFFFFFFB0] =	vst v0;
	v0 =	vmul.f32 $1.131370830e+01, v3;
	v3 =	vld [tilespmem:s0+$0x20]  }
0x197: {  	[tilespmem:s0+$0xFFFFFFC0] =	vst v1;
	v1 =	vmul.f32 $1.131370830e+01, v4;
	v4 =	vld [tilespmem:s0+$0x30]  }
0x198: {  	[tilespmem:s0+$0xFFFFFFD0] =	vst v0;
	v0 =	vmul.f32 $1.131370830e+01, v2;
	v2 =	vld [tilespmem:s0+$0x40]  }
0x199: {  	[tilespmem:s0+$0xFFFFFFE0] =	vst v1;
	v1 =	vmul.f32 $1.131370830e+01, v5;
	v5 =	vld [tilespmem:s0+$0x50]  }
0x19a: {  	[tilespmem:s0+$0xFFFFFFF0] =	vst v0;
	v0 =	vmul.f32 $1.131370830e+01, v6;
	v6 =	vld [tilespmem:s0+$0x60]  }
0x19b: {  	[tilespmem:s0+$0x0] =	vst v1;
	v1 =	vmul.f32 $1.131370830e+01, v3;
	v3 =	vld [tilespmem:s0+$0x70]  }
0x19c: {  	[tilespmem:s0+$0x10] =	vst v0;
	v0 =	vmul.f32 $1.131370830e+01, v4;
	v4 =	vld [tilespmem:s0+$0x80]  }
0x19d: {  	[tilespmem:s0+$0x20] =	vst v1;
	v1 =	vmul.f32 $1.131370830e+01, v2;
	v7 =	vld [tilespmem:s0+$0x90]  }
0x19e: {  	[tilespmem:s0+$0x30] =	vst v0;
	v2 =	vmul.f32 $1.131370830e+01, v5;
	v8 =	vld [tilespmem:s0+$0xA0]  }
.Ltmp4:
0x19f: {  	[tilespmem:s0+$0x40] =	vst v1;
	v5 =	vmul.f32 $1.131370830e+01, v6;
	v0 =	vld [tilespmem:s0+$0xB0];
	(pc) =	sbr.rel @p0 .LBB2_11-.Ltmp4, $4  }
0x1a0: {  	[tilespmem:s0+$0x50] =	vst v2;
	v3 =	vmul.f32 $1.131370830e+01, v3;
	v1 =	vld [tilespmem:s0+$0xC0]  }
0x1a1: {  	[tilespmem:s0+$0x60] =	vst v5;
	v6 =	vmul.f32 $1.131370830e+01, v4;
	v2 =	vld [tilespmem:s0+$0xD0]  }
0x1a2: {  	[tilespmem:s0+$0x70] =	vst v3;
	v5 =	vmul.f32 $1.131370830e+01, v7;
	v3 =	vld [tilespmem:s0+$0xE0]  }
0x1a3: {  	s0 =	sadd.s32 $0x200, s0;
	v4 =	vld [tilespmem:s9+$0xFFFFFF00];
	[tilespmem:s9+$0x80] =	vst v6;
	v6 =	vmul.f32 $1.131370830e+01, v8  }
0x1a4: {  	[tilespmem:s9+$0x90] =	vst v5;
	v0 =	vmul.f32 $1.131370830e+01, v0  }
0x1a5: {  	[tilespmem:s9+$0xA0] =	vst v6;
	v1 =	vmul.f32 $1.131370830e+01, v1  }
0x1a6: {  	[tilespmem:s9+$0xB0] =	vst v0;
	v0 =	vmul.f32 $1.131370830e+01, v2  }
0x1a7: {  	s0 =	sadd.s32 s5, s10;
	[tilespmem:s9+$0xC0] =	vst v1;
	v1 =	vmul.f32 $1.131370830e+01, v3  }
0x1a8: {  	s0 =	sshll.u32 s0, $0xB;
	v2 =	vmul.f32 $1.131370830e+01, v4;
	[tilespmem:s9+$0xD0] =	vst v0  }
0x1a9: {  	s0 =	sand.u32 $0x1FFFF000, s0;
	[tilespmem:s9+$0xE0] =	vst v1  }
0x1aa: {  	s0 =	sadd.s32 s3, s0;
	[tilespmem:s9+$0xFFFFFF00] =	vst v2  }
0x1ab: {  	[hbm4b:s0+s4] =	stream.linear.scatter [tilespmem:s21], [sflag:$0xB], $0x4000, $0x38;
	[tilespmem:$0x1E400] =	vst v63  }
0x1ac: {  	_ =	swait.ge [sflag:s29], $0x4000  }
0x1ad: {  	[sflag:s29] =	ssyncset.done $0x0  }
0x1ae: {  	[sflag:s29] =	ssyncadd.s32 $0xFFFFC000  }
0x1af: {  	p0 =	seq.s32 s6, $0x20;
	_ =	swait.ge [sflag:s30], $0x4000  }
0x1b0: {  	s2 =	simm.s32 @!p0 $0x80;
	[sflag:s30] =	ssyncset.done $0x0  }
0x1b1: {  	s9 =	simm.s32 @!p0 $0xE400;
	s0 =	sadd.s32 @!p0 $0x400, s12;
	[sflag:s30] =	ssyncadd.s32 $0xFFFFC000  }
0x1b2: {  	[tilespmem:s9], [sflag:$0x3] =	stream.indirect.gather @!p0 [hbm4b:s1+s2], $0x80, s0, s2, $0xb8;
	[tilespmem:$0x1E400] =	vst v63  }
0x1b3: {  	s9 =	simm.s32 $0x1A500  }
0x1b4: {  	v0 =	vld [tilespmem:s9+$0xF0]  }
0x1b5: {  	v1 =	vld [tilespmem:s9+$0xFFFFFF10]  }
0x1b6: {  	v2 =	vld [tilespmem:s9+$0xFFFFFF20]  }
0x1b7: {  	v3 =	vld [tilespmem:s9+$0xFFFFFF30]  }
0x1b8: {  	v6 =	vld [tilespmem:s9+$0xFFFFFF60]  }
0x1b9: {  	v4 =	vld [tilespmem:s9+$0xFFFFFF40]  }
0x1ba: {  	v5 =	vld [tilespmem:s9+$0xFFFFFF50];
	v0 =	vmul.f32 $1.131370830e+01, v0  }
0x1bb: {  	v8 =	vld [tilespmem:s9+$0xFFFFFF80];
	v1 =	vmul.f32 $1.131370830e+01, v1  }
0x1bc: {  	v7 =	vld [tilespmem:s9+$0xFFFFFF70];
	v2 =	vmul.f32 $1.131370830e+01, v2;
	[tilespmem:s9+$0xF0] =	vst v0  }
0x1bd: {  	v6 =	vmul.f32 $1.131370830e+01, v6;
	v0 =	vld [tilespmem:s9+$0xFFFFFF90];
	[tilespmem:s9+$0xFFFFFF10] =	vst v1  }
0x1be: {  	v1 =	vmul.f32 $1.131370830e+01, v3;
	v3 =	vld [tilespmem:s9+$0xFFFFFFA0];
	[tilespmem:s9+$0xFFFFFF20] =	vst v2;
	v2 =	vmul.f32 $1.131370830e+01, v4  }
0x1bf: {  	[tilespmem:s9+$0xFFFFFF60] =	vst v6;
	v6 =	vld [tilespmem:s9+$0xFFFFFFF0]  }
0x1c0: {  	v4 =	vld [tilespmem:s9+$0xFFFFFFB0];
	[tilespmem:s9+$0xFFFFFF40] =	vst v2;
	v2 =	vmul.f32 $1.131370830e+01, v8  }
0x1c1: {  	[tilespmem:s9+$0xFFFFFF30] =	vst v1;
	v1 =	vmul.f32 $1.131370830e+01, v5;
	v5 =	vld [tilespmem:s9+$0xFFFFFFC0]  }
0x1c2: {  	v8 =	vld [tilespmem:s9+$0xFFFFFFD0];
	[tilespmem:s9+$0xFFFFFF80] =	vst v2;
	v2 =	vmul.f32 $1.131370830e+01, v7  }
0x1c3: {  	[tilespmem:s9+$0xFFFFFF50] =	vst v1;
	v1 =	vld [tilespmem:s9+$0xFFFFFFE0];
	v0 =	vmul.f32 $1.131370830e+01, v0  }
0x1c4: {  	v7 =	vld [tilespmem:s9+$0x30];
	v6 =	vmul.f32 $1.131370830e+01, v6;
	[tilespmem:s9+$0xFFFFFF70] =	vst v2  }
0x1c5: {  	v2 =	vmul.f32 $1.131370830e+01, v3;
	v3 =	vld [tilespmem:s9+$0x0];
	[tilespmem:s9+$0xFFFFFF90] =	vst v0  }
0x1c6: {  	v0 =	vmul.f32 $1.131370830e+01, v4;
	v4 =	vld [tilespmem:s9+$0x10];
	[tilespmem:s9+$0xFFFFFFF0] =	vst v6  }
0x1c7: {  	[tilespmem:s9+$0xFFFFFFA0] =	vst v2;
	v2 =	vmul.f32 $1.131370830e+01, v5;
	v5 =	vld [tilespmem:s9+$0x20]  }
0x1c8: {  	v6 =	vld [tilespmem:s9+$0x80];
	[tilespmem:s9+$0xFFFFFFB0] =	vst v0;
	v0 =	vmul.f32 $1.131370830e+01, v8  }
0x1c9: {  	v1 =	vmul.f32 $1.131370830e+01, v1;
	[tilespmem:s9+$0xFFFFFFC0] =	vst v2;
	v2 =	vld [tilespmem:s9+$0x40]  }
0x1ca: {  	[tilespmem:s9+$0xFFFFFFD0] =	vst v0;
	v0 =	vmul.f32 $1.131370830e+01, v3  }
0x1cb: {  	v3 =	vld [tilespmem:s9+$0x50];
	[tilespmem:s9+$0xFFFFFFE0] =	vst v1;
	v4 =	vmul.f32 $1.131370830e+01, v4  }
0x1cc: {  	v1 =	vld [tilespmem:s9+$0x60];
	[tilespmem:s9+$0x0] =	vst v0;
	v0 =	vmul.f32 $1.131370830e+01, v5  }
0x1cd: {  	v6 =	vmul.f32 $1.131370830e+01, v6;
	v5 =	vld [tilespmem:s9+$0x70];
	[tilespmem:s9+$0x10] =	vst v4  }
0x1ce: {  	v4 =	vmul.f32 $1.131370830e+01, v7;
	v7 =	vld [tilespmem:s9+$0x90];
	[tilespmem:s9+$0x20] =	vst v0;
	v0 =	vmul.f32 $1.131370830e+01, v2  }
0x1cf: {  	v8 =	vld [tilespmem:s9+$0xA0];
	[tilespmem:s9+$0x80] =	vst v6  }
0x1d0: {  	v2 =	vmul.f32 $1.131370830e+01, v3;
	[tilespmem:s9+$0x40] =	vst v0;
	v0 =	vld [tilespmem:s9+$0xB0]  }
0x1d1: {  	[tilespmem:s9+$0x30] =	vst v4;
	v3 =	vmul.f32 $1.131370830e+01, v1;
	v1 =	vld [tilespmem:s9+$0xC0]  }
0x1d2: {  	[tilespmem:s9+$0x50] =	vst v2;
	v4 =	vmul.f32 $1.131370830e+01, v5;
	v2 =	vld [tilespmem:s9+$0xD0]  }
0x1d3: {  	[tilespmem:s9+$0x60] =	vst v3;
	v3 =	vld [tilespmem:s9+$0xE0];
	v5 =	vmul.f32 $1.131370830e+01, v7  }
0x1d4: {  	s2 =	simm.s32 $0x0;
	s0 =	simm.s32 $0x1A700;
	v6 =	vmul.f32 $1.131370830e+01, v8;
	[tilespmem:s9+$0x70] =	vst v4;
	v4 =	vld [tilespmem:s9+$0xFFFFFF00]  }
.LBB2_13:
0x1d5: {  	v7 =	vld [tilespmem:s0+$0xF0];
	s2 =	sadd.s32 $0x4, s2;
	[tilespmem:s9+$0x90] =	vst v5;
	v0 =	vmul.f32 $1.131370830e+01, v0  }
0x1d6: {  	v5 =	vld [tilespmem:s0+$0xFFFFFF10];
	p0 =	slt.u32 s2, $0x7C;
	[tilespmem:s9+$0xA0] =	vst v6;
	v1 =	vmul.f32 $1.131370830e+01, v1  }
0x1d7: {  	v6 =	vld [tilespmem:s0+$0xFFFFFF20];
	[tilespmem:s9+$0xB0] =	vst v0;
	v0 =	vmul.f32 $1.131370830e+01, v2  }
0x1d8: {  	v2 =	vld [tilespmem:s0+$0xFFFFFF30];
	[tilespmem:s9+$0xC0] =	vst v1;
	v1 =	vmul.f32 $1.131370830e+01, v3  }
0x1d9: {  	v3 =	vld [tilespmem:s0+$0xFFFFFF40];
	v4 =	vmul.f32 $1.131370830e+01, v4;
	[tilespmem:s9+$0xD0] =	vst v0  }
0x1da: {  	v0 =	vld [tilespmem:s0+$0xFFFFFF50];
	v7 =	vmul.f32 $1.131370830e+01, v7;
	[tilespmem:s9+$0xE0] =	vst v1  }
0x1db: {  	v1 =	vmul.f32 $1.131370830e+01, v5;
	v5 =	vld [tilespmem:s0+$0xFFFFFF60];
	[tilespmem:s9+$0xFFFFFF00] =	vst v4;
	s9 =	smov.u32 s0  }
0x1dc: {  	v4 =	vmul.f32 $1.131370830e+01, v6;
	v6 =	vld [tilespmem:s0+$0xFFFFFF70];
	[tilespmem:s0+$0xF0] =	vst v7  }
0x1dd: {  	[tilespmem:s0+$0xFFFFFF10] =	vst v1;
	v1 =	vmul.f32 $1.131370830e+01, v2;
	v2 =	vld [tilespmem:s0+$0xFFFFFF80]  }
0x1de: {  	[tilespmem:s0+$0xFFFFFF20] =	vst v4;
	v3 =	vmul.f32 $1.131370830e+01, v3;
	v4 =	vld [tilespmem:s0+$0xFFFFFF90]  }
0x1df: {  	[tilespmem:s0+$0xFFFFFF30] =	vst v1;
	v0 =	vmul.f32 $1.131370830e+01, v0;
	v1 =	vld [tilespmem:s0+$0xFFFFFFA0]  }
0x1e0: {  	[tilespmem:s0+$0xFFFFFF40] =	vst v3;
	v3 =	vmul.f32 $1.131370830e+01, v5;
	v5 =	vld [tilespmem:s0+$0xFFFFFFB0]  }
0x1e1: {  	[tilespmem:s0+$0xFFFFFF50] =	vst v0;
	v0 =	vmul.f32 $1.131370830e+01, v6;
	v6 =	vld [tilespmem:s0+$0xFFFFFFC0]  }
0x1e2: {  	[tilespmem:s0+$0xFFFFFF60] =	vst v3;
	v2 =	vmul.f32 $1.131370830e+01, v2;
	v3 =	vld [tilespmem:s0+$0xFFFFFFD0]  }
0x1e3: {  	[tilespmem:s0+$0xFFFFFF70] =	vst v0;
	v0 =	vmul.f32 $1.131370830e+01, v4;
	v4 =	vld [tilespmem:s0+$0xFFFFFFE0]  }
0x1e4: {  	[tilespmem:s0+$0xFFFFFF80] =	vst v2;
	v1 =	vmul.f32 $1.131370830e+01, v1;
	v2 =	vld [tilespmem:s0+$0xFFFFFFF0]  }
0x1e5: {  	[tilespmem:s0+$0xFFFFFF90] =	vst v0;
	v0 =	vmul.f32 $1.131370830e+01, v5;
	v5 =	vld [tilespmem:s0+$0x0]  }
0x1e6: {  	[tilespmem:s0+$0xFFFFFFA0] =	vst v1;
	v1 =	vmul.f32 $1.131370830e+01, v6;
	v6 =	vld [tilespmem:s0+$0x10]  }
0x1e7: {  	[tilespmem:s0+$0xFFFFFFB0] =	vst v0;
	v0 =	vmul.f32 $1.131370830e+01, v3;
	v3 =	vld [tilespmem:s0+$0x20]  }
0x1e8: {  	[tilespmem:s0+$0xFFFFFFC0] =	vst v1;
	v1 =	vmul.f32 $1.131370830e+01, v4;
	v4 =	vld [tilespmem:s0+$0x30]  }
0x1e9: {  	[tilespmem:s0+$0xFFFFFFD0] =	vst v0;
	v0 =	vmul.f32 $1.131370830e+01, v2;
	v2 =	vld [tilespmem:s0+$0x40]  }
0x1ea: {  	[tilespmem:s0+$0xFFFFFFE0] =	vst v1;
	v1 =	vmul.f32 $1.131370830e+01, v5;
	v5 =	vld [tilespmem:s0+$0x50]  }
0x1eb: {  	[tilespmem:s0+$0xFFFFFFF0] =	vst v0;
	v0 =	vmul.f32 $1.131370830e+01, v6;
	v6 =	vld [tilespmem:s0+$0x60]  }
0x1ec: {  	[tilespmem:s0+$0x0] =	vst v1;
	v1 =	vmul.f32 $1.131370830e+01, v3;
	v3 =	vld [tilespmem:s0+$0x70]  }
0x1ed: {  	[tilespmem:s0+$0x10] =	vst v0;
	v0 =	vmul.f32 $1.131370830e+01, v4;
	v4 =	vld [tilespmem:s0+$0x80]  }
0x1ee: {  	[tilespmem:s0+$0x20] =	vst v1;
	v1 =	vmul.f32 $1.131370830e+01, v2;
	v7 =	vld [tilespmem:s0+$0x90]  }
0x1ef: {  	[tilespmem:s0+$0x30] =	vst v0;
	v2 =	vmul.f32 $1.131370830e+01, v5;
	v8 =	vld [tilespmem:s0+$0xA0]  }
.Ltmp5:
0x1f0: {  	[tilespmem:s0+$0x40] =	vst v1;
	v5 =	vmul.f32 $1.131370830e+01, v6;
	v0 =	vld [tilespmem:s0+$0xB0];
	(pc) =	sbr.rel @p0 .LBB2_13-.Ltmp5, $4  }
0x1f1: {  	[tilespmem:s0+$0x50] =	vst v2;
	v3 =	vmul.f32 $1.131370830e+01, v3;
	v1 =	vld [tilespmem:s0+$0xC0]  }
0x1f2: {  	[tilespmem:s0+$0x60] =	vst v5;
	v6 =	vmul.f32 $1.131370830e+01, v4;
	v2 =	vld [tilespmem:s0+$0xD0]  }
0x1f3: {  	[tilespmem:s0+$0x70] =	vst v3;
	v5 =	vmul.f32 $1.131370830e+01, v7;
	v3 =	vld [tilespmem:s0+$0xE0]  }
0x1f4: {  	s0 =	sadd.s32 $0x200, s0;
	v4 =	vld [tilespmem:s9+$0xFFFFFF00];
	[tilespmem:s9+$0x80] =	vst v6;
	v6 =	vmul.f32 $1.131370830e+01, v8  }
0x1f5: {  	[tilespmem:s9+$0x90] =	vst v5;
	v0 =	vmul.f32 $1.131370830e+01, v0  }
0x1f6: {  	s6 =	sadd.s32 $0x1, s6;
	[tilespmem:s9+$0xA0] =	vst v6;
	v1 =	vmul.f32 $1.131370830e+01, v1  }
0x1f7: {  	p0 =	sne.s32 s6, $0x21;
	[tilespmem:s9+$0xB0] =	vst v0;
	v61 =	vmul.f32 $1.131370830e+01, v2  }
.Ltmp6:
0x1f8: {  	s0 =	sadd.s32 s5, s11;
	[tilespmem:s9+$0xC0] =	vst v1;
	v62 =	vmul.f32 $1.131370830e+01, v3;
	(pc) =	sbr.rel @p0 .LBB2_2-.Ltmp6, $4  }
0x1f9: {  	s0 =	sshll.u32 s0, $0xB;
	v63 =	vmul.f32 $1.131370830e+01, v4;
	[tilespmem:s9+$0xD0] =	vst v61  }
0x1fa: {  	s0 =	sand.u32 $0x1FFFF800, s0;
	[tilespmem:s9+$0xE0] =	vst v62  }
0x1fb: {  	s0 =	sadd.s32 s3, s0;
	[tilespmem:s9+$0xFFFFFF00] =	vst v63  }
0x1fc: {  	[hbm4b:s0+s4] =	stream.linear.scatter [tilespmem:s23], [sflag:$0xC], $0x4000, $0x38;
	[tilespmem:$0x1E400] =	vst v63  }
0x1fd: {  	_ =	swait.ge [sflag:s18], $0x4000  }
0x1fe: {  	[sflag:s18] =	ssyncset.done $0x0  }
0x1ff: {  	s0 =	simm.s32 $0xA;
	[sflag:s18] =	ssyncadd.s32 $0xFFFFC000  }
0x200: {  	_ =	swait.ge [sflag:s0], $0x4000  }
0x201: {  	[sflag:s0] =	ssyncset.done $0x0  }
0x202: {  	s6 =	simm.s32 $0x6500;
	[sflag:s0] =	ssyncadd.s32 $0xFFFFC000  }
0x203: {  	v0 =	vld [tilespmem:s6+$0xF0]  }
0x204: {  	v1 =	vld [tilespmem:s6+$0xFFFFFF10]  }
0x205: {  	v2 =	vld [tilespmem:s6+$0xFFFFFF20]  }
0x206: {  	v3 =	vld [tilespmem:s6+$0xFFFFFF30]  }
0x207: {  	v6 =	vld [tilespmem:s6+$0xFFFFFF60]  }
0x208: {  	v4 =	vld [tilespmem:s6+$0xFFFFFF40]  }
0x209: {  	v5 =	vld [tilespmem:s6+$0xFFFFFF50];
	v0 =	vmul.f32 $1.131370830e+01, v0  }
0x20a: {  	v8 =	vld [tilespmem:s6+$0xFFFFFF80];
	v1 =	vmul.f32 $1.131370830e+01, v1  }
0x20b: {  	v7 =	vld [tilespmem:s6+$0xFFFFFF70];
	v2 =	vmul.f32 $1.131370830e+01, v2;
	[tilespmem:s6+$0xF0] =	vst v0  }
0x20c: {  	v6 =	vmul.f32 $1.131370830e+01, v6;
	v0 =	vld [tilespmem:s6+$0xFFFFFF90];
	[tilespmem:s6+$0xFFFFFF10] =	vst v1  }
0x20d: {  	v1 =	vmul.f32 $1.131370830e+01, v3;
	v3 =	vld [tilespmem:s6+$0xFFFFFFA0];
	[tilespmem:s6+$0xFFFFFF20] =	vst v2;
	v2 =	vmul.f32 $1.131370830e+01, v4  }
0x20e: {  	[tilespmem:s6+$0xFFFFFF60] =	vst v6;
	v6 =	vld [tilespmem:s6+$0xFFFFFFF0]  }
0x20f: {  	v4 =	vld [tilespmem:s6+$0xFFFFFFB0];
	[tilespmem:s6+$0xFFFFFF40] =	vst v2;
	v2 =	vmul.f32 $1.131370830e+01, v8  }
0x210: {  	[tilespmem:s6+$0xFFFFFF30] =	vst v1;
	v1 =	vmul.f32 $1.131370830e+01, v5;
	v5 =	vld [tilespmem:s6+$0xFFFFFFC0]  }
0x211: {  	v8 =	vld [tilespmem:s6+$0xFFFFFFD0];
	[tilespmem:s6+$0xFFFFFF80] =	vst v2;
	v2 =	vmul.f32 $1.131370830e+01, v7  }
0x212: {  	[tilespmem:s6+$0xFFFFFF50] =	vst v1;
	v1 =	vld [tilespmem:s6+$0xFFFFFFE0];
	v0 =	vmul.f32 $1.131370830e+01, v0  }
0x213: {  	v7 =	vld [tilespmem:s6+$0x30];
	v6 =	vmul.f32 $1.131370830e+01, v6;
	[tilespmem:s6+$0xFFFFFF70] =	vst v2  }
0x214: {  	v2 =	vmul.f32 $1.131370830e+01, v3;
	v3 =	vld [tilespmem:s6+$0x0];
	[tilespmem:s6+$0xFFFFFF90] =	vst v0  }
0x215: {  	v0 =	vmul.f32 $1.131370830e+01, v4;
	v4 =	vld [tilespmem:s6+$0x10];
	[tilespmem:s6+$0xFFFFFFF0] =	vst v6  }
0x216: {  	[tilespmem:s6+$0xFFFFFFA0] =	vst v2;
	v2 =	vmul.f32 $1.131370830e+01, v5;
	v5 =	vld [tilespmem:s6+$0x20]  }
0x217: {  	v6 =	vld [tilespmem:s6+$0x80];
	[tilespmem:s6+$0xFFFFFFB0] =	vst v0;
	v0 =	vmul.f32 $1.131370830e+01, v8  }
0x218: {  	v1 =	vmul.f32 $1.131370830e+01, v1;
	[tilespmem:s6+$0xFFFFFFC0] =	vst v2;
	v2 =	vld [tilespmem:s6+$0x40]  }
0x219: {  	[tilespmem:s6+$0xFFFFFFD0] =	vst v0;
	v0 =	vmul.f32 $1.131370830e+01, v3  }
0x21a: {  	v3 =	vld [tilespmem:s6+$0x50];
	[tilespmem:s6+$0xFFFFFFE0] =	vst v1;
	v4 =	vmul.f32 $1.131370830e+01, v4  }
0x21b: {  	v1 =	vld [tilespmem:s6+$0x60];
	[tilespmem:s6+$0x0] =	vst v0;
	v0 =	vmul.f32 $1.131370830e+01, v5  }
0x21c: {  	v6 =	vmul.f32 $1.131370830e+01, v6;
	v5 =	vld [tilespmem:s6+$0x70];
	[tilespmem:s6+$0x10] =	vst v4  }
0x21d: {  	v4 =	vmul.f32 $1.131370830e+01, v7;
	v7 =	vld [tilespmem:s6+$0x90];
	[tilespmem:s6+$0x20] =	vst v0;
	v0 =	vmul.f32 $1.131370830e+01, v2  }
0x21e: {  	v8 =	vld [tilespmem:s6+$0xA0];
	[tilespmem:s6+$0x80] =	vst v6  }
0x21f: {  	v2 =	vmul.f32 $1.131370830e+01, v3;
	[tilespmem:s6+$0x40] =	vst v0;
	v0 =	vld [tilespmem:s6+$0xB0]  }
0x220: {  	[tilespmem:s6+$0x30] =	vst v4;
	v3 =	vmul.f32 $1.131370830e+01, v1;
	v1 =	vld [tilespmem:s6+$0xC0]  }
0x221: {  	[tilespmem:s6+$0x50] =	vst v2;
	v4 =	vmul.f32 $1.131370830e+01, v5;
	v2 =	vld [tilespmem:s6+$0xD0]  }
0x222: {  	[tilespmem:s6+$0x60] =	vst v3;
	v3 =	vld [tilespmem:s6+$0xE0];
	v5 =	vmul.f32 $1.131370830e+01, v7  }
0x223: {  	s2 =	simm.s32 $0x0;
	s0 =	simm.s32 $0x6700;
	v6 =	vmul.f32 $1.131370830e+01, v8;
	[tilespmem:s6+$0x70] =	vst v4;
	v4 =	vld [tilespmem:s6+$0xFFFFFF00]  }
.LBB2_16:
0x224: {  	v7 =	vld [tilespmem:s0+$0xF0];
	s2 =	sadd.s32 $0x4, s2;
	[tilespmem:s6+$0x90] =	vst v5;
	v0 =	vmul.f32 $1.131370830e+01, v0  }
0x225: {  	v5 =	vld [tilespmem:s0+$0xFFFFFF10];
	p0 =	slt.u32 s2, $0x7C;
	[tilespmem:s6+$0xA0] =	vst v6;
	v1 =	vmul.f32 $1.131370830e+01, v1  }
0x226: {  	v6 =	vld [tilespmem:s0+$0xFFFFFF20];
	[tilespmem:s6+$0xB0] =	vst v0;
	v0 =	vmul.f32 $1.131370830e+01, v2  }
0x227: {  	v2 =	vld [tilespmem:s0+$0xFFFFFF30];
	[tilespmem:s6+$0xC0] =	vst v1;
	v1 =	vmul.f32 $1.131370830e+01, v3  }
0x228: {  	v3 =	vld [tilespmem:s0+$0xFFFFFF40];
	v4 =	vmul.f32 $1.131370830e+01, v4;
	[tilespmem:s6+$0xD0] =	vst v0  }
0x229: {  	v0 =	vld [tilespmem:s0+$0xFFFFFF50];
	v7 =	vmul.f32 $1.131370830e+01, v7;
	[tilespmem:s6+$0xE0] =	vst v1  }
0x22a: {  	v1 =	vmul.f32 $1.131370830e+01, v5;
	v5 =	vld [tilespmem:s0+$0xFFFFFF60];
	[tilespmem:s6+$0xFFFFFF00] =	vst v4;
	s6 =	smov.u32 s0  }
0x22b: {  	v4 =	vmul.f32 $1.131370830e+01, v6;
	v6 =	vld [tilespmem:s0+$0xFFFFFF70];
	[tilespmem:s0+$0xF0] =	vst v7  }
0x22c: {  	[tilespmem:s0+$0xFFFFFF10] =	vst v1;
	v1 =	vmul.f32 $1.131370830e+01, v2;
	v2 =	vld [tilespmem:s0+$0xFFFFFF80]  }
0x22d: {  	[tilespmem:s0+$0xFFFFFF20] =	vst v4;
	v3 =	vmul.f32 $1.131370830e+01, v3;
	v4 =	vld [tilespmem:s0+$0xFFFFFF90]  }
0x22e: {  	[tilespmem:s0+$0xFFFFFF30] =	vst v1;
	v0 =	vmul.f32 $1.131370830e+01, v0;
	v1 =	vld [tilespmem:s0+$0xFFFFFFA0]  }
0x22f: {  	[tilespmem:s0+$0xFFFFFF40] =	vst v3;
	v3 =	vmul.f32 $1.131370830e+01, v5;
	v5 =	vld [tilespmem:s0+$0xFFFFFFB0]  }
0x230: {  	[tilespmem:s0+$0xFFFFFF50] =	vst v0;
	v0 =	vmul.f32 $1.131370830e+01, v6;
	v6 =	vld [tilespmem:s0+$0xFFFFFFC0]  }
0x231: {  	[tilespmem:s0+$0xFFFFFF60] =	vst v3;
	v2 =	vmul.f32 $1.131370830e+01, v2;
	v3 =	vld [tilespmem:s0+$0xFFFFFFD0]  }
0x232: {  	[tilespmem:s0+$0xFFFFFF70] =	vst v0;
	v0 =	vmul.f32 $1.131370830e+01, v4;
	v4 =	vld [tilespmem:s0+$0xFFFFFFE0]  }
0x233: {  	[tilespmem:s0+$0xFFFFFF80] =	vst v2;
	v1 =	vmul.f32 $1.131370830e+01, v1;
	v2 =	vld [tilespmem:s0+$0xFFFFFFF0]  }
0x234: {  	[tilespmem:s0+$0xFFFFFF90] =	vst v0;
	v0 =	vmul.f32 $1.131370830e+01, v5;
	v5 =	vld [tilespmem:s0+$0x0]  }
0x235: {  	[tilespmem:s0+$0xFFFFFFA0] =	vst v1;
	v1 =	vmul.f32 $1.131370830e+01, v6;
	v6 =	vld [tilespmem:s0+$0x10]  }
0x236: {  	[tilespmem:s0+$0xFFFFFFB0] =	vst v0;
	v0 =	vmul.f32 $1.131370830e+01, v3;
	v3 =	vld [tilespmem:s0+$0x20]  }
0x237: {  	[tilespmem:s0+$0xFFFFFFC0] =	vst v1;
	v1 =	vmul.f32 $1.131370830e+01, v4;
	v4 =	vld [tilespmem:s0+$0x30]  }
0x238: {  	[tilespmem:s0+$0xFFFFFFD0] =	vst v0;
	v0 =	vmul.f32 $1.131370830e+01, v2;
	v2 =	vld [tilespmem:s0+$0x40]  }
0x239: {  	[tilespmem:s0+$0xFFFFFFE0] =	vst v1;
	v1 =	vmul.f32 $1.131370830e+01, v5;
	v5 =	vld [tilespmem:s0+$0x50]  }
0x23a: {  	[tilespmem:s0+$0xFFFFFFF0] =	vst v0;
	v0 =	vmul.f32 $1.131370830e+01, v6;
	v6 =	vld [tilespmem:s0+$0x60]  }
0x23b: {  	[tilespmem:s0+$0x0] =	vst v1;
	v1 =	vmul.f32 $1.131370830e+01, v3;
	v3 =	vld [tilespmem:s0+$0x70]  }
0x23c: {  	[tilespmem:s0+$0x10] =	vst v0;
	v0 =	vmul.f32 $1.131370830e+01, v4;
	v4 =	vld [tilespmem:s0+$0x80]  }
0x23d: {  	[tilespmem:s0+$0x20] =	vst v1;
	v1 =	vmul.f32 $1.131370830e+01, v2;
	v7 =	vld [tilespmem:s0+$0x90]  }
0x23e: {  	[tilespmem:s0+$0x30] =	vst v0;
	v2 =	vmul.f32 $1.131370830e+01, v5;
	v8 =	vld [tilespmem:s0+$0xA0]  }
.Ltmp7:
0x23f: {  	[tilespmem:s0+$0x40] =	vst v1;
	v5 =	vmul.f32 $1.131370830e+01, v6;
	v0 =	vld [tilespmem:s0+$0xB0];
	(pc) =	sbr.rel @p0 .LBB2_16-.Ltmp7, $4  }
0x240: {  	[tilespmem:s0+$0x50] =	vst v2;
	v3 =	vmul.f32 $1.131370830e+01, v3;
	v1 =	vld [tilespmem:s0+$0xC0]  }
0x241: {  	[tilespmem:s0+$0x60] =	vst v5;
	v6 =	vmul.f32 $1.131370830e+01, v4;
	v2 =	vld [tilespmem:s0+$0xD0]  }
0x242: {  	[tilespmem:s0+$0x70] =	vst v3;
	v5 =	vmul.f32 $1.131370830e+01, v7;
	v3 =	vld [tilespmem:s0+$0xE0]  }
0x243: {  	s0 =	sadd.s32 $0x200, s0;
	v4 =	vld [tilespmem:s6+$0xFFFFFF00];
	[tilespmem:s6+$0x80] =	vst v6;
	v6 =	vmul.f32 $1.131370830e+01, v8  }
0x244: {  	[tilespmem:s6+$0x90] =	vst v5;
	v0 =	vmul.f32 $1.131370830e+01, v0  }
0x245: {  	[tilespmem:s6+$0xA0] =	vst v6;
	v1 =	vmul.f32 $1.131370830e+01, v1  }
0x246: {  	[tilespmem:s6+$0xB0] =	vst v0;
	v0 =	vmul.f32 $1.131370830e+01, v2  }
0x247: {  	[tilespmem:s6+$0xC0] =	vst v1;
	v1 =	vmul.f32 $1.131370830e+01, v3  }
0x248: {  	v2 =	vmul.f32 $1.131370830e+01, v4;
	[tilespmem:s6+$0xD0] =	vst v0  }
0x249: {  	[tilespmem:s6+$0xE0] =	vst v1  }
0x24a: {  	[tilespmem:s6+$0xFFFFFF00] =	vst v2  }
0x24b: {  	s0 =	rddreg [dreg:$0x5]  }
0x24c: {  	[hbm4b:s0+s4] =	stream.linear.scatter [tilespmem:s14], [sflag:$0x7], $0x4000, $0x38;
	[tilespmem:$0x1E400] =	vst v63  }
0x24d: {  	_ =	swait.ge [sflag:s20], $0x4000  }
0x24e: {  	[sflag:s20] =	ssyncset.done $0x0  }
0x24f: {  	s31 =	simm.s32 $0xB;
	[sflag:s20] =	ssyncadd.s32 $0xFFFFC000  }
0x250: {  	_ =	swait.ge [sflag:s31], $0x4000  }
0x251: {  	[sflag:s31] =	ssyncset.done $0x0  }
0x252: {  	s6 =	simm.s32 $0xA500;
	[sflag:s31] =	ssyncadd.s32 $0xFFFFC000  }
0x253: {  	v0 =	vld [tilespmem:s6+$0xF0]  }
0x254: {  	v1 =	vld [tilespmem:s6+$0xFFFFFF10]  }
0x255: {  	v2 =	vld [tilespmem:s6+$0xFFFFFF20]  }
0x256: {  	v3 =	vld [tilespmem:s6+$0xFFFFFF30]  }
0x257: {  	v6 =	vld [tilespmem:s6+$0xFFFFFF60]  }
0x258: {  	v4 =	vld [tilespmem:s6+$0xFFFFFF40]  }
0x259: {  	v5 =	vld [tilespmem:s6+$0xFFFFFF50];
	v0 =	vmul.f32 $1.131370830e+01, v0  }
0x25a: {  	v8 =	vld [tilespmem:s6+$0xFFFFFF80];
	v1 =	vmul.f32 $1.131370830e+01, v1  }
0x25b: {  	v7 =	vld [tilespmem:s6+$0xFFFFFF70];
	v2 =	vmul.f32 $1.131370830e+01, v2;
	[tilespmem:s6+$0xF0] =	vst v0  }
0x25c: {  	v6 =	vmul.f32 $1.131370830e+01, v6;
	v0 =	vld [tilespmem:s6+$0xFFFFFF90];
	[tilespmem:s6+$0xFFFFFF10] =	vst v1  }
0x25d: {  	v1 =	vmul.f32 $1.131370830e+01, v3;
	v3 =	vld [tilespmem:s6+$0xFFFFFFA0];
	[tilespmem:s6+$0xFFFFFF20] =	vst v2;
	v2 =	vmul.f32 $1.131370830e+01, v4  }
0x25e: {  	[tilespmem:s6+$0xFFFFFF60] =	vst v6;
	v6 =	vld [tilespmem:s6+$0xFFFFFFF0]  }
0x25f: {  	v4 =	vld [tilespmem:s6+$0xFFFFFFB0];
	[tilespmem:s6+$0xFFFFFF40] =	vst v2;
	v2 =	vmul.f32 $1.131370830e+01, v8  }
0x260: {  	[tilespmem:s6+$0xFFFFFF30] =	vst v1;
	v1 =	vmul.f32 $1.131370830e+01, v5;
	v5 =	vld [tilespmem:s6+$0xFFFFFFC0]  }
0x261: {  	v8 =	vld [tilespmem:s6+$0xFFFFFFD0];
	[tilespmem:s6+$0xFFFFFF80] =	vst v2;
	v2 =	vmul.f32 $1.131370830e+01, v7  }
0x262: {  	[tilespmem:s6+$0xFFFFFF50] =	vst v1;
	v1 =	vld [tilespmem:s6+$0xFFFFFFE0];
	v0 =	vmul.f32 $1.131370830e+01, v0  }
0x263: {  	v7 =	vld [tilespmem:s6+$0x30];
	v6 =	vmul.f32 $1.131370830e+01, v6;
	[tilespmem:s6+$0xFFFFFF70] =	vst v2  }
0x264: {  	v2 =	vmul.f32 $1.131370830e+01, v3;
	v3 =	vld [tilespmem:s6+$0x0];
	[tilespmem:s6+$0xFFFFFF90] =	vst v0  }
0x265: {  	v0 =	vmul.f32 $1.131370830e+01, v4;
	v4 =	vld [tilespmem:s6+$0x10];
	[tilespmem:s6+$0xFFFFFFF0] =	vst v6  }
0x266: {  	[tilespmem:s6+$0xFFFFFFA0] =	vst v2;
	v2 =	vmul.f32 $1.131370830e+01, v5;
	v5 =	vld [tilespmem:s6+$0x20]  }
0x267: {  	v6 =	vld [tilespmem:s6+$0x80];
	[tilespmem:s6+$0xFFFFFFB0] =	vst v0;
	v0 =	vmul.f32 $1.131370830e+01, v8  }
0x268: {  	v1 =	vmul.f32 $1.131370830e+01, v1;
	[tilespmem:s6+$0xFFFFFFC0] =	vst v2;
	v2 =	vld [tilespmem:s6+$0x40]  }
0x269: {  	[tilespmem:s6+$0xFFFFFFD0] =	vst v0;
	v0 =	vmul.f32 $1.131370830e+01, v3  }
0x26a: {  	v3 =	vld [tilespmem:s6+$0x50];
	[tilespmem:s6+$0xFFFFFFE0] =	vst v1;
	v4 =	vmul.f32 $1.131370830e+01, v4  }
0x26b: {  	v1 =	vld [tilespmem:s6+$0x60];
	[tilespmem:s6+$0x0] =	vst v0;
	v0 =	vmul.f32 $1.131370830e+01, v5  }
0x26c: {  	v6 =	vmul.f32 $1.131370830e+01, v6;
	v5 =	vld [tilespmem:s6+$0x70];
	[tilespmem:s6+$0x10] =	vst v4  }
0x26d: {  	v4 =	vmul.f32 $1.131370830e+01, v7;
	v7 =	vld [tilespmem:s6+$0x90];
	[tilespmem:s6+$0x20] =	vst v0;
	v0 =	vmul.f32 $1.131370830e+01, v2  }
0x26e: {  	v8 =	vld [tilespmem:s6+$0xA0];
	[tilespmem:s6+$0x80] =	vst v6  }
0x26f: {  	v2 =	vmul.f32 $1.131370830e+01, v3;
	[tilespmem:s6+$0x40] =	vst v0;
	v0 =	vld [tilespmem:s6+$0xB0]  }
0x270: {  	[tilespmem:s6+$0x30] =	vst v4;
	v3 =	vmul.f32 $1.131370830e+01, v1;
	v1 =	vld [tilespmem:s6+$0xC0]  }
0x271: {  	[tilespmem:s6+$0x50] =	vst v2;
	v4 =	vmul.f32 $1.131370830e+01, v5;
	v2 =	vld [tilespmem:s6+$0xD0]  }
0x272: {  	[tilespmem:s6+$0x60] =	vst v3;
	v3 =	vld [tilespmem:s6+$0xE0];
	v5 =	vmul.f32 $1.131370830e+01, v7  }
0x273: {  	s2 =	simm.s32 $0x0;
	s0 =	simm.s32 $0xA700;
	v6 =	vmul.f32 $1.131370830e+01, v8;
	[tilespmem:s6+$0x70] =	vst v4;
	v4 =	vld [tilespmem:s6+$0xFFFFFF00]  }
.LBB2_18:
0x274: {  	v7 =	vld [tilespmem:s0+$0xF0];
	s2 =	sadd.s32 $0x4, s2;
	[tilespmem:s6+$0x90] =	vst v5;
	v0 =	vmul.f32 $1.131370830e+01, v0  }
0x275: {  	v5 =	vld [tilespmem:s0+$0xFFFFFF10];
	p0 =	slt.u32 s2, $0x7C;
	[tilespmem:s6+$0xA0] =	vst v6;
	v1 =	vmul.f32 $1.131370830e+01, v1  }
0x276: {  	v6 =	vld [tilespmem:s0+$0xFFFFFF20];
	[tilespmem:s6+$0xB0] =	vst v0;
	v0 =	vmul.f32 $1.131370830e+01, v2  }
0x277: {  	v2 =	vld [tilespmem:s0+$0xFFFFFF30];
	[tilespmem:s6+$0xC0] =	vst v1;
	v1 =	vmul.f32 $1.131370830e+01, v3  }
0x278: {  	v3 =	vld [tilespmem:s0+$0xFFFFFF40];
	v4 =	vmul.f32 $1.131370830e+01, v4;
	[tilespmem:s6+$0xD0] =	vst v0  }
0x279: {  	v0 =	vld [tilespmem:s0+$0xFFFFFF50];
	v7 =	vmul.f32 $1.131370830e+01, v7;
	[tilespmem:s6+$0xE0] =	vst v1  }
0x27a: {  	v1 =	vmul.f32 $1.131370830e+01, v5;
	v5 =	vld [tilespmem:s0+$0xFFFFFF60];
	[tilespmem:s6+$0xFFFFFF00] =	vst v4;
	s6 =	smov.u32 s0  }
0x27b: {  	v4 =	vmul.f32 $1.131370830e+01, v6;
	v6 =	vld [tilespmem:s0+$0xFFFFFF70];
	[tilespmem:s0+$0xF0] =	vst v7  }
0x27c: {  	[tilespmem:s0+$0xFFFFFF10] =	vst v1;
	v1 =	vmul.f32 $1.131370830e+01, v2;
	v2 =	vld [tilespmem:s0+$0xFFFFFF80]  }
0x27d: {  	[tilespmem:s0+$0xFFFFFF20] =	vst v4;
	v3 =	vmul.f32 $1.131370830e+01, v3;
	v4 =	vld [tilespmem:s0+$0xFFFFFF90]  }
0x27e: {  	[tilespmem:s0+$0xFFFFFF30] =	vst v1;
	v0 =	vmul.f32 $1.131370830e+01, v0;
	v1 =	vld [tilespmem:s0+$0xFFFFFFA0]  }
0x27f: {  	[tilespmem:s0+$0xFFFFFF40] =	vst v3;
	v3 =	vmul.f32 $1.131370830e+01, v5;
	v5 =	vld [tilespmem:s0+$0xFFFFFFB0]  }
0x280: {  	[tilespmem:s0+$0xFFFFFF50] =	vst v0;
	v0 =	vmul.f32 $1.131370830e+01, v6;
	v6 =	vld [tilespmem:s0+$0xFFFFFFC0]  }
0x281: {  	[tilespmem:s0+$0xFFFFFF60] =	vst v3;
	v2 =	vmul.f32 $1.131370830e+01, v2;
	v3 =	vld [tilespmem:s0+$0xFFFFFFD0]  }
0x282: {  	[tilespmem:s0+$0xFFFFFF70] =	vst v0;
	v0 =	vmul.f32 $1.131370830e+01, v4;
	v4 =	vld [tilespmem:s0+$0xFFFFFFE0]  }
0x283: {  	[tilespmem:s0+$0xFFFFFF80] =	vst v2;
	v1 =	vmul.f32 $1.131370830e+01, v1;
	v2 =	vld [tilespmem:s0+$0xFFFFFFF0]  }
0x284: {  	[tilespmem:s0+$0xFFFFFF90] =	vst v0;
	v0 =	vmul.f32 $1.131370830e+01, v5;
	v5 =	vld [tilespmem:s0+$0x0]  }
0x285: {  	[tilespmem:s0+$0xFFFFFFA0] =	vst v1;
	v1 =	vmul.f32 $1.131370830e+01, v6;
	v6 =	vld [tilespmem:s0+$0x10]  }
0x286: {  	[tilespmem:s0+$0xFFFFFFB0] =	vst v0;
	v0 =	vmul.f32 $1.131370830e+01, v3;
	v3 =	vld [tilespmem:s0+$0x20]  }
0x287: {  	[tilespmem:s0+$0xFFFFFFC0] =	vst v1;
	v1 =	vmul.f32 $1.131370830e+01, v4;
	v4 =	vld [tilespmem:s0+$0x30]  }
0x288: {  	[tilespmem:s0+$0xFFFFFFD0] =	vst v0;
	v0 =	vmul.f32 $1.131370830e+01, v2;
	v2 =	vld [tilespmem:s0+$0x40]  }
0x289: {  	[tilespmem:s0+$0xFFFFFFE0] =	vst v1;
	v1 =	vmul.f32 $1.131370830e+01, v5;
	v5 =	vld [tilespmem:s0+$0x50]  }
0x28a: {  	[tilespmem:s0+$0xFFFFFFF0] =	vst v0;
	v0 =	vmul.f32 $1.131370830e+01, v6;
	v6 =	vld [tilespmem:s0+$0x60]  }
0x28b: {  	[tilespmem:s0+$0x0] =	vst v1;
	v1 =	vmul.f32 $1.131370830e+01, v3;
	v3 =	vld [tilespmem:s0+$0x70]  }
0x28c: {  	[tilespmem:s0+$0x10] =	vst v0;
	v0 =	vmul.f32 $1.131370830e+01, v4;
	v4 =	vld [tilespmem:s0+$0x80]  }
0x28d: {  	[tilespmem:s0+$0x20] =	vst v1;
	v1 =	vmul.f32 $1.131370830e+01, v2;
	v7 =	vld [tilespmem:s0+$0x90]  }
0x28e: {  	[tilespmem:s0+$0x30] =	vst v0;
	v2 =	vmul.f32 $1.131370830e+01, v5;
	v8 =	vld [tilespmem:s0+$0xA0]  }
.Ltmp8:
0x28f: {  	[tilespmem:s0+$0x40] =	vst v1;
	v5 =	vmul.f32 $1.131370830e+01, v6;
	v0 =	vld [tilespmem:s0+$0xB0];
	(pc) =	sbr.rel @p0 .LBB2_18-.Ltmp8, $4  }
0x290: {  	[tilespmem:s0+$0x50] =	vst v2;
	v3 =	vmul.f32 $1.131370830e+01, v3;
	v1 =	vld [tilespmem:s0+$0xC0]  }
0x291: {  	[tilespmem:s0+$0x60] =	vst v5;
	v6 =	vmul.f32 $1.131370830e+01, v4;
	v2 =	vld [tilespmem:s0+$0xD0]  }
0x292: {  	[tilespmem:s0+$0x70] =	vst v3;
	v5 =	vmul.f32 $1.131370830e+01, v7;
	v3 =	vld [tilespmem:s0+$0xE0]  }
0x293: {  	s0 =	sadd.s32 $0x200, s0;
	v4 =	vld [tilespmem:s6+$0xFFFFFF00];
	[tilespmem:s6+$0x80] =	vst v6;
	v6 =	vmul.f32 $1.131370830e+01, v8  }
0x294: {  	[tilespmem:s6+$0x90] =	vst v5;
	v0 =	vmul.f32 $1.131370830e+01, v0  }
0x295: {  	[tilespmem:s6+$0xA0] =	vst v6;
	v1 =	vmul.f32 $1.131370830e+01, v1  }
0x296: {  	[tilespmem:s6+$0xB0] =	vst v0;
	v61 =	vmul.f32 $1.131370830e+01, v2  }
0x297: {  	[tilespmem:s6+$0xC0] =	vst v1;
	v62 =	vmul.f32 $1.131370830e+01, v3  }
0x298: {  	v63 =	vmul.f32 $1.131370830e+01, v4;
	[tilespmem:s6+$0xD0] =	vst v61  }
0x299: {  	[tilespmem:s6+$0xE0] =	vst v62  }
0x29a: {  	[tilespmem:s6+$0xFFFFFF00] =	vst v63  }
0x29b: {  	s12 =	simm.s32 $0xC;
	s0 =	rddreg [dreg:$0x6]  }
0x29c: {  	[hbm4b:s0+s4] =	stream.linear.scatter [tilespmem:s15], [sflag:$0x8], $0x4000, $0x38;
	[tilespmem:$0x1E400] =	vst v63  }
0x29d: {  	_ =	swait.ge [sflag:s12], $0x4000  }
0x29e: {  	[sflag:s12] =	ssyncset.done $0x0  }
0x29f: {  	[sflag:s12] =	ssyncadd.s32 $0xFFFFC000  }
0x2a0: {  	_ =	swait.ge [sflag:s25], $0x4000  }
0x2a1: {  	[sflag:s25] =	ssyncset.done $0x0  }
0x2a2: {  	[sflag:s25] =	ssyncadd.s32 $0xFFFFC000  }
0x2a3: {  	_ =	swait.ge [sflag:s28], $0x4000  }
0x2a4: {  	s16 =	sadd.s32 $0x1, s16;
	s31 =	rddreg [dreg:$0x7]  }
0x2a5: {  	p0 =	sne.s32 s16, s31  }
.Ltmp9:
0x2a6: {  	_ = 	snop;
	(pc) =	sbr.rel @p0 .LBB2_1-.Ltmp9, $3  }
0x2a7: {  	_ =	sdelay $0x1  }
0x2a8: {  	[sflag:s28] =	ssyncset.done $0x0  }
0x2a9: {  	[sflag:s28] =	ssyncadd.s32 $0xFFFFC000  }
0x2aa: {  	_ =	sfence.sel $0x180000  }
0x2ab: {  	[bflag:$0x0] =	sbarrier.arrive $0xFFFF  }
0x2ac: {  	_ =	strace $0x90000047  }
0x2ad: {  	s0 =	stileid.u32;
	[bflag:$0x2] =	sbarrier.arrive $0xFFFF  }
0x2ae: {  	p0 =	sne.s32 s0, $0x0;
	s0 =	rddreg [dreg:$0x3]  }
0x2af: {  	s0 =	sadd.s32 @!p0 $0x100000, s0  }
0x2b0: {  	[sflag:s0] =	ssyncadd.tile.s32 @!p0 $0x1;
	_ =	shalt  }
.Lfunc_end2:
_tile_overlayer_lowered:
.L_overlay_start_2:
0x2b1: {  	(tag) =	ssettag $0x2  }
0x2b2: {  	s0 =	rddreg [dreg:$0x0];
	s2 =	stileid.u32  }
0x2b3: {  	s1 =	rddreg [dreg:$0x1];
	p0 =	sne.s32 s2, $0x0  }
0x2b4: {  	s3 =	rddreg [dreg:$0x2];
	[bflag:$0x3] =	sbarrier.arrive $0xFFFF;
	s2 =	simm.s32 @!p0 $0x1C0D  }
0x2b5: {  	[timem:s3], [sflag:s2] =	dma.local @!p0 [hbm:s0], s1  }
0x2b6: {  	s0 =	simm.s32 @!p0 $0xD  }
0x2b7: {  	_ =	swait.ge @!p0 [sflag:s0], s1  }
0x2b8: {  	s1 =	ssub.s32 @!p0 $0x0, s1;
	[sflag:s0] =	ssyncset.done @!p0 $0x0  }
0x2b9: {  	[sflag:s0] =	ssyncadd.s32 @!p0 s1  }
0x2ba: {  	[bflag:$0x3] =	sbarrier.arrive $0xFFFF  }
0x2bb: {  	_ =	shalt  }

</sc_bundles>
